<compile_context>
chip_gen: v7x
topology: tpu7x:2x2x1
jax: 0.10.2.dev20260603
libtpu: 0.0.44.dev20260713+nightly
codegen_flags: <defaults>
</compile_context>

<pallas_src>
import functools

import jax
import jax.numpy as jnp
from jax import lax
from jax.experimental import pallas as pl
from jax.experimental.pallas import tpu as pltpu
from jax.experimental.pallas import tpu_sc as plsc

BATCH = 16384
SEQ = 20
EMB_SIZE = 512
EMB_DIM = 4

_BB = 2048
_BIG = 128.0


def _dp_body(a_ref, b_ref, out_ref):
    a = a_ref[...].astype(jnp.bfloat16)
    b = b_ref[...].astype(jnp.bfloat16)
    bb = a.shape[1]
    one = jnp.bfloat16(1)
    r = jnp.zeros((SEQ + 1, bb), jnp.bfloat16)
    for i in range(SEQ):
        cm1 = jnp.where(a[i:i + 1, :] != b, jnp.bfloat16(0),
                        jnp.bfloat16(-1))
        u = jnp.minimum(
            r + one,
            jnp.concatenate([jnp.full((1, bb), i + 1, jnp.bfloat16),
                             r[:SEQ, :] + cm1], axis=0))
        for s in (1, 2, 4, 8, 16):
            shifted = jnp.concatenate(
                [jnp.full((s, bb), _BIG, jnp.bfloat16), u[:SEQ + 1 - s, :]],
                axis=0)
            u = jnp.minimum(u, shifted)
        r = u
    dist = r[SEQ, :].astype(jnp.int32) + SEQ
    out_ref[...] = jnp.minimum(dist, EMB_SIZE - 1).reshape(1, bb)


def _edit_distance_ids(a_t, b_t):
    grid = BATCH // _BB
    out = pl.pallas_call(
        _dp_body,
        grid=(grid,),
        in_specs=[
            pl.BlockSpec((SEQ, _BB), lambda i: (0, i)),
            pl.BlockSpec((SEQ, _BB), lambda i: (0, i)),
        ],
        out_specs=pl.BlockSpec((1, _BB), lambda i: (0, i)),
        out_shape=jax.ShapeDtypeStruct((1, BATCH), jnp.int32),
    )(a_t, b_t)
    return out.reshape(BATCH)


_NC = 2
_NS = 16
_NW = _NC * _NS
_L = 16
_CHUNK = BATCH // _NW


@functools.cache
def _sc_gather_fn():
    mesh = plsc.VectorSubcoreMesh(
        core_axis_name="c", subcore_axis_name="s",
        num_cores=_NC, num_subcores=_NS)

    @functools.partial(
        pl.kernel,
        mesh=mesh,
        out_type=jax.ShapeDtypeStruct((BATCH // 128, EMB_DIM, 128), jnp.float32),
        scratch_types=[
            pltpu.VMEM((EMB_SIZE * EMB_DIM,), jnp.float32),
            pltpu.VMEM((_CHUNK,), jnp.int32),
            pltpu.VMEM((_CHUNK // 128, EMB_DIM, 128), jnp.float32),
        ],
        compiler_params=pltpu.CompilerParams(
            use_tc_tiling_on_sc=False, needs_layout_passes=False),
    )
    def _sc_gather(table_hbm, ids_hbm, out_hbm, table_v, ids_v, out_v):
        wid = lax.axis_index("s") * _NC + lax.axis_index("c")
        base = wid * _CHUNK
        pltpu.sync_copy(table_hbm, table_v)
        pltpu.sync_copy(ids_hbm.at[pl.ds(base, _CHUNK)], ids_v)
        for g in range(_CHUNK // _L):
            ids16 = ids_v[pl.ds(g * _L, _L)]
            rowbase = (ids16 >> 7) * (EMB_DIM * 128) + (ids16 & 127)
            for c in range(EMB_DIM):
                vals = plsc.load_gather(table_v, [rowbase + c * 128])
                out_v[g // 8, c, pl.ds((g % 8) * _L, _L)] = vals
        pltpu.sync_copy(
            out_v, out_hbm.at[pl.ds(wid * (_CHUNK // 128), _CHUNK // 128)])

    return _sc_gather


def kernel(input1, input2, embedding_table):
    ids = _edit_distance_ids(input1.T, input2.T)
    table_perm = jnp.swapaxes(
        embedding_table.reshape(EMB_SIZE // 128, 128, EMB_DIM), 1, 2
    ).reshape(-1)
    out3 = _sc_gather_fn()(table_perm, ids)
    return jnp.swapaxes(out3, 1, 2).reshape(BATCH, EMB_DIM)

# --- scband reference (transcript-rebuilt; emitter-appended) ---
"""Pipeline reference for scband-edit-distance-18391049961656 (READ-ONLY COPY).

The authoritative reference and input builder live on the scoring server;
editing this copy changes nothing except your own understanding.
"""

import jax, jax.numpy as jnp
import numpy as np

BATCH = 16384
SEQ = 20
EMB_SIZE = 512
EMB_DIM = 4

def setup_inputs(seed: int = 0) -> dict:
    key = jax.random.key(seed)
    k1, k2, k3 = jax.random.split(key, 3)
    input1 = jax.random.randint(k1, (BATCH, SEQ), 0, 256, dtype=jnp.int32)
    input2 = jax.random.randint(k2, (BATCH, SEQ), 0, 256, dtype=jnp.int32)
    embedding_table = jax.random.normal(k3, (EMB_SIZE, EMB_DIM), dtype=jnp.float32)
    return {"input1": input1, "input2": input2, "embedding_table": embedding_table}

def _levenshtein(a, b):
    # Batched Levenshtein edit distance between integer token sequences
    # (faithful stand-in for the custom my_edit_distance op on utf-8 codepoints).
    B, L1 = a.shape
    L2 = b.shape[1]
    init_row = jnp.broadcast_to(jnp.arange(L2 + 1, dtype=jnp.int32), (B, L2 + 1))
    def outer(prev_row, i):
        ai = jax.lax.dynamic_index_in_dim(a, i, axis=1, keepdims=False)  # [B]
        cost = (ai[:, None] != b).astype(jnp.int32)  # [B, L2]
        start = jnp.broadcast_to(i + 1, (B,)).astype(jnp.int32)
        def inner(left, j):
            up = jax.lax.dynamic_index_in_dim(prev_row, j + 1, axis=1, keepdims=False)
            diag = jax.lax.dynamic_index_in_dim(prev_row, j, axis=1, keepdims=False)
            c = jax.lax.dynamic_index_in_dim(cost, j, axis=1, keepdims=False)
            val = jnp.minimum(jnp.minimum(up + 1, left + 1), diag + c)
            return val, val
        _, vals = jax.lax.scan(inner, start, jnp.arange(L2))
        new_row = jnp.concatenate([start[:, None], vals.T], axis=1)
        return new_row, None
    final_row, _ = jax.lax.scan(outer, init_row, jnp.arange(L1))
    return final_row[:, -1]

def reference(input1, input2, embedding_table):
    dist = _levenshtein(input1, input2)  # int32[B]
    ids = jnp.clip(dist, 0, embedding_table.shape[0] - 1)
    embed = jnp.take(embedding_table, ids, axis=0)  # [B, EMB_DIM]
    return embed

if __name__ == "__main__":
    import jax
    _d = setup_inputs()
    print(jax.jit(kernel)(*tuple(_d.values())))

</pallas_src>

<mosaic_0001>
#map = affine_map<(d0, d1) -> (0)>
#map1 = affine_map<(d0, d1) -> (0, 0, 0)>
module attributes {stable_mosaic.version = 14 : i64} {
  func.func @_sc_gather(%arg0: i32, %arg1: i32, %arg2: memref<2048xf32, #tpu.memory_space<hbm>>, %arg3: memref<16384xi32, #tpu.memory_space<hbm>>, %arg4: memref<128x4x128xf32, #tpu.memory_space<hbm>>, %arg5: memref<2048xf32, #tpu.memory_space<vmem>>, %arg6: memref<512xi32, #tpu.memory_space<vmem>>, %arg7: memref<4x4x128xf32, #tpu.memory_space<vmem>>) attributes {dimension_semantics = [#tpu.dimension_semantics<core_parallel>, #tpu.dimension_semantics<subcore_parallel>], iteration_bounds = array<i64: 2, 16>, scalar_prefetch = 0 : i64, scratch_operands = 3 : i64, tpu.core_type = #tpu.core_type<sc_vector_subcore>, window_params = [{transform_indices = #map}, {transform_indices = #map}, {transform_indices = #map1}]} {
    %mul3A = arith.constant 2 : i32
    %mul3A_0 = arith.muli %arg1, %mul3A : i32
    %add3A = arith.addi %mul3A_0, %arg0 : i32
    %mul3A_1 = arith.constant 512 : i32
    %mul3A_2 = arith.muli %add3A, %mul3A_1 : i32
    "tpu.region"() ({
      %run_scoped3A = tpu.sem_alloc : memref<!tpu.dma_semaphore, #tpu.memory_space<semaphore_mem>>
      tpu.enqueue_dma source(%arg2 : memref<2048xf32, #tpu.memory_space<hbm>>) target(%arg5 : memref<2048xf32, #tpu.memory_space<vmem>>) target_semaphore(%run_scoped3A : memref<!tpu.dma_semaphore, #tpu.memory_space<semaphore_mem>>)
      tpu.wait_dma2 semaphore(%run_scoped3A : memref<!tpu.dma_semaphore, #tpu.memory_space<semaphore_mem>>) src(%arg2 : memref<2048xf32, #tpu.memory_space<hbm>>) dst(%arg5 : memref<2048xf32, #tpu.memory_space<vmem>>)
      tpu.yield
    }) : () -> ()
    "tpu.region"() ({
      %run_scoped3A = tpu.sem_alloc : memref<!tpu.dma_semaphore, #tpu.memory_space<semaphore_mem>>
      %dma_start3A = tpu.memref_slice %arg3[%mul3A_2] : memref<16384xi32, #tpu.memory_space<hbm>> -> memref<512xi32, #tpu.memory_space<hbm>>
      %dma_start3A_1664 = tpu.memref_slice %arg3[%mul3A_2] : memref<16384xi32, #tpu.memory_space<hbm>> -> memref<512xi32, #tpu.memory_space<hbm>>
      tpu.enqueue_dma source(%dma_start3A_1664 : memref<512xi32, #tpu.memory_space<hbm>>) target(%arg6 : memref<512xi32, #tpu.memory_space<vmem>>) target_semaphore(%run_scoped3A : memref<!tpu.dma_semaphore, #tpu.memory_space<semaphore_mem>>)
      %dma_wait3A = tpu.memref_slice %arg3[%mul3A_2] : memref<16384xi32, #tpu.memory_space<hbm>> -> memref<512xi32, #tpu.memory_space<hbm>>
      %dma_wait3A_1665 = tpu.memref_slice %arg3[%mul3A_2] : memref<16384xi32, #tpu.memory_space<hbm>> -> memref<512xi32, #tpu.memory_space<hbm>>
      tpu.wait_dma2 semaphore(%run_scoped3A : memref<!tpu.dma_semaphore, #tpu.memory_space<semaphore_mem>>) src(%dma_wait3A_1665 : memref<512xi32, #tpu.memory_space<hbm>>) dst(%arg6 : memref<512xi32, #tpu.memory_space<vmem>>)
      tpu.yield
    }) : () -> ()
    %get3A = arith.constant 0 : index
    %get3A_3 = tpu.vector_load %arg6[%get3A] {strides = array<i32>} : memref<512xi32, #tpu.memory_space<vmem>>, vector<16xi32>,
    %shift_right_arithmetic3A = arith.constant 7 : i32
    %shift_right_arithmetic3A_4 = vector.broadcast %shift_right_arithmetic3A : i32 to vector<16xi32>
    %shift_right_arithmetic3A_5 = arith.shrsi %get3A_3, %shift_right_arithmetic3A_4 : vector<16xi32>
    %mul3A_6 = arith.constant 512 : i32
    %mul3A_7 = vector.broadcast %mul3A_6 : i32 to vector<16xi32>
    %mul3A_8 = arith.muli %shift_right_arithmetic3A_5, %mul3A_7 : vector<16xi32>
    %and3A = arith.constant 127 : i32
    %and3A_9 = vector.broadcast %and3A : i32 to vector<16xi32>
    %and3A_10 = arith.andi %get3A_3, %and3A_9 : vector<16xi32>
    %add3A_11 = arith.addi %mul3A_8, %and3A_10 : vector<16xi32>
    %add3A_12 = arith.constant 0 : i32
    %add3A_13 = vector.broadcast %add3A_12 : i32 to vector<16xi32>
    %add3A_14 = arith.addi %add3A_11, %add3A_13 : vector<16xi32>
    %gather3A = tpu.vector_load_idx %arg5[%add3A_14] : memref<2048xf32, #tpu.memory_space<vmem>>[vector<16xi32>], vector<16xf32>,
    %swap3A = arith.constant 0 : i32
    %swap3A_15 = arith.constant 0 : i32
    %swap3A_16 = arith.index_cast %swap3A : i32 to index
    %swap3A_17 = arith.index_cast %swap3A_15 : i32 to index
    %swap3A_18 = arith.constant 0 : index
    %swap3A_19 = tpu.vector_load %arg7[%swap3A_16, %swap3A_17, %swap3A_18] {strides = array<i32>} : memref<4x4x128xf32, #tpu.memory_space<vmem>>, vector<16xf32>,
    tpu.vector_store %arg7[%swap3A_16, %swap3A_17, %swap3A_18], %gather3A {strides = array<i32>} : memref<4x4x128xf32, #tpu.memory_space<vmem>>, vector<16xf32>,
    %add3A_20 = arith.constant 128 : i32
    %add3A_21 = vector.broadcast %add3A_20 : i32 to vector<16xi32>
    %add3A_22 = arith.addi %add3A_11, %add3A_21 : vector<16xi32>
    %gather3A_23 = tpu.vector_load_idx %arg5[%add3A_22] : memref<2048xf32, #tpu.memory_space<vmem>>[vector<16xi32>], vector<16xf32>,
    %swap3A_24 = arith.constant 0 : i32
    %swap3A_25 = arith.constant 1 : i32
    %swap3A_26 = arith.index_cast %swap3A_24 : i32 to index
    %swap3A_27 = arith.index_cast %swap3A_25 : i32 to index
    %swap3A_28 = arith.constant 0 : index
    %swap3A_29 = tpu.vector_load %arg7[%swap3A_26, %swap3A_27, %swap3A_28] {strides = array<i32>} : memref<4x4x128xf32, #tpu.memory_space<vmem>>, vector<16xf32>,
    tpu.vector_store %arg7[%swap3A_26, %swap3A_27, %swap3A_28], %gather3A_23 {strides = array<i32>} : memref<4x4x128xf32, #tpu.memory_space<vmem>>, vector<16xf32>,
    %add3A_30 = arith.constant 256 : i32
    %add3A_31 = vector.broadcast %add3A_30 : i32 to vector<16xi32>
    %add3A_32 = arith.addi %add3A_11, %add3A_31 : vector<16xi32>
    %gather3A_33 = tpu.vector_load_idx %arg5[%add3A_32] : memref<2048xf32, #tpu.memory_space<vmem>>[vector<16xi32>], vector<16xf32>,
    %swap3A_34 = arith.constant 0 : i32
    %swap3A_35 = arith.constant 2 : i32
    %swap3A_36 = arith.index_cast %swap3A_34 : i32 to index
    %swap3A_37 = arith.index_cast %swap3A_35 : i32 to index
    %swap3A_38 = arith.constant 0 : index
    %swap3A_39 = tpu.vector_load %arg7[%swap3A_36, %swap3A_37, %swap3A_38] {strides = array<i32>} : memref<4x4x128xf32, #tpu.memory_space<vmem>>, vector<16xf32>,
    tpu.vector_store %arg7[%swap3A_36, %swap3A_37, %swap3A_38], %gather3A_33 {strides = array<i32>} : memref<4x4x128xf32, #tpu.memory_space<vmem>>, vector<16xf32>,
    %add3A_40 = arith.constant 384 : i32
    %add3A_41 = vector.broadcast %add3A_40 : i32 to vector<16xi32>
    %add3A_42 = arith.addi %add3A_11, %add3A_41 : vector<16xi32>
    %gather3A_43 = tpu.vector_load_idx %arg5[%add3A_42] : memref<2048xf32, #tpu.memory_space<vmem>>[vector<16xi32>], vector<16xf32>,
    %swap3A_44 = arith.constant 0 : i32
    %swap3A_45 = arith.constant 3 : i32
    %swap3A_46 = arith.index_cast %swap3A_44 : i32 to index
    %swap3A_47 = arith.index_cast %swap3A_45 : i32 to index
    %swap3A_48 = arith.constant 0 : index
    %swap3A_49 = tpu.vector_load %arg7[%swap3A_46, %swap3A_47, %swap3A_48] {strides = array<i32>} : memref<4x4x128xf32, #tpu.memory_space<vmem>>, vector<16xf32>,
    tpu.vector_store %arg7[%swap3A_46, %swap3A_47, %swap3A_48], %gather3A_43 {strides = array<i32>} : memref<4x4x128xf32, #tpu.memory_space<vmem>>, vector<16xf32>,
    %get3A_50 = arith.constant 16 : index
    %get3A_51 = tpu.vector_load %arg6[%get3A_50] {strides = array<i32>} : memref<512xi32, #tpu.memory_space<vmem>>, vector<16xi32>,
    %shift_right_arithmetic3A_52 = arith.constant 7 : i32
    %shift_right_arithmetic3A_53 = vector.broadcast %shift_right_arithmetic3A_52 : i32 to vector<16xi32>
    %shift_right_arithmetic3A_54 = arith.shrsi %get3A_51, %shift_right_arithmetic3A_53 : vector<16xi32>
    %mul3A_55 = arith.constant 512 : i32
    %mul3A_56 = vector.broadcast %mul3A_55 : i32 to vector<16xi32>
    %mul3A_57 = arith.muli %shift_right_arithmetic3A_54, %mul3A_56 : vector<16xi32>
    %and3A_58 = arith.constant 127 : i32
    %and3A_59 = vector.broadcast %and3A_58 : i32 to vector<16xi32>
    %and3A_60 = arith.andi %get3A_51, %and3A_59 : vector<16xi32>
    %add3A_61 = arith.addi %mul3A_57, %and3A_60 : vector<16xi32>
    %add3A_62 = arith.constant 0 : i32
    %add3A_63 = vector.broadcast %add3A_62 : i32 to vector<16xi32>
    %add3A_64 = arith.addi %add3A_61, %add3A_63 : vector<16xi32>
    %gather3A_65 = tpu.vector_load_idx %arg5[%add3A_64] : memref<2048xf32, #tpu.memory_space<vmem>>[vector<16xi32>], vector<16xf32>,
    %swap3A_66 = arith.constant 0 : i32
    %swap3A_67 = arith.constant 0 : i32
    %swap3A_68 = arith.index_cast %swap3A_66 : i32 to index
    %swap3A_69 = arith.index_cast %swap3A_67 : i32 to index
    %swap3A_70 = arith.constant 16 : index
    %swap3A_71 = tpu.vector_load %arg7[%swap3A_68, %swap3A_69, %swap3A_70] {strides = array<i32>} : memref<4x4x128xf32, #tpu.memory_space<vmem>>, vector<16xf32>,
    tpu.vector_store %arg7[%swap3A_68, %swap3A_69, %swap3A_70], %gather3A_65 {strides = array<i32>} : memref<4x4x128xf32, #tpu.memory_space<vmem>>, vector<16xf32>,
    %add3A_72 = arith.constant 128 : i32
    %add3A_73 = vector.broadcast %add3A_72 : i32 to vector<16xi32>
    %add3A_74 = arith.addi %add3A_61, %add3A_73 : vector<16xi32>
    %gather3A_75 = tpu.vector_load_idx %arg5[%add3A_74] : memref<2048xf32, #tpu.memory_space<vmem>>[vector<16xi32>], vector<16xf32>,
    %swap3A_76 = arith.constant 0 : i32
    %swap3A_77 = arith.constant 1 : i32
    %swap3A_78 = arith.index_cast %swap3A_76 : i32 to index
    %swap3A_79 = arith.index_cast %swap3A_77 : i32 to index
    %swap3A_80 = arith.constant 16 : index
    %swap3A_81 = tpu.vector_load %arg7[%swap3A_78, %swap3A_79, %swap3A_80] {strides = array<i32>} : memref<4x4x128xf32, #tpu.memory_space<vmem>>, vector<16xf32>,
    tpu.vector_store %arg7[%swap3A_78, %swap3A_79, %swap3A_80], %gather3A_75 {strides = array<i32>} : memref<4x4x128xf32, #tpu.memory_space<vmem>>, vector<16xf32>,
    %add3A_82 = arith.constant 256 : i32
    %add3A_83 = vector.broadcast %add3A_82 : i32 to vector<16xi32>
    %add3A_84 = arith.addi %add3A_61, %add3A_83 : vector<16xi32>
    %gather3A_85 = tpu.vector_load_idx %arg5[%add3A_84] : memref<2048xf32, #tpu.memory_space<vmem>>[vector<16xi32>], vector<16xf32>,
    %swap3A_86 = arith.constant 0 : i32
    %swap3A_87 = arith.constant 2 : i32
    %swap3A_88 = arith.index_cast %swap3A_86 : i32 to index
    %swap3A_89 = arith.index_cast %swap3A_87 : i32 to index
    %swap3A_90 = arith.constant 16 : index
    %swap3A_91 = tpu.vector_load %arg7[%swap3A_88, %swap3A_89, %swap3A_90] {strides = array<i32>} : memref<4x4x128xf32, #tpu.memory_space<vmem>>, vector<16xf32>,
    tpu.vector_store %arg7[%swap3A_88, %swap3A_89, %swap3A_90], %gather3A_85 {strides = array<i32>} : memref<4x4x128xf32, #tpu.memory_space<vmem>>, vector<16xf32>,
    %add3A_92 = arith.constant 384 : i32
    %add3A_93 = vector.broadcast %add3A_92 : i32 to vector<16xi32>
    %add3A_94 = arith.addi %add3A_61, %add3A_93 : vector<16xi32>
    %gather3A_95 = tpu.vector_load_idx %arg5[%add3A_94] : memref<2048xf32, #tpu.memory_space<vmem>>[vector<16xi32>], vector<16xf32>,
    %swap3A_96 = arith.constant 0 : i32
    %swap3A_97 = arith.constant 3 : i32
    %swap3A_98 = arith.index_cast %swap3A_96 : i32 to index
    %swap3A_99 = arith.index_cast %swap3A_97 : i32 to index
    %swap3A_100 = arith.constant 16 : index
    %swap3A_101 = tpu.vector_load %arg7[%swap3A_98, %swap3A_99, %swap3A_100] {strides = array<i32>} : memref<4x4x128xf32, #tpu.memory_space<vmem>>, vector<16xf32>,
    tpu.vector_store %arg7[%swap3A_98, %swap3A_99, %swap3A_100], %gather3A_95 {strides = array<i32>} : memref<4x4x128xf32, #tpu.memory_space<vmem>>, vector<16xf32>,
    %get3A_102 = arith.constant 32 : index
    %get3A_103 = tpu.vector_load %arg6[%get3A_102] {strides = array<i32>} : memref<512xi32, #tpu.memory_space<vmem>>, vector<16xi32>,
    %shift_right_arithmetic3A_104 = arith.constant 7 : i32
    %shift_right_arithmetic3A_105 = vector.broadcast %shift_right_arithmetic3A_104 : i32 to vector<16xi32>
    %shift_right_arithmetic3A_106 = arith.shrsi %get3A_103, %shift_right_arithmetic3A_105 : vector<16xi32>
    %mul3A_107 = arith.constant 512 : i32
    %mul3A_108 = vector.broadcast %mul3A_107 : i32 to vector<16xi32>
    %mul3A_109 = arith.muli %shift_right_arithmetic3A_106, %mul3A_108 : vector<16xi32>
    %and3A_110 = arith.constant 127 : i32
    %and3A_111 = vector.broadcast %and3A_110 : i32 to vector<16xi32>
    %and3A_112 = arith.andi %get3A_103, %and3A_111 : vector<16xi32>
    %add3A_113 = arith.addi %mul3A_109, %and3A_112 : vector<16xi32>
    %add3A_114 = arith.constant 0 : i32
    %add3A_115 = vector.broadcast %add3A_114 : i32 to vector<16xi32>
    %add3A_116 = arith.addi %add3A_113, %add3A_115 : vector<16xi32>
    %gather3A_117 = tpu.vector_load_idx %arg5[%add3A_116] : memref<2048xf32, #tpu.memory_space<vmem>>[vector<16xi32>], vector<16xf32>,
    %swap3A_118 = arith.constant 0 : i32
    %swap3A_119 = arith.constant 0 : i32
    %swap3A_120 = arith.index_cast %swap3A_118 : i32 to index
    %swap3A_121 = arith.index_cast %swap3A_119 : i32 to index
    %swap3A_122 = arith.constant 32 : index
    %swap3A_123 = tpu.vector_load %arg7[%swap3A_120, %swap3A_121, %swap3A_122] {strides = array<i32>} : memref<4x4x128xf32, #tpu.memory_space<vmem>>, vector<16xf32>,
    tpu.vector_store %arg7[%swap3A_120, %swap3A_121, %swap3A_122], %gather3A_117 {strides = array<i32>} : memref<4x4x128xf32, #tpu.memory_space<vmem>>, vector<16xf32>,
    %add3A_124 = arith.constant 128 : i32
    %add3A_125 = vector.broadcast %add3A_124 : i32 to vector<16xi32>
    %add3A_126 = arith.addi %add3A_113, %add3A_125 : vector<16xi32>
    %gather3A_127 = tpu.vector_load_idx %arg5[%add3A_126] : memref<2048xf32, #tpu.memory_space<vmem>>[vector<16xi32>], vector<16xf32>,
    %swap3A_128 = arith.constant 0 : i32
    %swap3A_129 = arith.constant 1 : i32
    %swap3A_130 = arith.index_cast %swap3A_128 : i32 to index
    %swap3A_131 = arith.index_cast %swap3A_129 : i32 to index
    %swap3A_132 = arith.constant 32 : index
    %swap3A_133 = tpu.vector_load %arg7[%swap3A_130, %swap3A_131, %swap3A_132] {strides = array<i32>} : memref<4x4x128xf32, #tpu.memory_space<vmem>>, vector<16xf32>,
    tpu.vector_store %arg7[%swap3A_130, %swap3A_131, %swap3A_132], %gather3A_127 {strides = array<i32>} : memref<4x4x128xf32, #tpu.memory_space<vmem>>, vector<16xf32>,
    %add3A_134 = arith.constant 256 : i32
    %add3A_135 = vector.broadcast %add3A_134 : i32 to vector<16xi32>
    %add3A_136 = arith.addi %add3A_113, %add3A_135 : vector<16xi32>
    %gather3A_137 = tpu.vector_load_idx %arg5[%add3A_136] : memref<2048xf32, #tpu.memory_space<vmem>>[vector<16xi32>], vector<16xf32>,
    %swap3A_138 = arith.constant 0 : i32
    %swap3A_139 = arith.constant 2 : i32
    %swap3A_140 = arith.index_cast %swap3A_138 : i32 to index
    %swap3A_141 = arith.index_cast %swap3A_139 : i32 to index
    %swap3A_142 = arith.constant 32 : index
    %swap3A_143 = tpu.vector_load %arg7[%swap3A_140, %swap3A_141, %swap3A_142] {strides = array<i32>} : memref<4x4x128xf32, #tpu.memory_space<vmem>>, vector<16xf32>,
    tpu.vector_store %arg7[%swap3A_140, %swap3A_141, %swap3A_142], %gather3A_137 {strides = array<i32>} : memref<4x4x128xf32, #tpu.memory_space<vmem>>, vector<16xf32>,
    %add3A_144 = arith.constant 384 : i32
    %add3A_145 = vector.broadcast %add3A_144 : i32 to vector<16xi32>
    %add3A_146 = arith.addi %add3A_113, %add3A_145 : vector<16xi32>
    %gather3A_147 = tpu.vector_load_idx %arg5[%add3A_146] : memref<2048xf32, #tpu.memory_space<vmem>>[vector<16xi32>], vector<16xf32>,
    %swap3A_148 = arith.constant 0 : i32
    %swap3A_149 = arith.constant 3 : i32
    %swap3A_150 = arith.index_cast %swap3A_148 : i32 to index
    %swap3A_151 = arith.index_cast %swap3A_149 : i32 to index
    %swap3A_152 = arith.constant 32 : index
    %swap3A_153 = tpu.vector_load %arg7[%swap3A_150, %swap3A_151, %swap3A_152] {strides = array<i32>} : memref<4x4x128xf32, #tpu.memory_space<vmem>>, vector<16xf32>,
    tpu.vector_store %arg7[%swap3A_150, %swap3A_151, %swap3A_152], %gather3A_147 {strides = array<i32>} : memref<4x4x128xf32, #tpu.memory_space<vmem>>, vector<16xf32>,
    %get3A_154 = arith.constant 48 : index
    %get3A_155 = tpu.vector_load %arg6[%get3A_154] {strides = array<i32>} : memref<512xi32, #tpu.memory_space<vmem>>, vector<16xi32>,
    %shift_right_arithmetic3A_156 = arith.constant 7 : i32
    %shift_right_arithmetic3A_157 = vector.broadcast %shift_right_arithmetic3A_156 : i32 to vector<16xi32>
    %shift_right_arithmetic3A_158 = arith.shrsi %get3A_155, %shift_right_arithmetic3A_157 : vector<16xi32>
    %mul3A_159 = arith.constant 512 : i32
    %mul3A_160 = vector.broadcast %mul3A_159 : i32 to vector<16xi32>
    %mul3A_161 = arith.muli %shift_right_arithmetic3A_158, %mul3A_160 : vector<16xi32>
    %and3A_162 = arith.constant 127 : i32
    %and3A_163 = vector.broadcast %and3A_162 : i32 to vector<16xi32>
    %and3A_164 = arith.andi %get3A_155, %and3A_163 : vector<16xi32>
    %add3A_165 = arith.addi %mul3A_161, %and3A_164 : vector<16xi32>
    %add3A_166 = arith.constant 0 : i32
    %add3A_167 = vector.broadcast %add3A_166 : i32 to vector<16xi32>
    %add3A_168 = arith.addi %add3A_165, %add3A_167 : vector<16xi32>
    %gather3A_169 = tpu.vector_load_idx %arg5[%add3A_168] : memref<2048xf32, #tpu.memory_space<vmem>>[vector<16xi32>], vector<16xf32>,
    %swap3A_170 = arith.constant 0 : i32
    %swap3A_171 = arith.constant 0 : i32
    %swap3A_172 = arith.index_cast %swap3A_170 : i32 to index
    %swap3A_173 = arith.index_cast %swap3A_171 : i32 to index
    %swap3A_174 = arith.constant 48 : index
    %swap3A_175 = tpu.vector_load %arg7[%swap3A_172, %swap3A_173, %swap3A_174] {strides = array<i32>} : memref<4x4x128xf32, #tpu.memory_space<vmem>>, vector<16xf32>,
    tpu.vector_store %arg7[%swap3A_172, %swap3A_173, %swap3A_174], %gather3A_169 {strides = array<i32>} : memref<4x4x128xf32, #tpu.memory_space<vmem>>, vector<16xf32>,
    %add3A_176 = arith.constant 128 : i32
    %add3A_177 = vector.broadcast %add3A_176 : i32 to vector<16xi32>
    %add3A_178 = arith.addi %add3A_165, %add3A_177 : vector<16xi32>
    %gather3A_179 = tpu.vector_load_idx %arg5[%add3A_178] : memref<2048xf32, #tpu.memory_space<vmem>>[vector<16xi32>], vector<16xf32>,
    %swap3A_180 = arith.constant 0 : i32
    %swap3A_181 = arith.constant 1 : i32
    %swap3A_182 = arith.index_cast %swap3A_180 : i32 to index
    %swap3A_183 = arith.index_cast %swap3A_181 : i32 to index
    %swap3A_184 = arith.constant 48 : index
    %swap3A_185 = tpu.vector_load %arg7[%swap3A_182, %swap3A_183, %swap3A_184] {strides = array<i32>} : memref<4x4x128xf32, #tpu.memory_space<vmem>>, vector<16xf32>,
    tpu.vector_store %arg7[%swap3A_182, %swap3A_183, %swap3A_184], %gather3A_179 {strides = array<i32>} : memref<4x4x128xf32, #tpu.memory_space<vmem>>, vector<16xf32>,
    %add3A_186 = arith.constant 256 : i32
    %add3A_187 = vector.broadcast %add3A_186 : i32 to vector<16xi32>
    %add3A_188 = arith.addi %add3A_165, %add3A_187 : vector<16xi32>
    %gather3A_189 = tpu.vector_load_idx %arg5[%add3A_188] : memref<2048xf32, #tpu.memory_space<vmem>>[vector<16xi32>], vector<16xf32>,
    %swap3A_190 = arith.constant 0 : i32
    %swap3A_191 = arith.constant 2 : i32
    %swap3A_192 = arith.index_cast %swap3A_190 : i32 to index
    %swap3A_193 = arith.index_cast %swap3A_191 : i32 to index
    %swap3A_194 = arith.constant 48 : index
    %swap3A_195 = tpu.vector_load %arg7[%swap3A_192, %swap3A_193, %swap3A_194] {strides = array<i32>} : memref<4x4x128xf32, #tpu.memory_space<vmem>>, vector<16xf32>,
    tpu.vector_store %arg7[%swap3A_192, %swap3A_193, %swap3A_194], %gather3A_189 {strides = array<i32>} : memref<4x4x128xf32, #tpu.memory_space<vmem>>, vector<16xf32>,
    %add3A_196 = arith.constant 384 : i32
    %add3A_197 = vector.broadcast %add3A_196 : i32 to vector<16xi32>
    %add3A_198 = arith.addi %add3A_165, %add3A_197 : vector<16xi32>
    %gather3A_199 = tpu.vector_load_idx %arg5[%add3A_198] : memref<2048xf32, #tpu.memory_space<vmem>>[vector<16xi32>], vector<16xf32>,
    %swap3A_200 = arith.constant 0 : i32
    %swap3A_201 = arith.constant 3 : i32
    %swap3A_202 = arith.index_cast %swap3A_200 : i32 to index
    %swap3A_203 = arith.index_cast %swap3A_201 : i32 to index
    %swap3A_204 = arith.constant 48 : index
    %swap3A_205 = tpu.vector_load %arg7[%swap3A_202, %swap3A_203, %swap3A_204] {strides = array<i32>} : memref<4x4x128xf32, #tpu.memory_space<vmem>>, vector<16xf32>,
    tpu.vector_store %arg7[%swap3A_202, %swap3A_203, %swap3A_204], %gather3A_199 {strides = array<i32>} : memref<4x4x128xf32, #tpu.memory_space<vmem>>, vector<16xf32>,
    %get3A_206 = arith.constant 64 : index
    %get3A_207 = tpu.vector_load %arg6[%get3A_206] {strides = array<i32>} : memref<512xi32, #tpu.memory_space<vmem>>, vector<16xi32>,
    %shift_right_arithmetic3A_208 = arith.constant 7 : i32
    %shift_right_arithmetic3A_209 = vector.broadcast %shift_right_arithmetic3A_208 : i32 to vector<16xi32>
    %shift_right_arithmetic3A_210 = arith.shrsi %get3A_207, %shift_right_arithmetic3A_209 : vector<16xi32>
    %mul3A_211 = arith.constant 512 : i32
    %mul3A_212 = vector.broadcast %mul3A_211 : i32 to vector<16xi32>
    %mul3A_213 = arith.muli %shift_right_arithmetic3A_210, %mul3A_212 : vector<16xi32>
    %and3A_214 = arith.constant 127 : i32
    %and3A_215 = vector.broadcast %and3A_214 : i32 to vector<16xi32>
    %and3A_216 = arith.andi %get3A_207, %and3A_215 : vector<16xi32>
    %add3A_217 = arith.addi %mul3A_213, %and3A_216 : vector<16xi32>
    %add3A_218 = arith.constant 0 : i32
    %add3A_219 = vector.broadcast %add3A_218 : i32 to vector<16xi32>
    %add3A_220 = arith.addi %add3A_217, %add3A_219 : vector<16xi32>
    %gather3A_221 = tpu.vector_load_idx %arg5[%add3A_220] : memref<2048xf32, #tpu.memory_space<vmem>>[vector<16xi32>], vector<16xf32>,
    %swap3A_222 = arith.constant 0 : i32
    %swap3A_223 = arith.constant 0 : i32
    %swap3A_224 = arith.index_cast %swap3A_222 : i32 to index
    %swap3A_225 = arith.index_cast %swap3A_223 : i32 to index
    %swap3A_226 = arith.constant 64 : index
    %swap3A_227 = tpu.vector_load %arg7[%swap3A_224, %swap3A_225, %swap3A_226] {strides = array<i32>} : memref<4x4x128xf32, #tpu.memory_space<vmem>>, vector<16xf32>,
    tpu.vector_store %arg7[%swap3A_224, %swap3A_225, %swap3A_226], %gather3A_221 {strides = array<i32>} : memref<4x4x128xf32, #tpu.memory_space<vmem>>, vector<16xf32>,
    %add3A_228 = arith.constant 128 : i32
    %add3A_229 = vector.broadcast %add3A_228 : i32 to vector<16xi32>
    %add3A_230 = arith.addi %add3A_217, %add3A_229 : vector<16xi32>
    %gather3A_231 = tpu.vector_load_idx %arg5[%add3A_230] : memref<2048xf32, #tpu.memory_space<vmem>>[vector<16xi32>], vector<16xf32>,
    %swap3A_232 = arith.constant 0 : i32
    %swap3A_233 = arith.constant 1 : i32
    %swap3A_234 = arith.index_cast %swap3A_232 : i32 to index
    %swap3A_235 = arith.index_cast %swap3A_233 : i32 to index
    %swap3A_236 = arith.constant 64 : index
    %swap3A_237 = tpu.vector_load %arg7[%swap3A_234, %swap3A_235, %swap3A_236] {strides = array<i32>} : memref<4x4x128xf32, #tpu.memory_space<vmem>>, vector<16xf32>,
    tpu.vector_store %arg7[%swap3A_234, %swap3A_235, %swap3A_236], %gather3A_231 {strides = array<i32>} : memref<4x4x128xf32, #tpu.memory_space<vmem>>, vector<16xf32>,
    %add3A_238 = arith.constant 256 : i32
    %add3A_239 = vector.broadcast %add3A_238 : i32 to vector<16xi32>
    %add3A_240 = arith.addi %add3A_217, %add3A_239 : vector<16xi32>
    %gather3A_241 = tpu.vector_load_idx %arg5[%add3A_240] : memref<2048xf32, #tpu.memory_space<vmem>>[vector<16xi32>], vector<16xf32>,
    %swap3A_242 = arith.constant 0 : i32
    %swap3A_243 = arith.constant 2 : i32
    %swap3A_244 = arith.index_cast %swap3A_242 : i32 to index
    %swap3A_245 = arith.index_cast %swap3A_243 : i32 to index
    %swap3A_246 = arith.constant 64 : index
    %swap3A_247 = tpu.vector_load %arg7[%swap3A_244, %swap3A_245, %swap3A_246] {strides = array<i32>} : memref<4x4x128xf32, #tpu.memory_space<vmem>>, vector<16xf32>,
    tpu.vector_store %arg7[%swap3A_244, %swap3A_245, %swap3A_246], %gather3A_241 {strides = array<i32>} : memref<4x4x128xf32, #tpu.memory_space<vmem>>, vector<16xf32>,
    %add3A_248 = arith.constant 384 : i32
    %add3A_249 = vector.broadcast %add3A_248 : i32 to vector<16xi32>
    %add3A_250 = arith.addi %add3A_217, %add3A_249 : vector<16xi32>
    %gather3A_251 = tpu.vector_load_idx %arg5[%add3A_250] : memref<2048xf32, #tpu.memory_space<vmem>>[vector<16xi32>], vector<16xf32>,
    %swap3A_252 = arith.constant 0 : i32
    %swap3A_253 = arith.constant 3 : i32
    %swap3A_254 = arith.index_cast %swap3A_252 : i32 to index
    %swap3A_255 = arith.index_cast %swap3A_253 : i32 to index
    %swap3A_256 = arith.constant 64 : index
    %swap3A_257 = tpu.vector_load %arg7[%swap3A_254, %swap3A_255, %swap3A_256] {strides = array<i32>} : memref<4x4x128xf32, #tpu.memory_space<vmem>>, vector<16xf32>,
    tpu.vector_store %arg7[%swap3A_254, %swap3A_255, %swap3A_256], %gather3A_251 {strides = array<i32>} : memref<4x4x128xf32, #tpu.memory_space<vmem>>, vector<16xf32>,
    %get3A_258 = arith.constant 80 : index
    %get3A_259 = tpu.vector_load %arg6[%get3A_258] {strides = array<i32>} : memref<512xi32, #tpu.memory_space<vmem>>, vector<16xi32>,
    %shift_right_arithmetic3A_260 = arith.constant 7 : i32
    %shift_right_arithmetic3A_261 = vector.broadcast %shift_right_arithmetic3A_260 : i32 to vector<16xi32>
    %shift_right_arithmetic3A_262 = arith.shrsi %get3A_259, %shift_right_arithmetic3A_261 : vector<16xi32>
    %mul3A_263 = arith.constant 512 : i32
    %mul3A_264 = vector.broadcast %mul3A_263 : i32 to vector<16xi32>
    %mul3A_265 = arith.muli %shift_right_arithmetic3A_262, %mul3A_264 : vector<16xi32>
    %and3A_266 = arith.constant 127 : i32
    %and3A_267 = vector.broadcast %and3A_266 : i32 to vector<16xi32>
    %and3A_268 = arith.andi %get3A_259, %and3A_267 : vector<16xi32>
    %add3A_269 = arith.addi %mul3A_265, %and3A_268 : vector<16xi32>
    %add3A_270 = arith.constant 0 : i32
    %add3A_271 = vector.broadcast %add3A_270 : i32 to vector<16xi32>
    %add3A_272 = arith.addi %add3A_269, %add3A_271 : vector<16xi32>
    %gather3A_273 = tpu.vector_load_idx %arg5[%add3A_272] : memref<2048xf32, #tpu.memory_space<vmem>>[vector<16xi32>], vector<16xf32>,
    %swap3A_274 = arith.constant 0 : i32
    %swap3A_275 = arith.constant 0 : i32
    %swap3A_276 = arith.index_cast %swap3A_274 : i32 to index
    %swap3A_277 = arith.index_cast %swap3A_275 : i32 to index
    %swap3A_278 = arith.constant 80 : index
    %swap3A_279 = tpu.vector_load %arg7[%swap3A_276, %swap3A_277, %swap3A_278] {strides = array<i32>} : memref<4x4x128xf32, #tpu.memory_space<vmem>>, vector<16xf32>,
    tpu.vector_store %arg7[%swap3A_276, %swap3A_277, %swap3A_278], %gather3A_273 {strides = array<i32>} : memref<4x4x128xf32, #tpu.memory_space<vmem>>, vector<16xf32>,
    %add3A_280 = arith.constant 128 : i32
    %add3A_281 = vector.broadcast %add3A_280 : i32 to vector<16xi32>
    %add3A_282 = arith.addi %add3A_269, %add3A_281 : vector<16xi32>
    %gather3A_283 = tpu.vector_load_idx %arg5[%add3A_282] : memref<2048xf32, #tpu.memory_space<vmem>>[vector<16xi32>], vector<16xf32>,
    %swap3A_284 = arith.constant 0 : i32
    %swap3A_285 = arith.constant 1 : i32
    %swap3A_286 = arith.index_cast %swap3A_284 : i32 to index
    %swap3A_287 = arith.index_cast %swap3A_285 : i32 to index
    %swap3A_288 = arith.constant 80 : index
    %swap3A_289 = tpu.vector_load %arg7[%swap3A_286, %swap3A_287, %swap3A_288] {strides = array<i32>} : memref<4x4x128xf32, #tpu.memory_space<vmem>>, vector<16xf32>,
    tpu.vector_store %arg7[%swap3A_286, %swap3A_287, %swap3A_288], %gather3A_283 {strides = array<i32>} : memref<4x4x128xf32, #tpu.memory_space<vmem>>, vector<16xf32>,
    %add3A_290 = arith.constant 256 : i32
    %add3A_291 = vector.broadcast %add3A_290 : i32 to vector<16xi32>
    %add3A_292 = arith.addi %add3A_269, %add3A_291 : vector<16xi32>
    %gather3A_293 = tpu.vector_load_idx %arg5[%add3A_292] : memref<2048xf32, #tpu.memory_space<vmem>>[vector<16xi32>], vector<16xf32>,
    %swap3A_294 = arith.constant 0 : i32
    %swap3A_295 = arith.constant 2 : i32
    %swap3A_296 = arith.index_cast %swap3A_294 : i32 to index
    %swap3A_297 = arith.index_cast %swap3A_295 : i32 to index
    %swap3A_298 = arith.constant 80 : index
    %swap3A_299 = tpu.vector_load %arg7[%swap3A_296, %swap3A_297, %swap3A_298] {strides = array<i32>} : memref<4x4x128xf32, #tpu.memory_space<vmem>>, vector<16xf32>,
    tpu.vector_store %arg7[%swap3A_296, %swap3A_297, %swap3A_298], %gather3A_293 {strides = array<i32>} : memref<4x4x128xf32, #tpu.memory_space<vmem>>, vector<16xf32>,
    %add3A_300 = arith.constant 384 : i32
    %add3A_301 = vector.broadcast %add3A_300 : i32 to vector<16xi32>
    %add3A_302 = arith.addi %add3A_269, %add3A_301 : vector<16xi32>
    %gather3A_303 = tpu.vector_load_idx %arg5[%add3A_302] : memref<2048xf32, #tpu.memory_space<vmem>>[vector<16xi32>], vector<16xf32>,
    %swap3A_304 = arith.constant 0 : i32
    %swap3A_305 = arith.constant 3 : i32
    %swap3A_306 = arith.index_cast %swap3A_304 : i32 to index
    %swap3A_307 = arith.index_cast %swap3A_305 : i32 to index
    %swap3A_308 = arith.constant 80 : index
    %swap3A_309 = tpu.vector_load %arg7[%swap3A_306, %swap3A_307, %swap3A_308] {strides = array<i32>} : memref<4x4x128xf32, #tpu.memory_space<vmem>>, vector<16xf32>,
    tpu.vector_store %arg7[%swap3A_306, %swap3A_307, %swap3A_308], %gather3A_303 {strides = array<i32>} : memref<4x4x128xf32, #tpu.memory_space<vmem>>, vector<16xf32>,
    %get3A_310 = arith.constant 96 : index
    %get3A_311 = tpu.vector_load %arg6[%get3A_310] {strides = array<i32>} : memref<512xi32, #tpu.memory_space<vmem>>, vector<16xi32>,
    %shift_right_arithmetic3A_312 = arith.constant 7 : i32
    %shift_right_arithmetic3A_313 = vector.broadcast %shift_right_arithmetic3A_312 : i32 to vector<16xi32>
    %shift_right_arithmetic3A_314 = arith.shrsi %get3A_311, %shift_right_arithmetic3A_313 : vector<16xi32>
    %mul3A_315 = arith.constant 512 : i32
    %mul3A_316 = vector.broadcast %mul3A_315 : i32 to vector<16xi32>
    %mul3A_317 = arith.muli %shift_right_arithmetic3A_314, %mul3A_316 : vector<16xi32>
    %and3A_318 = arith.constant 127 : i32
    %and3A_319 = vector.broadcast %and3A_318 : i32 to vector<16xi32>
    %and3A_320 = arith.andi %get3A_311, %and3A_319 : vector<16xi32>
    %add3A_321 = arith.addi %mul3A_317, %and3A_320 : vector<16xi32>
    %add3A_322 = arith.constant 0 : i32
    %add3A_323 = vector.broadcast %add3A_322 : i32 to vector<16xi32>
    %add3A_324 = arith.addi %add3A_321, %add3A_323 : vector<16xi32>
    %gather3A_325 = tpu.vector_load_idx %arg5[%add3A_324] : memref<2048xf32, #tpu.memory_space<vmem>>[vector<16xi32>], vector<16xf32>,
    %swap3A_326 = arith.constant 0 : i32
    %swap3A_327 = arith.constant 0 : i32
    %swap3A_328 = arith.index_cast %swap3A_326 : i32 to index
    %swap3A_329 = arith.index_cast %swap3A_327 : i32 to index
    %swap3A_330 = arith.constant 96 : index
    %swap3A_331 = tpu.vector_load %arg7[%swap3A_328, %swap3A_329, %swap3A_330] {strides = array<i32>} : memref<4x4x128xf32, #tpu.memory_space<vmem>>, vector<16xf32>,
    tpu.vector_store %arg7[%swap3A_328, %swap3A_329, %swap3A_330], %gather3A_325 {strides = array<i32>} : memref<4x4x128xf32, #tpu.memory_space<vmem>>, vector<16xf32>,
    %add3A_332 = arith.constant 128 : i32
    %add3A_333 = vector.broadcast %add3A_332 : i32 to vector<16xi32>
    %add3A_334 = arith.addi %add3A_321, %add3A_333 : vector<16xi32>
    %gather3A_335 = tpu.vector_load_idx %arg5[%add3A_334] : memref<2048xf32, #tpu.memory_space<vmem>>[vector<16xi32>], vector<16xf32>,
    %swap3A_336 = arith.constant 0 : i32
    %swap3A_337 = arith.constant 1 : i32
    %swap3A_338 = arith.index_cast %swap3A_336 : i32 to index
    %swap3A_339 = arith.index_cast %swap3A_337 : i32 to index
    %swap3A_340 = arith.constant 96 : index
    %swap3A_341 = tpu.vector_load %arg7[%swap3A_338, %swap3A_339, %swap3A_340] {strides = array<i32>} : memref<4x4x128xf32, #tpu.memory_space<vmem>>, vector<16xf32>,
    tpu.vector_store %arg7[%swap3A_338, %swap3A_339, %swap3A_340], %gather3A_335 {strides = array<i32>} : memref<4x4x128xf32, #tpu.memory_space<vmem>>, vector<16xf32>,
    %add3A_342 = arith.constant 256 : i32
    %add3A_343 = vector.broadcast %add3A_342 : i32 to vector<16xi32>
    %add3A_344 = arith.addi %add3A_321, %add3A_343 : vector<16xi32>
    %gather3A_345 = tpu.vector_load_idx %arg5[%add3A_344] : memref<2048xf32, #tpu.memory_space<vmem>>[vector<16xi32>], vector<16xf32>,
    %swap3A_346 = arith.constant 0 : i32
    %swap3A_347 = arith.constant 2 : i32
    %swap3A_348 = arith.index_cast %swap3A_346 : i32 to index
    %swap3A_349 = arith.index_cast %swap3A_347 : i32 to index
    %swap3A_350 = arith.constant 96 : index
    %swap3A_351 = tpu.vector_load %arg7[%swap3A_348, %swap3A_349, %swap3A_350] {strides = array<i32>} : memref<4x4x128xf32, #tpu.memory_space<vmem>>, vector<16xf32>,
    tpu.vector_store %arg7[%swap3A_348, %swap3A_349, %swap3A_350], %gather3A_345 {strides = array<i32>} : memref<4x4x128xf32, #tpu.memory_space<vmem>>, vector<16xf32>,
    %add3A_352 = arith.constant 384 : i32
    %add3A_353 = vector.broadcast %add3A_352 : i32 to vector<16xi32>
    %add3A_354 = arith.addi %add3A_321, %add3A_353 : vector<16xi32>
    %gather3A_355 = tpu.vector_load_idx %arg5[%add3A_354] : memref<2048xf32, #tpu.memory_space<vmem>>[vector<16xi32>], vector<16xf32>,
    %swap3A_356 = arith.constant 0 : i32
    %swap3A_357 = arith.constant 3 : i32
    %swap3A_358 = arith.index_cast %swap3A_356 : i32 to index
    %swap3A_359 = arith.index_cast %swap3A_357 : i32 to index
    %swap3A_360 = arith.constant 96 : index
    %swap3A_361 = tpu.vector_load %arg7[%swap3A_358, %swap3A_359, %swap3A_360] {strides = array<i32>} : memref<4x4x128xf32, #tpu.memory_space<vmem>>, vector<16xf32>,
    tpu.vector_store %arg7[%swap3A_358, %swap3A_359, %swap3A_360], %gather3A_355 {strides = array<i32>} : memref<4x4x128xf32, #tpu.memory_space<vmem>>, vector<16xf32>,
    %get3A_362 = arith.constant 112 : index
    %get3A_363 = tpu.vector_load %arg6[%get3A_362] {strides = array<i32>} : memref<512xi32, #tpu.memory_space<vmem>>, vector<16xi32>,
    %shift_right_arithmetic3A_364 = arith.constant 7 : i32
    %shift_right_arithmetic3A_365 = vector.broadcast %shift_right_arithmetic3A_364 : i32 to vector<16xi32>
    %shift_right_arithmetic3A_366 = arith.shrsi %get3A_363, %shift_right_arithmetic3A_365 : vector<16xi32>
    %mul3A_367 = arith.constant 512 : i32
    %mul3A_368 = vector.broadcast %mul3A_367 : i32 to vector<16xi32>
    %mul3A_369 = arith.muli %shift_right_arithmetic3A_366, %mul3A_368 : vector<16xi32>
    %and3A_370 = arith.constant 127 : i32
    %and3A_371 = vector.broadcast %and3A_370 : i32 to vector<16xi32>
    %and3A_372 = arith.andi %get3A_363, %and3A_371 : vector<16xi32>
    %add3A_373 = arith.addi %mul3A_369, %and3A_372 : vector<16xi32>
    %add3A_374 = arith.constant 0 : i32
    %add3A_375 = vector.broadcast %add3A_374 : i32 to vector<16xi32>
    %add3A_376 = arith.addi %add3A_373, %add3A_375 : vector<16xi32>
    %gather3A_377 = tpu.vector_load_idx %arg5[%add3A_376] : memref<2048xf32, #tpu.memory_space<vmem>>[vector<16xi32>], vector<16xf32>,
    %swap3A_378 = arith.constant 0 : i32
    %swap3A_379 = arith.constant 0 : i32
    %swap3A_380 = arith.index_cast %swap3A_378 : i32 to index
    %swap3A_381 = arith.index_cast %swap3A_379 : i32 to index
    %swap3A_382 = arith.constant 112 : index
    %swap3A_383 = tpu.vector_load %arg7[%swap3A_380, %swap3A_381, %swap3A_382] {strides = array<i32>} : memref<4x4x128xf32, #tpu.memory_space<vmem>>, vector<16xf32>,
    tpu.vector_store %arg7[%swap3A_380, %swap3A_381, %swap3A_382], %gather3A_377 {strides = array<i32>} : memref<4x4x128xf32, #tpu.memory_space<vmem>>, vector<16xf32>,
    %add3A_384 = arith.constant 128 : i32
    %add3A_385 = vector.broadcast %add3A_384 : i32 to vector<16xi32>
    %add3A_386 = arith.addi %add3A_373, %add3A_385 : vector<16xi32>
    %gather3A_387 = tpu.vector_load_idx %arg5[%add3A_386] : memref<2048xf32, #tpu.memory_space<vmem>>[vector<16xi32>], vector<16xf32>,
    %swap3A_388 = arith.constant 0 : i32
    %swap3A_389 = arith.constant 1 : i32
    %swap3A_390 = arith.index_cast %swap3A_388 : i32 to index
    %swap3A_391 = arith.index_cast %swap3A_389 : i32 to index
    %swap3A_392 = arith.constant 112 : index
    %swap3A_393 = tpu.vector_load %arg7[%swap3A_390, %swap3A_391, %swap3A_392] {strides = array<i32>} : memref<4x4x128xf32, #tpu.memory_space<vmem>>, vector<16xf32>,
    tpu.vector_store %arg7[%swap3A_390, %swap3A_391, %swap3A_392], %gather3A_387 {strides = array<i32>} : memref<4x4x128xf32, #tpu.memory_space<vmem>>, vector<16xf32>,
    %add3A_394 = arith.constant 256 : i32
    %add3A_395 = vector.broadcast %add3A_394 : i32 to vector<16xi32>
    %add3A_396 = arith.addi %add3A_373, %add3A_395 : vector<16xi32>
    %gather3A_397 = tpu.vector_load_idx %arg5[%add3A_396] : memref<2048xf32, #tpu.memory_space<vmem>>[vector<16xi32>], vector<16xf32>,
    %swap3A_398 = arith.constant 0 : i32
    %swap3A_399 = arith.constant 2 : i32
    %swap3A_400 = arith.index_cast %swap3A_398 : i32 to index
    %swap3A_401 = arith.index_cast %swap3A_399 : i32 to index
    %swap3A_402 = arith.constant 112 : index
    %swap3A_403 = tpu.vector_load %arg7[%swap3A_400, %swap3A_401, %swap3A_402] {strides = array<i32>} : memref<4x4x128xf32, #tpu.memory_space<vmem>>, vector<16xf32>,
    tpu.vector_store %arg7[%swap3A_400, %swap3A_401, %swap3A_402], %gather3A_397 {strides = array<i32>} : memref<4x4x128xf32, #tpu.memory_space<vmem>>, vector<16xf32>,
    %add3A_404 = arith.constant 384 : i32
    %add3A_405 = vector.broadcast %add3A_404 : i32 to vector<16xi32>
    %add3A_406 = arith.addi %add3A_373, %add3A_405 : vector<16xi32>
    %gather3A_407 = tpu.vector_load_idx %arg5[%add3A_406] : memref<2048xf32, #tpu.memory_space<vmem>>[vector<16xi32>], vector<16xf32>,
    %swap3A_408 = arith.constant 0 : i32
    %swap3A_409 = arith.constant 3 : i32
    %swap3A_410 = arith.index_cast %swap3A_408 : i32 to index
    %swap3A_411 = arith.index_cast %swap3A_409 : i32 to index
    %swap3A_412 = arith.constant 112 : index
    %swap3A_413 = tpu.vector_load %arg7[%swap3A_410, %swap3A_411, %swap3A_412] {strides = array<i32>} : memref<4x4x128xf32, #tpu.memory_space<vmem>>, vector<16xf32>,
    tpu.vector_store %arg7[%swap3A_410, %swap3A_411, %swap3A_412], %gather3A_407 {strides = array<i32>} : memref<4x4x128xf32, #tpu.memory_space<vmem>>, vector<16xf32>,
    %get3A_414 = arith.constant 128 : index
    %get3A_415 = tpu.vector_load %arg6[%get3A_414] {strides = array<i32>} : memref<512xi32, #tpu.memory_space<vmem>>, vector<16xi32>,
    %shift_right_arithmetic3A_416 = arith.constant 7 : i32
    %shift_right_arithmetic3A_417 = vector.broadcast %shift_right_arithmetic3A_416 : i32 to vector<16xi32>
    %shift_right_arithmetic3A_418 = arith.shrsi %get3A_415, %shift_right_arithmetic3A_417 : vector<16xi32>
    %mul3A_419 = arith.constant 512 : i32
    %mul3A_420 = vector.broadcast %mul3A_419 : i32 to vector<16xi32>
    %mul3A_421 = arith.muli %shift_right_arithmetic3A_418, %mul3A_420 : vector<16xi32>
    %and3A_422 = arith.constant 127 : i32
    %and3A_423 = vector.broadcast %and3A_422 : i32 to vector<16xi32>
    %and3A_424 = arith.andi %get3A_415, %and3A_423 : vector<16xi32>
    %add3A_425 = arith.addi %mul3A_421, %and3A_424 : vector<16xi32>
    %add3A_426 = arith.constant 0 : i32
    %add3A_427 = vector.broadcast %add3A_426 : i32 to vector<16xi32>
    %add3A_428 = arith.addi %add3A_425, %add3A_427 : vector<16xi32>
    %gather3A_429 = tpu.vector_load_idx %arg5[%add3A_428] : memref<2048xf32, #tpu.memory_space<vmem>>[vector<16xi32>], vector<16xf32>,
    %swap3A_430 = arith.constant 1 : i32
    %swap3A_431 = arith.constant 0 : i32
    %swap3A_432 = arith.index_cast %swap3A_430 : i32 to index
    %swap3A_433 = arith.index_cast %swap3A_431 : i32 to index
    %swap3A_434 = arith.constant 0 : index
    %swap3A_435 = tpu.vector_load %arg7[%swap3A_432, %swap3A_433, %swap3A_434] {strides = array<i32>} : memref<4x4x128xf32, #tpu.memory_space<vmem>>, vector<16xf32>,
    tpu.vector_store %arg7[%swap3A_432, %swap3A_433, %swap3A_434], %gather3A_429 {strides = array<i32>} : memref<4x4x128xf32, #tpu.memory_space<vmem>>, vector<16xf32>,
    %add3A_436 = arith.constant 128 : i32
    %add3A_437 = vector.broadcast %add3A_436 : i32 to vector<16xi32>
    %add3A_438 = arith.addi %add3A_425, %add3A_437 : vector<16xi32>
    %gather3A_439 = tpu.vector_load_idx %arg5[%add3A_438] : memref<2048xf32, #tpu.memory_space<vmem>>[vector<16xi32>], vector<16xf32>,
    %swap3A_440 = arith.constant 1 : i32
    %swap3A_441 = arith.constant 1 : i32
    %swap3A_442 = arith.index_cast %swap3A_440 : i32 to index
    %swap3A_443 = arith.index_cast %swap3A_441 : i32 to index
    %swap3A_444 = arith.constant 0 : index
    %swap3A_445 = tpu.vector_load %arg7[%swap3A_442, %swap3A_443, %swap3A_444] {strides = array<i32>} : memref<4x4x128xf32, #tpu.memory_space<vmem>>, vector<16xf32>,
    tpu.vector_store %arg7[%swap3A_442, %swap3A_443, %swap3A_444], %gather3A_439 {strides = array<i32>} : memref<4x4x128xf32, #tpu.memory_space<vmem>>, vector<16xf32>,
    %add3A_446 = arith.constant 256 : i32
    %add3A_447 = vector.broadcast %add3A_446 : i32 to vector<16xi32>
    %add3A_448 = arith.addi %add3A_425, %add3A_447 : vector<16xi32>
    %gather3A_449 = tpu.vector_load_idx %arg5[%add3A_448] : memref<2048xf32, #tpu.memory_space<vmem>>[vector<16xi32>], vector<16xf32>,
    %swap3A_450 = arith.constant 1 : i32
    %swap3A_451 = arith.constant 2 : i32
    %swap3A_452 = arith.index_cast %swap3A_450 : i32 to index
    %swap3A_453 = arith.index_cast %swap3A_451 : i32 to index
    %swap3A_454 = arith.constant 0 : index
    %swap3A_455 = tpu.vector_load %arg7[%swap3A_452, %swap3A_453, %swap3A_454] {strides = array<i32>} : memref<4x4x128xf32, #tpu.memory_space<vmem>>, vector<16xf32>,
    tpu.vector_store %arg7[%swap3A_452, %swap3A_453, %swap3A_454], %gather3A_449 {strides = array<i32>} : memref<4x4x128xf32, #tpu.memory_space<vmem>>, vector<16xf32>,
    %add3A_456 = arith.constant 384 : i32
    %add3A_457 = vector.broadcast %add3A_456 : i32 to vector<16xi32>
    %add3A_458 = arith.addi %add3A_425, %add3A_457 : vector<16xi32>
    %gather3A_459 = tpu.vector_load_idx %arg5[%add3A_458] : memref<2048xf32, #tpu.memory_space<vmem>>[vector<16xi32>], vector<16xf32>,
    %swap3A_460 = arith.constant 1 : i32
    %swap3A_461 = arith.constant 3 : i32
    %swap3A_462 = arith.index_cast %swap3A_460 : i32 to index
    %swap3A_463 = arith.index_cast %swap3A_461 : i32 to index
    %swap3A_464 = arith.constant 0 : index
    %swap3A_465 = tpu.vector_load %arg7[%swap3A_462, %swap3A_463, %swap3A_464] {strides = array<i32>} : memref<4x4x128xf32, #tpu.memory_space<vmem>>, vector<16xf32>,
    tpu.vector_store %arg7[%swap3A_462, %swap3A_463, %swap3A_464], %gather3A_459 {strides = array<i32>} : memref<4x4x128xf32, #tpu.memory_space<vmem>>, vector<16xf32>,
    %get3A_466 = arith.constant 144 : index
    %get3A_467 = tpu.vector_load %arg6[%get3A_466] {strides = array<i32>} : memref<512xi32, #tpu.memory_space<vmem>>, vector<16xi32>,
    %shift_right_arithmetic3A_468 = arith.constant 7 : i32
    %shift_right_arithmetic3A_469 = vector.broadcast %shift_right_arithmetic3A_468 : i32 to vector<16xi32>
    %shift_right_arithmetic3A_470 = arith.shrsi %get3A_467, %shift_right_arithmetic3A_469 : vector<16xi32>
    %mul3A_471 = arith.constant 512 : i32
    %mul3A_472 = vector.broadcast %mul3A_471 : i32 to vector<16xi32>
    %mul3A_473 = arith.muli %shift_right_arithmetic3A_470, %mul3A_472 : vector<16xi32>
    %and3A_474 = arith.constant 127 : i32
    %and3A_475 = vector.broadcast %and3A_474 : i32 to vector<16xi32>
    %and3A_476 = arith.andi %get3A_467, %and3A_475 : vector<16xi32>
    %add3A_477 = arith.addi %mul3A_473, %and3A_476 : vector<16xi32>
    %add3A_478 = arith.constant 0 : i32
    %add3A_479 = vector.broadcast %add3A_478 : i32 to vector<16xi32>
    %add3A_480 = arith.addi %add3A_477, %add3A_479 : vector<16xi32>
    %gather3A_481 = tpu.vector_load_idx %arg5[%add3A_480] : memref<2048xf32, #tpu.memory_space<vmem>>[vector<16xi32>], vector<16xf32>,
    %swap3A_482 = arith.constant 1 : i32
    %swap3A_483 = arith.constant 0 : i32
    %swap3A_484 = arith.index_cast %swap3A_482 : i32 to index
    %swap3A_485 = arith.index_cast %swap3A_483 : i32 to index
    %swap3A_486 = arith.constant 16 : index
    %swap3A_487 = tpu.vector_load %arg7[%swap3A_484, %swap3A_485, %swap3A_486] {strides = array<i32>} : memref<4x4x128xf32, #tpu.memory_space<vmem>>, vector<16xf32>,
    tpu.vector_store %arg7[%swap3A_484, %swap3A_485, %swap3A_486], %gather3A_481 {strides = array<i32>} : memref<4x4x128xf32, #tpu.memory_space<vmem>>, vector<16xf32>,
    %add3A_488 = arith.constant 128 : i32
    %add3A_489 = vector.broadcast %add3A_488 : i32 to vector<16xi32>
    %add3A_490 = arith.addi %add3A_477, %add3A_489 : vector<16xi32>
    %gather3A_491 = tpu.vector_load_idx %arg5[%add3A_490] : memref<2048xf32, #tpu.memory_space<vmem>>[vector<16xi32>], vector<16xf32>,
    %swap3A_492 = arith.constant 1 : i32
    %swap3A_493 = arith.constant 1 : i32
    %swap3A_494 = arith.index_cast %swap3A_492 : i32 to index
    %swap3A_495 = arith.index_cast %swap3A_493 : i32 to index
    %swap3A_496 = arith.constant 16 : index
    %swap3A_497 = tpu.vector_load %arg7[%swap3A_494, %swap3A_495, %swap3A_496] {strides = array<i32>} : memref<4x4x128xf32, #tpu.memory_space<vmem>>, vector<16xf32>,
    tpu.vector_store %arg7[%swap3A_494, %swap3A_495, %swap3A_496], %gather3A_491 {strides = array<i32>} : memref<4x4x128xf32, #tpu.memory_space<vmem>>, vector<16xf32>,
    %add3A_498 = arith.constant 256 : i32
    %add3A_499 = vector.broadcast %add3A_498 : i32 to vector<16xi32>
    %add3A_500 = arith.addi %add3A_477, %add3A_499 : vector<16xi32>
    %gather3A_501 = tpu.vector_load_idx %arg5[%add3A_500] : memref<2048xf32, #tpu.memory_space<vmem>>[vector<16xi32>], vector<16xf32>,
    %swap3A_502 = arith.constant 1 : i32
    %swap3A_503 = arith.constant 2 : i32
    %swap3A_504 = arith.index_cast %swap3A_502 : i32 to index
    %swap3A_505 = arith.index_cast %swap3A_503 : i32 to index
    %swap3A_506 = arith.constant 16 : index
    %swap3A_507 = tpu.vector_load %arg7[%swap3A_504, %swap3A_505, %swap3A_506] {strides = array<i32>} : memref<4x4x128xf32, #tpu.memory_space<vmem>>, vector<16xf32>,
    tpu.vector_store %arg7[%swap3A_504, %swap3A_505, %swap3A_506], %gather3A_501 {strides = array<i32>} : memref<4x4x128xf32, #tpu.memory_space<vmem>>, vector<16xf32>,
    %add3A_508 = arith.constant 384 : i32
    %add3A_509 = vector.broadcast %add3A_508 : i32 to vector<16xi32>
    %add3A_510 = arith.addi %add3A_477, %add3A_509 : vector<16xi32>
    %gather3A_511 = tpu.vector_load_idx %arg5[%add3A_510] : memref<2048xf32, #tpu.memory_space<vmem>>[vector<16xi32>], vector<16xf32>,
    %swap3A_512 = arith.constant 1 : i32
    %swap3A_513 = arith.constant 3 : i32
    %swap3A_514 = arith.index_cast %swap3A_512 : i32 to index
    %swap3A_515 = arith.index_cast %swap3A_513 : i32 to index
    %swap3A_516 = arith.constant 16 : index
    %swap3A_517 = tpu.vector_load %arg7[%swap3A_514, %swap3A_515, %swap3A_516] {strides = array<i32>} : memref<4x4x128xf32, #tpu.memory_space<vmem>>, vector<16xf32>,
    tpu.vector_store %arg7[%swap3A_514, %swap3A_515, %swap3A_516], %gather3A_511 {strides = array<i32>} : memref<4x4x128xf32, #tpu.memory_space<vmem>>, vector<16xf32>,
    %get3A_518 = arith.constant 160 : index
    %get3A_519 = tpu.vector_load %arg6[%get3A_518] {strides = array<i32>} : memref<512xi32, #tpu.memory_space<vmem>>, vector<16xi32>,
    %shift_right_arithmetic3A_520 = arith.constant 7 : i32
    %shift_right_arithmetic3A_521 = vector.broadcast %shift_right_arithmetic3A_520 : i32 to vector<16xi32>
    %shift_right_arithmetic3A_522 = arith.shrsi %get3A_519, %shift_right_arithmetic3A_521 : vector<16xi32>
    %mul3A_523 = arith.constant 512 : i32
    %mul3A_524 = vector.broadcast %mul3A_523 : i32 to vector<16xi32>
    %mul3A_525 = arith.muli %shift_right_arithmetic3A_522, %mul3A_524 : vector<16xi32>
    %and3A_526 = arith.constant 127 : i32
    %and3A_527 = vector.broadcast %and3A_526 : i32 to vector<16xi32>
    %and3A_528 = arith.andi %get3A_519, %and3A_527 : vector<16xi32>
    %add3A_529 = arith.addi %mul3A_525, %and3A_528 : vector<16xi32>
    %add3A_530 = arith.constant 0 : i32
    %add3A_531 = vector.broadcast %add3A_530 : i32 to vector<16xi32>
    %add3A_532 = arith.addi %add3A_529, %add3A_531 : vector<16xi32>
    %gather3A_533 = tpu.vector_load_idx %arg5[%add3A_532] : memref<2048xf32, #tpu.memory_space<vmem>>[vector<16xi32>], vector<16xf32>,
    %swap3A_534 = arith.constant 1 : i32
    %swap3A_535 = arith.constant 0 : i32
    %swap3A_536 = arith.index_cast %swap3A_534 : i32 to index
    %swap3A_537 = arith.index_cast %swap3A_535 : i32 to index
    %swap3A_538 = arith.constant 32 : index
    %swap3A_539 = tpu.vector_load %arg7[%swap3A_536, %swap3A_537, %swap3A_538] {strides = array<i32>} : memref<4x4x128xf32, #tpu.memory_space<vmem>>, vector<16xf32>,
    tpu.vector_store %arg7[%swap3A_536, %swap3A_537, %swap3A_538], %gather3A_533 {strides = array<i32>} : memref<4x4x128xf32, #tpu.memory_space<vmem>>, vector<16xf32>,
    %add3A_540 = arith.constant 128 : i32
    %add3A_541 = vector.broadcast %add3A_540 : i32 to vector<16xi32>
    %add3A_542 = arith.addi %add3A_529, %add3A_541 : vector<16xi32>
    %gather3A_543 = tpu.vector_load_idx %arg5[%add3A_542] : memref<2048xf32, #tpu.memory_space<vmem>>[vector<16xi32>], vector<16xf32>,
    %swap3A_544 = arith.constant 1 : i32
    %swap3A_545 = arith.constant 1 : i32
    %swap3A_546 = arith.index_cast %swap3A_544 : i32 to index
    %swap3A_547 = arith.index_cast %swap3A_545 : i32 to index
    %swap3A_548 = arith.constant 32 : index
    %swap3A_549 = tpu.vector_load %arg7[%swap3A_546, %swap3A_547, %swap3A_548] {strides = array<i32>} : memref<4x4x128xf32, #tpu.memory_space<vmem>>, vector<16xf32>,
    tpu.vector_store %arg7[%swap3A_546, %swap3A_547, %swap3A_548], %gather3A_543 {strides = array<i32>} : memref<4x4x128xf32, #tpu.memory_space<vmem>>, vector<16xf32>,
    %add3A_550 = arith.constant 256 : i32
    %add3A_551 = vector.broadcast %add3A_550 : i32 to vector<16xi32>
    %add3A_552 = arith.addi %add3A_529, %add3A_551 : vector<16xi32>
    %gather3A_553 = tpu.vector_load_idx %arg5[%add3A_552] : memref<2048xf32, #tpu.memory_space<vmem>>[vector<16xi32>], vector<16xf32>,
    %swap3A_554 = arith.constant 1 : i32
    %swap3A_555 = arith.constant 2 : i32
    %swap3A_556 = arith.index_cast %swap3A_554 : i32 to index
    %swap3A_557 = arith.index_cast %swap3A_555 : i32 to index
    %swap3A_558 = arith.constant 32 : index
    %swap3A_559 = tpu.vector_load %arg7[%swap3A_556, %swap3A_557, %swap3A_558] {strides = array<i32>} : memref<4x4x128xf32, #tpu.memory_space<vmem>>, vector<16xf32>,
    tpu.vector_store %arg7[%swap3A_556, %swap3A_557, %swap3A_558], %gather3A_553 {strides = array<i32>} : memref<4x4x128xf32, #tpu.memory_space<vmem>>, vector<16xf32>,
    %add3A_560 = arith.constant 384 : i32
    %add3A_561 = vector.broadcast %add3A_560 : i32 to vector<16xi32>
    %add3A_562 = arith.addi %add3A_529, %add3A_561 : vector<16xi32>
    %gather3A_563 = tpu.vector_load_idx %arg5[%add3A_562] : memref<2048xf32, #tpu.memory_space<vmem>>[vector<16xi32>], vector<16xf32>,
    %swap3A_564 = arith.constant 1 : i32
    %swap3A_565 = arith.constant 3 : i32
    %swap3A_566 = arith.index_cast %swap3A_564 : i32 to index
    %swap3A_567 = arith.index_cast %swap3A_565 : i32 to index
    %swap3A_568 = arith.constant 32 : index
    %swap3A_569 = tpu.vector_load %arg7[%swap3A_566, %swap3A_567, %swap3A_568] {strides = array<i32>} : memref<4x4x128xf32, #tpu.memory_space<vmem>>, vector<16xf32>,
    tpu.vector_store %arg7[%swap3A_566, %swap3A_567, %swap3A_568], %gather3A_563 {strides = array<i32>} : memref<4x4x128xf32, #tpu.memory_space<vmem>>, vector<16xf32>,
    %get3A_570 = arith.constant 176 : index
    %get3A_571 = tpu.vector_load %arg6[%get3A_570] {strides = array<i32>} : memref<512xi32, #tpu.memory_space<vmem>>, vector<16xi32>,
    %shift_right_arithmetic3A_572 = arith.constant 7 : i32
    %shift_right_arithmetic3A_573 = vector.broadcast %shift_right_arithmetic3A_572 : i32 to vector<16xi32>
    %shift_right_arithmetic3A_574 = arith.shrsi %get3A_571, %shift_right_arithmetic3A_573 : vector<16xi32>
    %mul3A_575 = arith.constant 512 : i32
    %mul3A_576 = vector.broadcast %mul3A_575 : i32 to vector<16xi32>
    %mul3A_577 = arith.muli %shift_right_arithmetic3A_574, %mul3A_576 : vector<16xi32>
    %and3A_578 = arith.constant 127 : i32
    %and3A_579 = vector.broadcast %and3A_578 : i32 to vector<16xi32>
    %and3A_580 = arith.andi %get3A_571, %and3A_579 : vector<16xi32>
    %add3A_581 = arith.addi %mul3A_577, %and3A_580 : vector<16xi32>
    %add3A_582 = arith.constant 0 : i32
    %add3A_583 = vector.broadcast %add3A_582 : i32 to vector<16xi32>
    %add3A_584 = arith.addi %add3A_581, %add3A_583 : vector<16xi32>
    %gather3A_585 = tpu.vector_load_idx %arg5[%add3A_584] : memref<2048xf32, #tpu.memory_space<vmem>>[vector<16xi32>], vector<16xf32>,
    %swap3A_586 = arith.constant 1 : i32
    %swap3A_587 = arith.constant 0 : i32
    %swap3A_588 = arith.index_cast %swap3A_586 : i32 to index
    %swap3A_589 = arith.index_cast %swap3A_587 : i32 to index
    %swap3A_590 = arith.constant 48 : index
    %swap3A_591 = tpu.vector_load %arg7[%swap3A_588, %swap3A_589, %swap3A_590] {strides = array<i32>} : memref<4x4x128xf32, #tpu.memory_space<vmem>>, vector<16xf32>,
    tpu.vector_store %arg7[%swap3A_588, %swap3A_589, %swap3A_590], %gather3A_585 {strides = array<i32>} : memref<4x4x128xf32, #tpu.memory_space<vmem>>, vector<16xf32>,
    %add3A_592 = arith.constant 128 : i32
    %add3A_593 = vector.broadcast %add3A_592 : i32 to vector<16xi32>
    %add3A_594 = arith.addi %add3A_581, %add3A_593 : vector<16xi32>
    %gather3A_595 = tpu.vector_load_idx %arg5[%add3A_594] : memref<2048xf32, #tpu.memory_space<vmem>>[vector<16xi32>], vector<16xf32>,
    %swap3A_596 = arith.constant 1 : i32
    %swap3A_597 = arith.constant 1 : i32
    %swap3A_598 = arith.index_cast %swap3A_596 : i32 to index
    %swap3A_599 = arith.index_cast %swap3A_597 : i32 to index
    %swap3A_600 = arith.constant 48 : index
    %swap3A_601 = tpu.vector_load %arg7[%swap3A_598, %swap3A_599, %swap3A_600] {strides = array<i32>} : memref<4x4x128xf32, #tpu.memory_space<vmem>>, vector<16xf32>,
    tpu.vector_store %arg7[%swap3A_598, %swap3A_599, %swap3A_600], %gather3A_595 {strides = array<i32>} : memref<4x4x128xf32, #tpu.memory_space<vmem>>, vector<16xf32>,
    %add3A_602 = arith.constant 256 : i32
    %add3A_603 = vector.broadcast %add3A_602 : i32 to vector<16xi32>
    %add3A_604 = arith.addi %add3A_581, %add3A_603 : vector<16xi32>
    %gather3A_605 = tpu.vector_load_idx %arg5[%add3A_604] : memref<2048xf32, #tpu.memory_space<vmem>>[vector<16xi32>], vector<16xf32>,
    %swap3A_606 = arith.constant 1 : i32
    %swap3A_607 = arith.constant 2 : i32
    %swap3A_608 = arith.index_cast %swap3A_606 : i32 to index
    %swap3A_609 = arith.index_cast %swap3A_607 : i32 to index
    %swap3A_610 = arith.constant 48 : index
    %swap3A_611 = tpu.vector_load %arg7[%swap3A_608, %swap3A_609, %swap3A_610] {strides = array<i32>} : memref<4x4x128xf32, #tpu.memory_space<vmem>>, vector<16xf32>,
    tpu.vector_store %arg7[%swap3A_608, %swap3A_609, %swap3A_610], %gather3A_605 {strides = array<i32>} : memref<4x4x128xf32, #tpu.memory_space<vmem>>, vector<16xf32>,
    %add3A_612 = arith.constant 384 : i32
    %add3A_613 = vector.broadcast %add3A_612 : i32 to vector<16xi32>
    %add3A_614 = arith.addi %add3A_581, %add3A_613 : vector<16xi32>
    %gather3A_615 = tpu.vector_load_idx %arg5[%add3A_614] : memref<2048xf32, #tpu.memory_space<vmem>>[vector<16xi32>], vector<16xf32>,
    %swap3A_616 = arith.constant 1 : i32
    %swap3A_617 = arith.constant 3 : i32
    %swap3A_618 = arith.index_cast %swap3A_616 : i32 to index
    %swap3A_619 = arith.index_cast %swap3A_617 : i32 to index
    %swap3A_620 = arith.constant 48 : index
    %swap3A_621 = tpu.vector_load %arg7[%swap3A_618, %swap3A_619, %swap3A_620] {strides = array<i32>} : memref<4x4x128xf32, #tpu.memory_space<vmem>>, vector<16xf32>,
    tpu.vector_store %arg7[%swap3A_618, %swap3A_619, %swap3A_620], %gather3A_615 {strides = array<i32>} : memref<4x4x128xf32, #tpu.memory_space<vmem>>, vector<16xf32>,
    %get3A_622 = arith.constant 192 : index
    %get3A_623 = tpu.vector_load %arg6[%get3A_622] {strides = array<i32>} : memref<512xi32, #tpu.memory_space<vmem>>, vector<16xi32>,
    %shift_right_arithmetic3A_624 = arith.constant 7 : i32
    %shift_right_arithmetic3A_625 = vector.broadcast %shift_right_arithmetic3A_624 : i32 to vector<16xi32>
    %shift_right_arithmetic3A_626 = arith.shrsi %get3A_623, %shift_right_arithmetic3A_625 : vector<16xi32>
    %mul3A_627 = arith.constant 512 : i32
    %mul3A_628 = vector.broadcast %mul3A_627 : i32 to vector<16xi32>
    %mul3A_629 = arith.muli %shift_right_arithmetic3A_626, %mul3A_628 : vector<16xi32>
    %and3A_630 = arith.constant 127 : i32
    %and3A_631 = vector.broadcast %and3A_630 : i32 to vector<16xi32>
    %and3A_632 = arith.andi %get3A_623, %and3A_631 : vector<16xi32>
    %add3A_633 = arith.addi %mul3A_629, %and3A_632 : vector<16xi32>
    %add3A_634 = arith.constant 0 : i32
    %add3A_635 = vector.broadcast %add3A_634 : i32 to vector<16xi32>
    %add3A_636 = arith.addi %add3A_633, %add3A_635 : vector<16xi32>
    %gather3A_637 = tpu.vector_load_idx %arg5[%add3A_636] : memref<2048xf32, #tpu.memory_space<vmem>>[vector<16xi32>], vector<16xf32>,
    %swap3A_638 = arith.constant 1 : i32
    %swap3A_639 = arith.constant 0 : i32
    %swap3A_640 = arith.index_cast %swap3A_638 : i32 to index
    %swap3A_641 = arith.index_cast %swap3A_639 : i32 to index
    %swap3A_642 = arith.constant 64 : index
    %swap3A_643 = tpu.vector_load %arg7[%swap3A_640, %swap3A_641, %swap3A_642] {strides = array<i32>} : memref<4x4x128xf32, #tpu.memory_space<vmem>>, vector<16xf32>,
    tpu.vector_store %arg7[%swap3A_640, %swap3A_641, %swap3A_642], %gather3A_637 {strides = array<i32>} : memref<4x4x128xf32, #tpu.memory_space<vmem>>, vector<16xf32>,
    %add3A_644 = arith.constant 128 : i32
    %add3A_645 = vector.broadcast %add3A_644 : i32 to vector<16xi32>
    %add3A_646 = arith.addi %add3A_633, %add3A_645 : vector<16xi32>
    %gather3A_647 = tpu.vector_load_idx %arg5[%add3A_646] : memref<2048xf32, #tpu.memory_space<vmem>>[vector<16xi32>], vector<16xf32>,
    %swap3A_648 = arith.constant 1 : i32
    %swap3A_649 = arith.constant 1 : i32
    %swap3A_650 = arith.index_cast %swap3A_648 : i32 to index
    %swap3A_651 = arith.index_cast %swap3A_649 : i32 to index
    %swap3A_652 = arith.constant 64 : index
    %swap3A_653 = tpu.vector_load %arg7[%swap3A_650, %swap3A_651, %swap3A_652] {strides = array<i32>} : memref<4x4x128xf32, #tpu.memory_space<vmem>>, vector<16xf32>,
    tpu.vector_store %arg7[%swap3A_650, %swap3A_651, %swap3A_652], %gather3A_647 {strides = array<i32>} : memref<4x4x128xf32, #tpu.memory_space<vmem>>, vector<16xf32>,
    %add3A_654 = arith.constant 256 : i32
    %add3A_655 = vector.broadcast %add3A_654 : i32 to vector<16xi32>
    %add3A_656 = arith.addi %add3A_633, %add3A_655 : vector<16xi32>
    %gather3A_657 = tpu.vector_load_idx %arg5[%add3A_656] : memref<2048xf32, #tpu.memory_space<vmem>>[vector<16xi32>], vector<16xf32>,
    %swap3A_658 = arith.constant 1 : i32
    %swap3A_659 = arith.constant 2 : i32
    %swap3A_660 = arith.index_cast %swap3A_658 : i32 to index
    %swap3A_661 = arith.index_cast %swap3A_659 : i32 to index
    %swap3A_662 = arith.constant 64 : index
    %swap3A_663 = tpu.vector_load %arg7[%swap3A_660, %swap3A_661, %swap3A_662] {strides = array<i32>} : memref<4x4x128xf32, #tpu.memory_space<vmem>>, vector<16xf32>,
    tpu.vector_store %arg7[%swap3A_660, %swap3A_661, %swap3A_662], %gather3A_657 {strides = array<i32>} : memref<4x4x128xf32, #tpu.memory_space<vmem>>, vector<16xf32>,
    %add3A_664 = arith.constant 384 : i32
    %add3A_665 = vector.broadcast %add3A_664 : i32 to vector<16xi32>
    %add3A_666 = arith.addi %add3A_633, %add3A_665 : vector<16xi32>
    %gather3A_667 = tpu.vector_load_idx %arg5[%add3A_666] : memref<2048xf32, #tpu.memory_space<vmem>>[vector<16xi32>], vector<16xf32>,
    %swap3A_668 = arith.constant 1 : i32
    %swap3A_669 = arith.constant 3 : i32
    %swap3A_670 = arith.index_cast %swap3A_668 : i32 to index
    %swap3A_671 = arith.index_cast %swap3A_669 : i32 to index
    %swap3A_672 = arith.constant 64 : index
    %swap3A_673 = tpu.vector_load %arg7[%swap3A_670, %swap3A_671, %swap3A_672] {strides = array<i32>} : memref<4x4x128xf32, #tpu.memory_space<vmem>>, vector<16xf32>,
    tpu.vector_store %arg7[%swap3A_670, %swap3A_671, %swap3A_672], %gather3A_667 {strides = array<i32>} : memref<4x4x128xf32, #tpu.memory_space<vmem>>, vector<16xf32>,
    %get3A_674 = arith.constant 208 : index
    %get3A_675 = tpu.vector_load %arg6[%get3A_674] {strides = array<i32>} : memref<512xi32, #tpu.memory_space<vmem>>, vector<16xi32>,
    %shift_right_arithmetic3A_676 = arith.constant 7 : i32
    %shift_right_arithmetic3A_677 = vector.broadcast %shift_right_arithmetic3A_676 : i32 to vector<16xi32>
    %shift_right_arithmetic3A_678 = arith.shrsi %get3A_675, %shift_right_arithmetic3A_677 : vector<16xi32>
    %mul3A_679 = arith.constant 512 : i32
    %mul3A_680 = vector.broadcast %mul3A_679 : i32 to vector<16xi32>
    %mul3A_681 = arith.muli %shift_right_arithmetic3A_678, %mul3A_680 : vector<16xi32>
    %and3A_682 = arith.constant 127 : i32
    %and3A_683 = vector.broadcast %and3A_682 : i32 to vector<16xi32>
    %and3A_684 = arith.andi %get3A_675, %and3A_683 : vector<16xi32>
    %add3A_685 = arith.addi %mul3A_681, %and3A_684 : vector<16xi32>
    %add3A_686 = arith.constant 0 : i32
    %add3A_687 = vector.broadcast %add3A_686 : i32 to vector<16xi32>
    %add3A_688 = arith.addi %add3A_685, %add3A_687 : vector<16xi32>
    %gather3A_689 = tpu.vector_load_idx %arg5[%add3A_688] : memref<2048xf32, #tpu.memory_space<vmem>>[vector<16xi32>], vector<16xf32>,
    %swap3A_690 = arith.constant 1 : i32
    %swap3A_691 = arith.constant 0 : i32
    %swap3A_692 = arith.index_cast %swap3A_690 : i32 to index
    %swap3A_693 = arith.index_cast %swap3A_691 : i32 to index
    %swap3A_694 = arith.constant 80 : index
    %swap3A_695 = tpu.vector_load %arg7[%swap3A_692, %swap3A_693, %swap3A_694] {strides = array<i32>} : memref<4x4x128xf32, #tpu.memory_space<vmem>>, vector<16xf32>,
    tpu.vector_store %arg7[%swap3A_692, %swap3A_693, %swap3A_694], %gather3A_689 {strides = array<i32>} : memref<4x4x128xf32, #tpu.memory_space<vmem>>, vector<16xf32>,
    %add3A_696 = arith.constant 128 : i32
    %add3A_697 = vector.broadcast %add3A_696 : i32 to vector<16xi32>
    %add3A_698 = arith.addi %add3A_685, %add3A_697 : vector<16xi32>
    %gather3A_699 = tpu.vector_load_idx %arg5[%add3A_698] : memref<2048xf32, #tpu.memory_space<vmem>>[vector<16xi32>], vector<16xf32>,
    %swap3A_700 = arith.constant 1 : i32
    %swap3A_701 = arith.constant 1 : i32
    %swap3A_702 = arith.index_cast %swap3A_700 : i32 to index
    %swap3A_703 = arith.index_cast %swap3A_701 : i32 to index
    %swap3A_704 = arith.constant 80 : index
    %swap3A_705 = tpu.vector_load %arg7[%swap3A_702, %swap3A_703, %swap3A_704] {strides = array<i32>} : memref<4x4x128xf32, #tpu.memory_space<vmem>>, vector<16xf32>,
    tpu.vector_store %arg7[%swap3A_702, %swap3A_703, %swap3A_704], %gather3A_699 {strides = array<i32>} : memref<4x4x128xf32, #tpu.memory_space<vmem>>, vector<16xf32>,
    %add3A_706 = arith.constant 256 : i32
    %add3A_707 = vector.broadcast %add3A_706 : i32 to vector<16xi32>
    %add3A_708 = arith.addi %add3A_685, %add3A_707 : vector<16xi32>
    %gather3A_709 = tpu.vector_load_idx %arg5[%add3A_708] : memref<2048xf32, #tpu.memory_space<vmem>>[vector<16xi32>], vector<16xf32>,
    %swap3A_710 = arith.constant 1 : i32
    %swap3A_711 = arith.constant 2 : i32
    %swap3A_712 = arith.index_cast %swap3A_710 : i32 to index
    %swap3A_713 = arith.index_cast %swap3A_711 : i32 to index
    %swap3A_714 = arith.constant 80 : index
    %swap3A_715 = tpu.vector_load %arg7[%swap3A_712, %swap3A_713, %swap3A_714] {strides = array<i32>} : memref<4x4x128xf32, #tpu.memory_space<vmem>>, vector<16xf32>,
    tpu.vector_store %arg7[%swap3A_712, %swap3A_713, %swap3A_714], %gather3A_709 {strides = array<i32>} : memref<4x4x128xf32, #tpu.memory_space<vmem>>, vector<16xf32>,
    %add3A_716 = arith.constant 384 : i32
    %add3A_717 = vector.broadcast %add3A_716 : i32 to vector<16xi32>
    %add3A_718 = arith.addi %add3A_685, %add3A_717 : vector<16xi32>
    %gather3A_719 = tpu.vector_load_idx %arg5[%add3A_718] : memref<2048xf32, #tpu.memory_space<vmem>>[vector<16xi32>], vector<16xf32>,
    %swap3A_720 = arith.constant 1 : i32
    %swap3A_721 = arith.constant 3 : i32
    %swap3A_722 = arith.index_cast %swap3A_720 : i32 to index
    %swap3A_723 = arith.index_cast %swap3A_721 : i32 to index
    %swap3A_724 = arith.constant 80 : index
    %swap3A_725 = tpu.vector_load %arg7[%swap3A_722, %swap3A_723, %swap3A_724] {strides = array<i32>} : memref<4x4x128xf32, #tpu.memory_space<vmem>>, vector<16xf32>,
    tpu.vector_store %arg7[%swap3A_722, %swap3A_723, %swap3A_724], %gather3A_719 {strides = array<i32>} : memref<4x4x128xf32, #tpu.memory_space<vmem>>, vector<16xf32>,
    %get3A_726 = arith.constant 224 : index
    %get3A_727 = tpu.vector_load %arg6[%get3A_726] {strides = array<i32>} : memref<512xi32, #tpu.memory_space<vmem>>, vector<16xi32>,
    %shift_right_arithmetic3A_728 = arith.constant 7 : i32
    %shift_right_arithmetic3A_729 = vector.broadcast %shift_right_arithmetic3A_728 : i32 to vector<16xi32>
    %shift_right_arithmetic3A_730 = arith.shrsi %get3A_727, %shift_right_arithmetic3A_729 : vector<16xi32>
    %mul3A_731 = arith.constant 512 : i32
    %mul3A_732 = vector.broadcast %mul3A_731 : i32 to vector<16xi32>
    %mul3A_733 = arith.muli %shift_right_arithmetic3A_730, %mul3A_732 : vector<16xi32>
    %and3A_734 = arith.constant 127 : i32
    %and3A_735 = vector.broadcast %and3A_734 : i32 to vector<16xi32>
    %and3A_736 = arith.andi %get3A_727, %and3A_735 : vector<16xi32>
    %add3A_737 = arith.addi %mul3A_733, %and3A_736 : vector<16xi32>
    %add3A_738 = arith.constant 0 : i32
    %add3A_739 = vector.broadcast %add3A_738 : i32 to vector<16xi32>
    %add3A_740 = arith.addi %add3A_737, %add3A_739 : vector<16xi32>
    %gather3A_741 = tpu.vector_load_idx %arg5[%add3A_740] : memref<2048xf32, #tpu.memory_space<vmem>>[vector<16xi32>], vector<16xf32>,
    %swap3A_742 = arith.constant 1 : i32
    %swap3A_743 = arith.constant 0 : i32
    %swap3A_744 = arith.index_cast %swap3A_742 : i32 to index
    %swap3A_745 = arith.index_cast %swap3A_743 : i32 to index
    %swap3A_746 = arith.constant 96 : index
    %swap3A_747 = tpu.vector_load %arg7[%swap3A_744, %swap3A_745, %swap3A_746] {strides = array<i32>} : memref<4x4x128xf32, #tpu.memory_space<vmem>>, vector<16xf32>,
    tpu.vector_store %arg7[%swap3A_744, %swap3A_745, %swap3A_746], %gather3A_741 {strides = array<i32>} : memref<4x4x128xf32, #tpu.memory_space<vmem>>, vector<16xf32>,
    %add3A_748 = arith.constant 128 : i32
    %add3A_749 = vector.broadcast %add3A_748 : i32 to vector<16xi32>
    %add3A_750 = arith.addi %add3A_737, %add3A_749 : vector<16xi32>
    %gather3A_751 = tpu.vector_load_idx %arg5[%add3A_750] : memref<2048xf32, #tpu.memory_space<vmem>>[vector<16xi32>], vector<16xf32>,
    %swap3A_752 = arith.constant 1 : i32
    %swap3A_753 = arith.constant 1 : i32
    %swap3A_754 = arith.index_cast %swap3A_752 : i32 to index
    %swap3A_755 = arith.index_cast %swap3A_753 : i32 to index
    %swap3A_756 = arith.constant 96 : index
    %swap3A_757 = tpu.vector_load %arg7[%swap3A_754, %swap3A_755, %swap3A_756] {strides = array<i32>} : memref<4x4x128xf32, #tpu.memory_space<vmem>>, vector<16xf32>,
    tpu.vector_store %arg7[%swap3A_754, %swap3A_755, %swap3A_756], %gather3A_751 {strides = array<i32>} : memref<4x4x128xf32, #tpu.memory_space<vmem>>, vector<16xf32>,
    %add3A_758 = arith.constant 256 : i32
    %add3A_759 = vector.broadcast %add3A_758 : i32 to vector<16xi32>
    %add3A_760 = arith.addi %add3A_737, %add3A_759 : vector<16xi32>
    %gather3A_761 = tpu.vector_load_idx %arg5[%add3A_760] : memref<2048xf32, #tpu.memory_space<vmem>>[vector<16xi32>], vector<16xf32>,
    %swap3A_762 = arith.constant 1 : i32
    %swap3A_763 = arith.constant 2 : i32
    %swap3A_764 = arith.index_cast %swap3A_762 : i32 to index
    %swap3A_765 = arith.index_cast %swap3A_763 : i32 to index
    %swap3A_766 = arith.constant 96 : index
    %swap3A_767 = tpu.vector_load %arg7[%swap3A_764, %swap3A_765, %swap3A_766] {strides = array<i32>} : memref<4x4x128xf32, #tpu.memory_space<vmem>>, vector<16xf32>,
    tpu.vector_store %arg7[%swap3A_764, %swap3A_765, %swap3A_766], %gather3A_761 {strides = array<i32>} : memref<4x4x128xf32, #tpu.memory_space<vmem>>, vector<16xf32>,
    %add3A_768 = arith.constant 384 : i32
    %add3A_769 = vector.broadcast %add3A_768 : i32 to vector<16xi32>
    %add3A_770 = arith.addi %add3A_737, %add3A_769 : vector<16xi32>
    %gather3A_771 = tpu.vector_load_idx %arg5[%add3A_770] : memref<2048xf32, #tpu.memory_space<vmem>>[vector<16xi32>], vector<16xf32>,
    %swap3A_772 = arith.constant 1 : i32
    %swap3A_773 = arith.constant 3 : i32
    %swap3A_774 = arith.index_cast %swap3A_772 : i32 to index
    %swap3A_775 = arith.index_cast %swap3A_773 : i32 to index
    %swap3A_776 = arith.constant 96 : index
    %swap3A_777 = tpu.vector_load %arg7[%swap3A_774, %swap3A_775, %swap3A_776] {strides = array<i32>} : memref<4x4x128xf32, #tpu.memory_space<vmem>>, vector<16xf32>,
    tpu.vector_store %arg7[%swap3A_774, %swap3A_775, %swap3A_776], %gather3A_771 {strides = array<i32>} : memref<4x4x128xf32, #tpu.memory_space<vmem>>, vector<16xf32>,
    %get3A_778 = arith.constant 240 : index
    %get3A_779 = tpu.vector_load %arg6[%get3A_778] {strides = array<i32>} : memref<512xi32, #tpu.memory_space<vmem>>, vector<16xi32>,
    %shift_right_arithmetic3A_780 = arith.constant 7 : i32
    %shift_right_arithmetic3A_781 = vector.broadcast %shift_right_arithmetic3A_780 : i32 to vector<16xi32>
    %shift_right_arithmetic3A_782 = arith.shrsi %get3A_779, %shift_right_arithmetic3A_781 : vector<16xi32>
    %mul3A_783 = arith.constant 512 : i32
    %mul3A_784 = vector.broadcast %mul3A_783 : i32 to vector<16xi32>
    %mul3A_785 = arith.muli %shift_right_arithmetic3A_782, %mul3A_784 : vector<16xi32>
    %and3A_786 = arith.constant 127 : i32
    %and3A_787 = vector.broadcast %and3A_786 : i32 to vector<16xi32>
    %and3A_788 = arith.andi %get3A_779, %and3A_787 : vector<16xi32>
    %add3A_789 = arith.addi %mul3A_785, %and3A_788 : vector<16xi32>
    %add3A_790 = arith.constant 0 : i32
    %add3A_791 = vector.broadcast %add3A_790 : i32 to vector<16xi32>
    %add3A_792 = arith.addi %add3A_789, %add3A_791 : vector<16xi32>
    %gather3A_793 = tpu.vector_load_idx %arg5[%add3A_792] : memref<2048xf32, #tpu.memory_space<vmem>>[vector<16xi32>], vector<16xf32>,
    %swap3A_794 = arith.constant 1 : i32
    %swap3A_795 = arith.constant 0 : i32
    %swap3A_796 = arith.index_cast %swap3A_794 : i32 to index
    %swap3A_797 = arith.index_cast %swap3A_795 : i32 to index
    %swap3A_798 = arith.constant 112 : index
    %swap3A_799 = tpu.vector_load %arg7[%swap3A_796, %swap3A_797, %swap3A_798] {strides = array<i32>} : memref<4x4x128xf32, #tpu.memory_space<vmem>>, vector<16xf32>,
    tpu.vector_store %arg7[%swap3A_796, %swap3A_797, %swap3A_798], %gather3A_793 {strides = array<i32>} : memref<4x4x128xf32, #tpu.memory_space<vmem>>, vector<16xf32>,
    %add3A_800 = arith.constant 128 : i32
    %add3A_801 = vector.broadcast %add3A_800 : i32 to vector<16xi32>
    %add3A_802 = arith.addi %add3A_789, %add3A_801 : vector<16xi32>
    %gather3A_803 = tpu.vector_load_idx %arg5[%add3A_802] : memref<2048xf32, #tpu.memory_space<vmem>>[vector<16xi32>], vector<16xf32>,
    %swap3A_804 = arith.constant 1 : i32
    %swap3A_805 = arith.constant 1 : i32
    %swap3A_806 = arith.index_cast %swap3A_804 : i32 to index
    %swap3A_807 = arith.index_cast %swap3A_805 : i32 to index
    %swap3A_808 = arith.constant 112 : index
    %swap3A_809 = tpu.vector_load %arg7[%swap3A_806, %swap3A_807, %swap3A_808] {strides = array<i32>} : memref<4x4x128xf32, #tpu.memory_space<vmem>>, vector<16xf32>,
    tpu.vector_store %arg7[%swap3A_806, %swap3A_807, %swap3A_808], %gather3A_803 {strides = array<i32>} : memref<4x4x128xf32, #tpu.memory_space<vmem>>, vector<16xf32>,
    %add3A_810 = arith.constant 256 : i32
    %add3A_811 = vector.broadcast %add3A_810 : i32 to vector<16xi32>
    %add3A_812 = arith.addi %add3A_789, %add3A_811 : vector<16xi32>
    %gather3A_813 = tpu.vector_load_idx %arg5[%add3A_812] : memref<2048xf32, #tpu.memory_space<vmem>>[vector<16xi32>], vector<16xf32>,
    %swap3A_814 = arith.constant 1 : i32
    %swap3A_815 = arith.constant 2 : i32
    %swap3A_816 = arith.index_cast %swap3A_814 : i32 to index
    %swap3A_817 = arith.index_cast %swap3A_815 : i32 to index
    %swap3A_818 = arith.constant 112 : index
    %swap3A_819 = tpu.vector_load %arg7[%swap3A_816, %swap3A_817, %swap3A_818] {strides = array<i32>} : memref<4x4x128xf32, #tpu.memory_space<vmem>>, vector<16xf32>,
    tpu.vector_store %arg7[%swap3A_816, %swap3A_817, %swap3A_818], %gather3A_813 {strides = array<i32>} : memref<4x4x128xf32, #tpu.memory_space<vmem>>, vector<16xf32>,
    %add3A_820 = arith.constant 384 : i32
    %add3A_821 = vector.broadcast %add3A_820 : i32 to vector<16xi32>
    %add3A_822 = arith.addi %add3A_789, %add3A_821 : vector<16xi32>
    %gather3A_823 = tpu.vector_load_idx %arg5[%add3A_822] : memref<2048xf32, #tpu.memory_space<vmem>>[vector<16xi32>], vector<16xf32>,
    %swap3A_824 = arith.constant 1 : i32
    %swap3A_825 = arith.constant 3 : i32
    %swap3A_826 = arith.index_cast %swap3A_824 : i32 to index
    %swap3A_827 = arith.index_cast %swap3A_825 : i32 to index
    %swap3A_828 = arith.constant 112 : index
    %swap3A_829 = tpu.vector_load %arg7[%swap3A_826, %swap3A_827, %swap3A_828] {strides = array<i32>} : memref<4x4x128xf32, #tpu.memory_space<vmem>>, vector<16xf32>,
    tpu.vector_store %arg7[%swap3A_826, %swap3A_827, %swap3A_828], %gather3A_823 {strides = array<i32>} : memref<4x4x128xf32, #tpu.memory_space<vmem>>, vector<16xf32>,
    %get3A_830 = arith.constant 256 : index
    %get3A_831 = tpu.vector_load %arg6[%get3A_830] {strides = array<i32>} : memref<512xi32, #tpu.memory_space<vmem>>, vector<16xi32>,
    %shift_right_arithmetic3A_832 = arith.constant 7 : i32
    %shift_right_arithmetic3A_833 = vector.broadcast %shift_right_arithmetic3A_832 : i32 to vector<16xi32>
    %shift_right_arithmetic3A_834 = arith.shrsi %get3A_831, %shift_right_arithmetic3A_833 : vector<16xi32>
    %mul3A_835 = arith.constant 512 : i32
    %mul3A_836 = vector.broadcast %mul3A_835 : i32 to vector<16xi32>
    %mul3A_837 = arith.muli %shift_right_arithmetic3A_834, %mul3A_836 : vector<16xi32>
    %and3A_838 = arith.constant 127 : i32
    %and3A_839 = vector.broadcast %and3A_838 : i32 to vector<16xi32>
    %and3A_840 = arith.andi %get3A_831, %and3A_839 : vector<16xi32>
    %add3A_841 = arith.addi %mul3A_837, %and3A_840 : vector<16xi32>
    %add3A_842 = arith.constant 0 : i32
    %add3A_843 = vector.broadcast %add3A_842 : i32 to vector<16xi32>
    %add3A_844 = arith.addi %add3A_841, %add3A_843 : vector<16xi32>
    %gather3A_845 = tpu.vector_load_idx %arg5[%add3A_844] : memref<2048xf32, #tpu.memory_space<vmem>>[vector<16xi32>], vector<16xf32>,
    %swap3A_846 = arith.constant 2 : i32
    %swap3A_847 = arith.constant 0 : i32
    %swap3A_848 = arith.index_cast %swap3A_846 : i32 to index
    %swap3A_849 = arith.index_cast %swap3A_847 : i32 to index
    %swap3A_850 = arith.constant 0 : index
    %swap3A_851 = tpu.vector_load %arg7[%swap3A_848, %swap3A_849, %swap3A_850] {strides = array<i32>} : memref<4x4x128xf32, #tpu.memory_space<vmem>>, vector<16xf32>,
    tpu.vector_store %arg7[%swap3A_848, %swap3A_849, %swap3A_850], %gather3A_845 {strides = array<i32>} : memref<4x4x128xf32, #tpu.memory_space<vmem>>, vector<16xf32>,
    %add3A_852 = arith.constant 128 : i32
    %add3A_853 = vector.broadcast %add3A_852 : i32 to vector<16xi32>
    %add3A_854 = arith.addi %add3A_841, %add3A_853 : vector<16xi32>
    %gather3A_855 = tpu.vector_load_idx %arg5[%add3A_854] : memref<2048xf32, #tpu.memory_space<vmem>>[vector<16xi32>], vector<16xf32>,
    %swap3A_856 = arith.constant 2 : i32
    %swap3A_857 = arith.constant 1 : i32
    %swap3A_858 = arith.index_cast %swap3A_856 : i32 to index
    %swap3A_859 = arith.index_cast %swap3A_857 : i32 to index
    %swap3A_860 = arith.constant 0 : index
    %swap3A_861 = tpu.vector_load %arg7[%swap3A_858, %swap3A_859, %swap3A_860] {strides = array<i32>} : memref<4x4x128xf32, #tpu.memory_space<vmem>>, vector<16xf32>,
    tpu.vector_store %arg7[%swap3A_858, %swap3A_859, %swap3A_860], %gather3A_855 {strides = array<i32>} : memref<4x4x128xf32, #tpu.memory_space<vmem>>, vector<16xf32>,
    %add3A_862 = arith.constant 256 : i32
    %add3A_863 = vector.broadcast %add3A_862 : i32 to vector<16xi32>
    %add3A_864 = arith.addi %add3A_841, %add3A_863 : vector<16xi32>
    %gather3A_865 = tpu.vector_load_idx %arg5[%add3A_864] : memref<2048xf32, #tpu.memory_space<vmem>>[vector<16xi32>], vector<16xf32>,
    %swap3A_866 = arith.constant 2 : i32
    %swap3A_867 = arith.constant 2 : i32
    %swap3A_868 = arith.index_cast %swap3A_866 : i32 to index
    %swap3A_869 = arith.index_cast %swap3A_867 : i32 to index
    %swap3A_870 = arith.constant 0 : index
    %swap3A_871 = tpu.vector_load %arg7[%swap3A_868, %swap3A_869, %swap3A_870] {strides = array<i32>} : memref<4x4x128xf32, #tpu.memory_space<vmem>>, vector<16xf32>,
    tpu.vector_store %arg7[%swap3A_868, %swap3A_869, %swap3A_870], %gather3A_865 {strides = array<i32>} : memref<4x4x128xf32, #tpu.memory_space<vmem>>, vector<16xf32>,
    %add3A_872 = arith.constant 384 : i32
    %add3A_873 = vector.broadcast %add3A_872 : i32 to vector<16xi32>
    %add3A_874 = arith.addi %add3A_841, %add3A_873 : vector<16xi32>
    %gather3A_875 = tpu.vector_load_idx %arg5[%add3A_874] : memref<2048xf32, #tpu.memory_space<vmem>>[vector<16xi32>], vector<16xf32>,
    %swap3A_876 = arith.constant 2 : i32
    %swap3A_877 = arith.constant 3 : i32
    %swap3A_878 = arith.index_cast %swap3A_876 : i32 to index
    %swap3A_879 = arith.index_cast %swap3A_877 : i32 to index
    %swap3A_880 = arith.constant 0 : index
    %swap3A_881 = tpu.vector_load %arg7[%swap3A_878, %swap3A_879, %swap3A_880] {strides = array<i32>} : memref<4x4x128xf32, #tpu.memory_space<vmem>>, vector<16xf32>,
    tpu.vector_store %arg7[%swap3A_878, %swap3A_879, %swap3A_880], %gather3A_875 {strides = array<i32>} : memref<4x4x128xf32, #tpu.memory_space<vmem>>, vector<16xf32>,
    %get3A_882 = arith.constant 272 : index
    %get3A_883 = tpu.vector_load %arg6[%get3A_882] {strides = array<i32>} : memref<512xi32, #tpu.memory_space<vmem>>, vector<16xi32>,
    %shift_right_arithmetic3A_884 = arith.constant 7 : i32
    %shift_right_arithmetic3A_885 = vector.broadcast %shift_right_arithmetic3A_884 : i32 to vector<16xi32>
    %shift_right_arithmetic3A_886 = arith.shrsi %get3A_883, %shift_right_arithmetic3A_885 : vector<16xi32>
    %mul3A_887 = arith.constant 512 : i32
    %mul3A_888 = vector.broadcast %mul3A_887 : i32 to vector<16xi32>
    %mul3A_889 = arith.muli %shift_right_arithmetic3A_886, %mul3A_888 : vector<16xi32>
    %and3A_890 = arith.constant 127 : i32
    %and3A_891 = vector.broadcast %and3A_890 : i32 to vector<16xi32>
    %and3A_892 = arith.andi %get3A_883, %and3A_891 : vector<16xi32>
    %add3A_893 = arith.addi %mul3A_889, %and3A_892 : vector<16xi32>
    %add3A_894 = arith.constant 0 : i32
    %add3A_895 = vector.broadcast %add3A_894 : i32 to vector<16xi32>
    %add3A_896 = arith.addi %add3A_893, %add3A_895 : vector<16xi32>
    %gather3A_897 = tpu.vector_load_idx %arg5[%add3A_896] : memref<2048xf32, #tpu.memory_space<vmem>>[vector<16xi32>], vector<16xf32>,
    %swap3A_898 = arith.constant 2 : i32
    %swap3A_899 = arith.constant 0 : i32
    %swap3A_900 = arith.index_cast %swap3A_898 : i32 to index
    %swap3A_901 = arith.index_cast %swap3A_899 : i32 to index
    %swap3A_902 = arith.constant 16 : index
    %swap3A_903 = tpu.vector_load %arg7[%swap3A_900, %swap3A_901, %swap3A_902] {strides = array<i32>} : memref<4x4x128xf32, #tpu.memory_space<vmem>>, vector<16xf32>,
    tpu.vector_store %arg7[%swap3A_900, %swap3A_901, %swap3A_902], %gather3A_897 {strides = array<i32>} : memref<4x4x128xf32, #tpu.memory_space<vmem>>, vector<16xf32>,
    %add3A_904 = arith.constant 128 : i32
    %add3A_905 = vector.broadcast %add3A_904 : i32 to vector<16xi32>
    %add3A_906 = arith.addi %add3A_893, %add3A_905 : vector<16xi32>
    %gather3A_907 = tpu.vector_load_idx %arg5[%add3A_906] : memref<2048xf32, #tpu.memory_space<vmem>>[vector<16xi32>], vector<16xf32>,
    %swap3A_908 = arith.constant 2 : i32
    %swap3A_909 = arith.constant 1 : i32
    %swap3A_910 = arith.index_cast %swap3A_908 : i32 to index
    %swap3A_911 = arith.index_cast %swap3A_909 : i32 to index
    %swap3A_912 = arith.constant 16 : index
    %swap3A_913 = tpu.vector_load %arg7[%swap3A_910, %swap3A_911, %swap3A_912] {strides = array<i32>} : memref<4x4x128xf32, #tpu.memory_space<vmem>>, vector<16xf32>,
    tpu.vector_store %arg7[%swap3A_910, %swap3A_911, %swap3A_912], %gather3A_907 {strides = array<i32>} : memref<4x4x128xf32, #tpu.memory_space<vmem>>, vector<16xf32>,
    %add3A_914 = arith.constant 256 : i32
    %add3A_915 = vector.broadcast %add3A_914 : i32 to vector<16xi32>
    %add3A_916 = arith.addi %add3A_893, %add3A_915 : vector<16xi32>
    %gather3A_917 = tpu.vector_load_idx %arg5[%add3A_916] : memref<2048xf32, #tpu.memory_space<vmem>>[vector<16xi32>], vector<16xf32>,
    %swap3A_918 = arith.constant 2 : i32
    %swap3A_919 = arith.constant 2 : i32
    %swap3A_920 = arith.index_cast %swap3A_918 : i32 to index
    %swap3A_921 = arith.index_cast %swap3A_919 : i32 to index
    %swap3A_922 = arith.constant 16 : index
    %swap3A_923 = tpu.vector_load %arg7[%swap3A_920, %swap3A_921, %swap3A_922] {strides = array<i32>} : memref<4x4x128xf32, #tpu.memory_space<vmem>>, vector<16xf32>,
    tpu.vector_store %arg7[%swap3A_920, %swap3A_921, %swap3A_922], %gather3A_917 {strides = array<i32>} : memref<4x4x128xf32, #tpu.memory_space<vmem>>, vector<16xf32>,
    %add3A_924 = arith.constant 384 : i32
    %add3A_925 = vector.broadcast %add3A_924 : i32 to vector<16xi32>
    %add3A_926 = arith.addi %add3A_893, %add3A_925 : vector<16xi32>
    %gather3A_927 = tpu.vector_load_idx %arg5[%add3A_926] : memref<2048xf32, #tpu.memory_space<vmem>>[vector<16xi32>], vector<16xf32>,
    %swap3A_928 = arith.constant 2 : i32
    %swap3A_929 = arith.constant 3 : i32
    %swap3A_930 = arith.index_cast %swap3A_928 : i32 to index
    %swap3A_931 = arith.index_cast %swap3A_929 : i32 to index
    %swap3A_932 = arith.constant 16 : index
    %swap3A_933 = tpu.vector_load %arg7[%swap3A_930, %swap3A_931, %swap3A_932] {strides = array<i32>} : memref<4x4x128xf32, #tpu.memory_space<vmem>>, vector<16xf32>,
    tpu.vector_store %arg7[%swap3A_930, %swap3A_931, %swap3A_932], %gather3A_927 {strides = array<i32>} : memref<4x4x128xf32, #tpu.memory_space<vmem>>, vector<16xf32>,
    %get3A_934 = arith.constant 288 : index
    %get3A_935 = tpu.vector_load %arg6[%get3A_934] {strides = array<i32>} : memref<512xi32, #tpu.memory_space<vmem>>, vector<16xi32>,
    %shift_right_arithmetic3A_936 = arith.constant 7 : i32
    %shift_right_arithmetic3A_937 = vector.broadcast %shift_right_arithmetic3A_936 : i32 to vector<16xi32>
    %shift_right_arithmetic3A_938 = arith.shrsi %get3A_935, %shift_right_arithmetic3A_937 : vector<16xi32>
    %mul3A_939 = arith.constant 512 : i32
    %mul3A_940 = vector.broadcast %mul3A_939 : i32 to vector<16xi32>
    %mul3A_941 = arith.muli %shift_right_arithmetic3A_938, %mul3A_940 : vector<16xi32>
    %and3A_942 = arith.constant 127 : i32
    %and3A_943 = vector.broadcast %and3A_942 : i32 to vector<16xi32>
    %and3A_944 = arith.andi %get3A_935, %and3A_943 : vector<16xi32>
    %add3A_945 = arith.addi %mul3A_941, %and3A_944 : vector<16xi32>
    %add3A_946 = arith.constant 0 : i32
    %add3A_947 = vector.broadcast %add3A_946 : i32 to vector<16xi32>
    %add3A_948 = arith.addi %add3A_945, %add3A_947 : vector<16xi32>
    %gather3A_949 = tpu.vector_load_idx %arg5[%add3A_948] : memref<2048xf32, #tpu.memory_space<vmem>>[vector<16xi32>], vector<16xf32>,
    %swap3A_950 = arith.constant 2 : i32
    %swap3A_951 = arith.constant 0 : i32
    %swap3A_952 = arith.index_cast %swap3A_950 : i32 to index
    %swap3A_953 = arith.index_cast %swap3A_951 : i32 to index
    %swap3A_954 = arith.constant 32 : index
    %swap3A_955 = tpu.vector_load %arg7[%swap3A_952, %swap3A_953, %swap3A_954] {strides = array<i32>} : memref<4x4x128xf32, #tpu.memory_space<vmem>>, vector<16xf32>,
    tpu.vector_store %arg7[%swap3A_952, %swap3A_953, %swap3A_954], %gather3A_949 {strides = array<i32>} : memref<4x4x128xf32, #tpu.memory_space<vmem>>, vector<16xf32>,
    %add3A_956 = arith.constant 128 : i32
    %add3A_957 = vector.broadcast %add3A_956 : i32 to vector<16xi32>
    %add3A_958 = arith.addi %add3A_945, %add3A_957 : vector<16xi32>
    %gather3A_959 = tpu.vector_load_idx %arg5[%add3A_958] : memref<2048xf32, #tpu.memory_space<vmem>>[vector<16xi32>], vector<16xf32>,
    %swap3A_960 = arith.constant 2 : i32
    %swap3A_961 = arith.constant 1 : i32
    %swap3A_962 = arith.index_cast %swap3A_960 : i32 to index
    %swap3A_963 = arith.index_cast %swap3A_961 : i32 to index
    %swap3A_964 = arith.constant 32 : index
    %swap3A_965 = tpu.vector_load %arg7[%swap3A_962, %swap3A_963, %swap3A_964] {strides = array<i32>} : memref<4x4x128xf32, #tpu.memory_space<vmem>>, vector<16xf32>,
    tpu.vector_store %arg7[%swap3A_962, %swap3A_963, %swap3A_964], %gather3A_959 {strides = array<i32>} : memref<4x4x128xf32, #tpu.memory_space<vmem>>, vector<16xf32>,
    %add3A_966 = arith.constant 256 : i32
    %add3A_967 = vector.broadcast %add3A_966 : i32 to vector<16xi32>
    %add3A_968 = arith.addi %add3A_945, %add3A_967 : vector<16xi32>
    %gather3A_969 = tpu.vector_load_idx %arg5[%add3A_968] : memref<2048xf32, #tpu.memory_space<vmem>>[vector<16xi32>], vector<16xf32>,
    %swap3A_970 = arith.constant 2 : i32
    %swap3A_971 = arith.constant 2 : i32
    %swap3A_972 = arith.index_cast %swap3A_970 : i32 to index
    %swap3A_973 = arith.index_cast %swap3A_971 : i32 to index
    %swap3A_974 = arith.constant 32 : index
    %swap3A_975 = tpu.vector_load %arg7[%swap3A_972, %swap3A_973, %swap3A_974] {strides = array<i32>} : memref<4x4x128xf32, #tpu.memory_space<vmem>>, vector<16xf32>,
    tpu.vector_store %arg7[%swap3A_972, %swap3A_973, %swap3A_974], %gather3A_969 {strides = array<i32>} : memref<4x4x128xf32, #tpu.memory_space<vmem>>, vector<16xf32>,
    %add3A_976 = arith.constant 384 : i32
    %add3A_977 = vector.broadcast %add3A_976 : i32 to vector<16xi32>
    %add3A_978 = arith.addi %add3A_945, %add3A_977 : vector<16xi32>
    %gather3A_979 = tpu.vector_load_idx %arg5[%add3A_978] : memref<2048xf32, #tpu.memory_space<vmem>>[vector<16xi32>], vector<16xf32>,
    %swap3A_980 = arith.constant 2 : i32
    %swap3A_981 = arith.constant 3 : i32
    %swap3A_982 = arith.index_cast %swap3A_980 : i32 to index
    %swap3A_983 = arith.index_cast %swap3A_981 : i32 to index
    %swap3A_984 = arith.constant 32 : index
    %swap3A_985 = tpu.vector_load %arg7[%swap3A_982, %swap3A_983, %swap3A_984] {strides = array<i32>} : memref<4x4x128xf32, #tpu.memory_space<vmem>>, vector<16xf32>,
    tpu.vector_store %arg7[%swap3A_982, %swap3A_983, %swap3A_984], %gather3A_979 {strides = array<i32>} : memref<4x4x128xf32, #tpu.memory_space<vmem>>, vector<16xf32>,
    %get3A_986 = arith.constant 304 : index
    %get3A_987 = tpu.vector_load %arg6[%get3A_986] {strides = array<i32>} : memref<512xi32, #tpu.memory_space<vmem>>, vector<16xi32>,
    %shift_right_arithmetic3A_988 = arith.constant 7 : i32
    %shift_right_arithmetic3A_989 = vector.broadcast %shift_right_arithmetic3A_988 : i32 to vector<16xi32>
    %shift_right_arithmetic3A_990 = arith.shrsi %get3A_987, %shift_right_arithmetic3A_989 : vector<16xi32>
    %mul3A_991 = arith.constant 512 : i32
    %mul3A_992 = vector.broadcast %mul3A_991 : i32 to vector<16xi32>
    %mul3A_993 = arith.muli %shift_right_arithmetic3A_990, %mul3A_992 : vector<16xi32>
    %and3A_994 = arith.constant 127 : i32
    %and3A_995 = vector.broadcast %and3A_994 : i32 to vector<16xi32>
    %and3A_996 = arith.andi %get3A_987, %and3A_995 : vector<16xi32>
    %add3A_997 = arith.addi %mul3A_993, %and3A_996 : vector<16xi32>
    %add3A_998 = arith.constant 0 : i32
    %add3A_999 = vector.broadcast %add3A_998 : i32 to vector<16xi32>
    %add3A_1000 = arith.addi %add3A_997, %add3A_999 : vector<16xi32>
    %gather3A_1001 = tpu.vector_load_idx %arg5[%add3A_1000] : memref<2048xf32, #tpu.memory_space<vmem>>[vector<16xi32>], vector<16xf32>,
    %swap3A_1002 = arith.constant 2 : i32
    %swap3A_1003 = arith.constant 0 : i32
    %swap3A_1004 = arith.index_cast %swap3A_1002 : i32 to index
    %swap3A_1005 = arith.index_cast %swap3A_1003 : i32 to index
    %swap3A_1006 = arith.constant 48 : index
    %swap3A_1007 = tpu.vector_load %arg7[%swap3A_1004, %swap3A_1005, %swap3A_1006] {strides = array<i32>} : memref<4x4x128xf32, #tpu.memory_space<vmem>>, vector<16xf32>,
    tpu.vector_store %arg7[%swap3A_1004, %swap3A_1005, %swap3A_1006], %gather3A_1001 {strides = array<i32>} : memref<4x4x128xf32, #tpu.memory_space<vmem>>, vector<16xf32>,
    %add3A_1008 = arith.constant 128 : i32
    %add3A_1009 = vector.broadcast %add3A_1008 : i32 to vector<16xi32>
    %add3A_1010 = arith.addi %add3A_997, %add3A_1009 : vector<16xi32>
    %gather3A_1011 = tpu.vector_load_idx %arg5[%add3A_1010] : memref<2048xf32, #tpu.memory_space<vmem>>[vector<16xi32>], vector<16xf32>,
    %swap3A_1012 = arith.constant 2 : i32
    %swap3A_1013 = arith.constant 1 : i32
    %swap3A_1014 = arith.index_cast %swap3A_1012 : i32 to index
    %swap3A_1015 = arith.index_cast %swap3A_1013 : i32 to index
    %swap3A_1016 = arith.constant 48 : index
    %swap3A_1017 = tpu.vector_load %arg7[%swap3A_1014, %swap3A_1015, %swap3A_1016] {strides = array<i32>} : memref<4x4x128xf32, #tpu.memory_space<vmem>>, vector<16xf32>,
    tpu.vector_store %arg7[%swap3A_1014, %swap3A_1015, %swap3A_1016], %gather3A_1011 {strides = array<i32>} : memref<4x4x128xf32, #tpu.memory_space<vmem>>, vector<16xf32>,
    %add3A_1018 = arith.constant 256 : i32
    %add3A_1019 = vector.broadcast %add3A_1018 : i32 to vector<16xi32>
    %add3A_1020 = arith.addi %add3A_997, %add3A_1019 : vector<16xi32>
    %gather3A_1021 = tpu.vector_load_idx %arg5[%add3A_1020] : memref<2048xf32, #tpu.memory_space<vmem>>[vector<16xi32>], vector<16xf32>,
    %swap3A_1022 = arith.constant 2 : i32
    %swap3A_1023 = arith.constant 2 : i32
    %swap3A_1024 = arith.index_cast %swap3A_1022 : i32 to index
    %swap3A_1025 = arith.index_cast %swap3A_1023 : i32 to index
    %swap3A_1026 = arith.constant 48 : index
    %swap3A_1027 = tpu.vector_load %arg7[%swap3A_1024, %swap3A_1025, %swap3A_1026] {strides = array<i32>} : memref<4x4x128xf32, #tpu.memory_space<vmem>>, vector<16xf32>,
    tpu.vector_store %arg7[%swap3A_1024, %swap3A_1025, %swap3A_1026], %gather3A_1021 {strides = array<i32>} : memref<4x4x128xf32, #tpu.memory_space<vmem>>, vector<16xf32>,
    %add3A_1028 = arith.constant 384 : i32
    %add3A_1029 = vector.broadcast %add3A_1028 : i32 to vector<16xi32>
    %add3A_1030 = arith.addi %add3A_997, %add3A_1029 : vector<16xi32>
    %gather3A_1031 = tpu.vector_load_idx %arg5[%add3A_1030] : memref<2048xf32, #tpu.memory_space<vmem>>[vector<16xi32>], vector<16xf32>,
    %swap3A_1032 = arith.constant 2 : i32
    %swap3A_1033 = arith.constant 3 : i32
    %swap3A_1034 = arith.index_cast %swap3A_1032 : i32 to index
    %swap3A_1035 = arith.index_cast %swap3A_1033 : i32 to index
    %swap3A_1036 = arith.constant 48 : index
    %swap3A_1037 = tpu.vector_load %arg7[%swap3A_1034, %swap3A_1035, %swap3A_1036] {strides = array<i32>} : memref<4x4x128xf32, #tpu.memory_space<vmem>>, vector<16xf32>,
    tpu.vector_store %arg7[%swap3A_1034, %swap3A_1035, %swap3A_1036], %gather3A_1031 {strides = array<i32>} : memref<4x4x128xf32, #tpu.memory_space<vmem>>, vector<16xf32>,
    %get3A_1038 = arith.constant 320 : index
    %get3A_1039 = tpu.vector_load %arg6[%get3A_1038] {strides = array<i32>} : memref<512xi32, #tpu.memory_space<vmem>>, vector<16xi32>,
    %shift_right_arithmetic3A_1040 = arith.constant 7 : i32
    %shift_right_arithmetic3A_1041 = vector.broadcast %shift_right_arithmetic3A_1040 : i32 to vector<16xi32>
    %shift_right_arithmetic3A_1042 = arith.shrsi %get3A_1039, %shift_right_arithmetic3A_1041 : vector<16xi32>
    %mul3A_1043 = arith.constant 512 : i32
    %mul3A_1044 = vector.broadcast %mul3A_1043 : i32 to vector<16xi32>
    %mul3A_1045 = arith.muli %shift_right_arithmetic3A_1042, %mul3A_1044 : vector<16xi32>
    %and3A_1046 = arith.constant 127 : i32
    %and3A_1047 = vector.broadcast %and3A_1046 : i32 to vector<16xi32>
    %and3A_1048 = arith.andi %get3A_1039, %and3A_1047 : vector<16xi32>
    %add3A_1049 = arith.addi %mul3A_1045, %and3A_1048 : vector<16xi32>
    %add3A_1050 = arith.constant 0 : i32
    %add3A_1051 = vector.broadcast %add3A_1050 : i32 to vector<16xi32>
    %add3A_1052 = arith.addi %add3A_1049, %add3A_1051 : vector<16xi32>
    %gather3A_1053 = tpu.vector_load_idx %arg5[%add3A_1052] : memref<2048xf32, #tpu.memory_space<vmem>>[vector<16xi32>], vector<16xf32>,
    %swap3A_1054 = arith.constant 2 : i32
    %swap3A_1055 = arith.constant 0 : i32
    %swap3A_1056 = arith.index_cast %swap3A_1054 : i32 to index
    %swap3A_1057 = arith.index_cast %swap3A_1055 : i32 to index
    %swap3A_1058 = arith.constant 64 : index
    %swap3A_1059 = tpu.vector_load %arg7[%swap3A_1056, %swap3A_1057, %swap3A_1058] {strides = array<i32>} : memref<4x4x128xf32, #tpu.memory_space<vmem>>, vector<16xf32>,
    tpu.vector_store %arg7[%swap3A_1056, %swap3A_1057, %swap3A_1058], %gather3A_1053 {strides = array<i32>} : memref<4x4x128xf32, #tpu.memory_space<vmem>>, vector<16xf32>,
    %add3A_1060 = arith.constant 128 : i32
    %add3A_1061 = vector.broadcast %add3A_1060 : i32 to vector<16xi32>
    %add3A_1062 = arith.addi %add3A_1049, %add3A_1061 : vector<16xi32>
    %gather3A_1063 = tpu.vector_load_idx %arg5[%add3A_1062] : memref<2048xf32, #tpu.memory_space<vmem>>[vector<16xi32>], vector<16xf32>,
    %swap3A_1064 = arith.constant 2 : i32
    %swap3A_1065 = arith.constant 1 : i32
    %swap3A_1066 = arith.index_cast %swap3A_1064 : i32 to index
    %swap3A_1067 = arith.index_cast %swap3A_1065 : i32 to index
    %swap3A_1068 = arith.constant 64 : index
    %swap3A_1069 = tpu.vector_load %arg7[%swap3A_1066, %swap3A_1067, %swap3A_1068] {strides = array<i32>} : memref<4x4x128xf32, #tpu.memory_space<vmem>>, vector<16xf32>,
    tpu.vector_store %arg7[%swap3A_1066, %swap3A_1067, %swap3A_1068], %gather3A_1063 {strides = array<i32>} : memref<4x4x128xf32, #tpu.memory_space<vmem>>, vector<16xf32>,
    %add3A_1070 = arith.constant 256 : i32
    %add3A_1071 = vector.broadcast %add3A_1070 : i32 to vector<16xi32>
    %add3A_1072 = arith.addi %add3A_1049, %add3A_1071 : vector<16xi32>
    %gather3A_1073 = tpu.vector_load_idx %arg5[%add3A_1072] : memref<2048xf32, #tpu.memory_space<vmem>>[vector<16xi32>], vector<16xf32>,
    %swap3A_1074 = arith.constant 2 : i32
    %swap3A_1075 = arith.constant 2 : i32
    %swap3A_1076 = arith.index_cast %swap3A_1074 : i32 to index
    %swap3A_1077 = arith.index_cast %swap3A_1075 : i32 to index
    %swap3A_1078 = arith.constant 64 : index
    %swap3A_1079 = tpu.vector_load %arg7[%swap3A_1076, %swap3A_1077, %swap3A_1078] {strides = array<i32>} : memref<4x4x128xf32, #tpu.memory_space<vmem>>, vector<16xf32>,
    tpu.vector_store %arg7[%swap3A_1076, %swap3A_1077, %swap3A_1078], %gather3A_1073 {strides = array<i32>} : memref<4x4x128xf32, #tpu.memory_space<vmem>>, vector<16xf32>,
    %add3A_1080 = arith.constant 384 : i32
    %add3A_1081 = vector.broadcast %add3A_1080 : i32 to vector<16xi32>
    %add3A_1082 = arith.addi %add3A_1049, %add3A_1081 : vector<16xi32>
    %gather3A_1083 = tpu.vector_load_idx %arg5[%add3A_1082] : memref<2048xf32, #tpu.memory_space<vmem>>[vector<16xi32>], vector<16xf32>,
    %swap3A_1084 = arith.constant 2 : i32
    %swap3A_1085 = arith.constant 3 : i32
    %swap3A_1086 = arith.index_cast %swap3A_1084 : i32 to index
    %swap3A_1087 = arith.index_cast %swap3A_1085 : i32 to index
    %swap3A_1088 = arith.constant 64 : index
    %swap3A_1089 = tpu.vector_load %arg7[%swap3A_1086, %swap3A_1087, %swap3A_1088] {strides = array<i32>} : memref<4x4x128xf32, #tpu.memory_space<vmem>>, vector<16xf32>,
    tpu.vector_store %arg7[%swap3A_1086, %swap3A_1087, %swap3A_1088], %gather3A_1083 {strides = array<i32>} : memref<4x4x128xf32, #tpu.memory_space<vmem>>, vector<16xf32>,
    %get3A_1090 = arith.constant 336 : index
    %get3A_1091 = tpu.vector_load %arg6[%get3A_1090] {strides = array<i32>} : memref<512xi32, #tpu.memory_space<vmem>>, vector<16xi32>,
    %shift_right_arithmetic3A_1092 = arith.constant 7 : i32
    %shift_right_arithmetic3A_1093 = vector.broadcast %shift_right_arithmetic3A_1092 : i32 to vector<16xi32>
    %shift_right_arithmetic3A_1094 = arith.shrsi %get3A_1091, %shift_right_arithmetic3A_1093 : vector<16xi32>
    %mul3A_1095 = arith.constant 512 : i32
    %mul3A_1096 = vector.broadcast %mul3A_1095 : i32 to vector<16xi32>
    %mul3A_1097 = arith.muli %shift_right_arithmetic3A_1094, %mul3A_1096 : vector<16xi32>
    %and3A_1098 = arith.constant 127 : i32
    %and3A_1099 = vector.broadcast %and3A_1098 : i32 to vector<16xi32>
    %and3A_1100 = arith.andi %get3A_1091, %and3A_1099 : vector<16xi32>
    %add3A_1101 = arith.addi %mul3A_1097, %and3A_1100 : vector<16xi32>
    %add3A_1102 = arith.constant 0 : i32
    %add3A_1103 = vector.broadcast %add3A_1102 : i32 to vector<16xi32>
    %add3A_1104 = arith.addi %add3A_1101, %add3A_1103 : vector<16xi32>
    %gather3A_1105 = tpu.vector_load_idx %arg5[%add3A_1104] : memref<2048xf32, #tpu.memory_space<vmem>>[vector<16xi32>], vector<16xf32>,
    %swap3A_1106 = arith.constant 2 : i32
    %swap3A_1107 = arith.constant 0 : i32
    %swap3A_1108 = arith.index_cast %swap3A_1106 : i32 to index
    %swap3A_1109 = arith.index_cast %swap3A_1107 : i32 to index
    %swap3A_1110 = arith.constant 80 : index
    %swap3A_1111 = tpu.vector_load %arg7[%swap3A_1108, %swap3A_1109, %swap3A_1110] {strides = array<i32>} : memref<4x4x128xf32, #tpu.memory_space<vmem>>, vector<16xf32>,
    tpu.vector_store %arg7[%swap3A_1108, %swap3A_1109, %swap3A_1110], %gather3A_1105 {strides = array<i32>} : memref<4x4x128xf32, #tpu.memory_space<vmem>>, vector<16xf32>,
    %add3A_1112 = arith.constant 128 : i32
    %add3A_1113 = vector.broadcast %add3A_1112 : i32 to vector<16xi32>
    %add3A_1114 = arith.addi %add3A_1101, %add3A_1113 : vector<16xi32>
    %gather3A_1115 = tpu.vector_load_idx %arg5[%add3A_1114] : memref<2048xf32, #tpu.memory_space<vmem>>[vector<16xi32>], vector<16xf32>,
    %swap3A_1116 = arith.constant 2 : i32
    %swap3A_1117 = arith.constant 1 : i32
    %swap3A_1118 = arith.index_cast %swap3A_1116 : i32 to index
    %swap3A_1119 = arith.index_cast %swap3A_1117 : i32 to index
    %swap3A_1120 = arith.constant 80 : index
    %swap3A_1121 = tpu.vector_load %arg7[%swap3A_1118, %swap3A_1119, %swap3A_1120] {strides = array<i32>} : memref<4x4x128xf32, #tpu.memory_space<vmem>>, vector<16xf32>,
    tpu.vector_store %arg7[%swap3A_1118, %swap3A_1119, %swap3A_1120], %gather3A_1115 {strides = array<i32>} : memref<4x4x128xf32, #tpu.memory_space<vmem>>, vector<16xf32>,
    %add3A_1122 = arith.constant 256 : i32
    %add3A_1123 = vector.broadcast %add3A_1122 : i32 to vector<16xi32>
    %add3A_1124 = arith.addi %add3A_1101, %add3A_1123 : vector<16xi32>
    %gather3A_1125 = tpu.vector_load_idx %arg5[%add3A_1124] : memref<2048xf32, #tpu.memory_space<vmem>>[vector<16xi32>], vector<16xf32>,
    %swap3A_1126 = arith.constant 2 : i32
    %swap3A_1127 = arith.constant 2 : i32
    %swap3A_1128 = arith.index_cast %swap3A_1126 : i32 to index
    %swap3A_1129 = arith.index_cast %swap3A_1127 : i32 to index
    %swap3A_1130 = arith.constant 80 : index
    %swap3A_1131 = tpu.vector_load %arg7[%swap3A_1128, %swap3A_1129, %swap3A_1130] {strides = array<i32>} : memref<4x4x128xf32, #tpu.memory_space<vmem>>, vector<16xf32>,
    tpu.vector_store %arg7[%swap3A_1128, %swap3A_1129, %swap3A_1130], %gather3A_1125 {strides = array<i32>} : memref<4x4x128xf32, #tpu.memory_space<vmem>>, vector<16xf32>,
    %add3A_1132 = arith.constant 384 : i32
    %add3A_1133 = vector.broadcast %add3A_1132 : i32 to vector<16xi32>
    %add3A_1134 = arith.addi %add3A_1101, %add3A_1133 : vector<16xi32>
    %gather3A_1135 = tpu.vector_load_idx %arg5[%add3A_1134] : memref<2048xf32, #tpu.memory_space<vmem>>[vector<16xi32>], vector<16xf32>,
    %swap3A_1136 = arith.constant 2 : i32
    %swap3A_1137 = arith.constant 3 : i32
    %swap3A_1138 = arith.index_cast %swap3A_1136 : i32 to index
    %swap3A_1139 = arith.index_cast %swap3A_1137 : i32 to index
    %swap3A_1140 = arith.constant 80 : index
    %swap3A_1141 = tpu.vector_load %arg7[%swap3A_1138, %swap3A_1139, %swap3A_1140] {strides = array<i32>} : memref<4x4x128xf32, #tpu.memory_space<vmem>>, vector<16xf32>,
    tpu.vector_store %arg7[%swap3A_1138, %swap3A_1139, %swap3A_1140], %gather3A_1135 {strides = array<i32>} : memref<4x4x128xf32, #tpu.memory_space<vmem>>, vector<16xf32>,
    %get3A_1142 = arith.constant 352 : index
    %get3A_1143 = tpu.vector_load %arg6[%get3A_1142] {strides = array<i32>} : memref<512xi32, #tpu.memory_space<vmem>>, vector<16xi32>,
    %shift_right_arithmetic3A_1144 = arith.constant 7 : i32
    %shift_right_arithmetic3A_1145 = vector.broadcast %shift_right_arithmetic3A_1144 : i32 to vector<16xi32>
    %shift_right_arithmetic3A_1146 = arith.shrsi %get3A_1143, %shift_right_arithmetic3A_1145 : vector<16xi32>
    %mul3A_1147 = arith.constant 512 : i32
    %mul3A_1148 = vector.broadcast %mul3A_1147 : i32 to vector<16xi32>
    %mul3A_1149 = arith.muli %shift_right_arithmetic3A_1146, %mul3A_1148 : vector<16xi32>
    %and3A_1150 = arith.constant 127 : i32
    %and3A_1151 = vector.broadcast %and3A_1150 : i32 to vector<16xi32>
    %and3A_1152 = arith.andi %get3A_1143, %and3A_1151 : vector<16xi32>
    %add3A_1153 = arith.addi %mul3A_1149, %and3A_1152 : vector<16xi32>
    %add3A_1154 = arith.constant 0 : i32
    %add3A_1155 = vector.broadcast %add3A_1154 : i32 to vector<16xi32>
    %add3A_1156 = arith.addi %add3A_1153, %add3A_1155 : vector<16xi32>
    %gather3A_1157 = tpu.vector_load_idx %arg5[%add3A_1156] : memref<2048xf32, #tpu.memory_space<vmem>>[vector<16xi32>], vector<16xf32>,
    %swap3A_1158 = arith.constant 2 : i32
    %swap3A_1159 = arith.constant 0 : i32
    %swap3A_1160 = arith.index_cast %swap3A_1158 : i32 to index
    %swap3A_1161 = arith.index_cast %swap3A_1159 : i32 to index
    %swap3A_1162 = arith.constant 96 : index
    %swap3A_1163 = tpu.vector_load %arg7[%swap3A_1160, %swap3A_1161, %swap3A_1162] {strides = array<i32>} : memref<4x4x128xf32, #tpu.memory_space<vmem>>, vector<16xf32>,
    tpu.vector_store %arg7[%swap3A_1160, %swap3A_1161, %swap3A_1162], %gather3A_1157 {strides = array<i32>} : memref<4x4x128xf32, #tpu.memory_space<vmem>>, vector<16xf32>,
    %add3A_1164 = arith.constant 128 : i32
    %add3A_1165 = vector.broadcast %add3A_1164 : i32 to vector<16xi32>
    %add3A_1166 = arith.addi %add3A_1153, %add3A_1165 : vector<16xi32>
    %gather3A_1167 = tpu.vector_load_idx %arg5[%add3A_1166] : memref<2048xf32, #tpu.memory_space<vmem>>[vector<16xi32>], vector<16xf32>,
    %swap3A_1168 = arith.constant 2 : i32
    %swap3A_1169 = arith.constant 1 : i32
    %swap3A_1170 = arith.index_cast %swap3A_1168 : i32 to index
    %swap3A_1171 = arith.index_cast %swap3A_1169 : i32 to index
    %swap3A_1172 = arith.constant 96 : index
    %swap3A_1173 = tpu.vector_load %arg7[%swap3A_1170, %swap3A_1171, %swap3A_1172] {strides = array<i32>} : memref<4x4x128xf32, #tpu.memory_space<vmem>>, vector<16xf32>,
    tpu.vector_store %arg7[%swap3A_1170, %swap3A_1171, %swap3A_1172], %gather3A_1167 {strides = array<i32>} : memref<4x4x128xf32, #tpu.memory_space<vmem>>, vector<16xf32>,
    %add3A_1174 = arith.constant 256 : i32
    %add3A_1175 = vector.broadcast %add3A_1174 : i32 to vector<16xi32>
    %add3A_1176 = arith.addi %add3A_1153, %add3A_1175 : vector<16xi32>
    %gather3A_1177 = tpu.vector_load_idx %arg5[%add3A_1176] : memref<2048xf32, #tpu.memory_space<vmem>>[vector<16xi32>], vector<16xf32>,
    %swap3A_1178 = arith.constant 2 : i32
    %swap3A_1179 = arith.constant 2 : i32
    %swap3A_1180 = arith.index_cast %swap3A_1178 : i32 to index
    %swap3A_1181 = arith.index_cast %swap3A_1179 : i32 to index
    %swap3A_1182 = arith.constant 96 : index
    %swap3A_1183 = tpu.vector_load %arg7[%swap3A_1180, %swap3A_1181, %swap3A_1182] {strides = array<i32>} : memref<4x4x128xf32, #tpu.memory_space<vmem>>, vector<16xf32>,
    tpu.vector_store %arg7[%swap3A_1180, %swap3A_1181, %swap3A_1182], %gather3A_1177 {strides = array<i32>} : memref<4x4x128xf32, #tpu.memory_space<vmem>>, vector<16xf32>,
    %add3A_1184 = arith.constant 384 : i32
    %add3A_1185 = vector.broadcast %add3A_1184 : i32 to vector<16xi32>
    %add3A_1186 = arith.addi %add3A_1153, %add3A_1185 : vector<16xi32>
    %gather3A_1187 = tpu.vector_load_idx %arg5[%add3A_1186] : memref<2048xf32, #tpu.memory_space<vmem>>[vector<16xi32>], vector<16xf32>,
    %swap3A_1188 = arith.constant 2 : i32
    %swap3A_1189 = arith.constant 3 : i32
    %swap3A_1190 = arith.index_cast %swap3A_1188 : i32 to index
    %swap3A_1191 = arith.index_cast %swap3A_1189 : i32 to index
    %swap3A_1192 = arith.constant 96 : index
    %swap3A_1193 = tpu.vector_load %arg7[%swap3A_1190, %swap3A_1191, %swap3A_1192] {strides = array<i32>} : memref<4x4x128xf32, #tpu.memory_space<vmem>>, vector<16xf32>,
    tpu.vector_store %arg7[%swap3A_1190, %swap3A_1191, %swap3A_1192], %gather3A_1187 {strides = array<i32>} : memref<4x4x128xf32, #tpu.memory_space<vmem>>, vector<16xf32>,
    %get3A_1194 = arith.constant 368 : index
    %get3A_1195 = tpu.vector_load %arg6[%get3A_1194] {strides = array<i32>} : memref<512xi32, #tpu.memory_space<vmem>>, vector<16xi32>,
    %shift_right_arithmetic3A_1196 = arith.constant 7 : i32
    %shift_right_arithmetic3A_1197 = vector.broadcast %shift_right_arithmetic3A_1196 : i32 to vector<16xi32>
    %shift_right_arithmetic3A_1198 = arith.shrsi %get3A_1195, %shift_right_arithmetic3A_1197 : vector<16xi32>
    %mul3A_1199 = arith.constant 512 : i32
    %mul3A_1200 = vector.broadcast %mul3A_1199 : i32 to vector<16xi32>
    %mul3A_1201 = arith.muli %shift_right_arithmetic3A_1198, %mul3A_1200 : vector<16xi32>
    %and3A_1202 = arith.constant 127 : i32
    %and3A_1203 = vector.broadcast %and3A_1202 : i32 to vector<16xi32>
    %and3A_1204 = arith.andi %get3A_1195, %and3A_1203 : vector<16xi32>
    %add3A_1205 = arith.addi %mul3A_1201, %and3A_1204 : vector<16xi32>
    %add3A_1206 = arith.constant 0 : i32
    %add3A_1207 = vector.broadcast %add3A_1206 : i32 to vector<16xi32>
    %add3A_1208 = arith.addi %add3A_1205, %add3A_1207 : vector<16xi32>
    %gather3A_1209 = tpu.vector_load_idx %arg5[%add3A_1208] : memref<2048xf32, #tpu.memory_space<vmem>>[vector<16xi32>], vector<16xf32>,
    %swap3A_1210 = arith.constant 2 : i32
    %swap3A_1211 = arith.constant 0 : i32
    %swap3A_1212 = arith.index_cast %swap3A_1210 : i32 to index
    %swap3A_1213 = arith.index_cast %swap3A_1211 : i32 to index
    %swap3A_1214 = arith.constant 112 : index
    %swap3A_1215 = tpu.vector_load %arg7[%swap3A_1212, %swap3A_1213, %swap3A_1214] {strides = array<i32>} : memref<4x4x128xf32, #tpu.memory_space<vmem>>, vector<16xf32>,
    tpu.vector_store %arg7[%swap3A_1212, %swap3A_1213, %swap3A_1214], %gather3A_1209 {strides = array<i32>} : memref<4x4x128xf32, #tpu.memory_space<vmem>>, vector<16xf32>,
    %add3A_1216 = arith.constant 128 : i32
    %add3A_1217 = vector.broadcast %add3A_1216 : i32 to vector<16xi32>
    %add3A_1218 = arith.addi %add3A_1205, %add3A_1217 : vector<16xi32>
    %gather3A_1219 = tpu.vector_load_idx %arg5[%add3A_1218] : memref<2048xf32, #tpu.memory_space<vmem>>[vector<16xi32>], vector<16xf32>,
    %swap3A_1220 = arith.constant 2 : i32
    %swap3A_1221 = arith.constant 1 : i32
    %swap3A_1222 = arith.index_cast %swap3A_1220 : i32 to index
    %swap3A_1223 = arith.index_cast %swap3A_1221 : i32 to index
    %swap3A_1224 = arith.constant 112 : index
    %swap3A_1225 = tpu.vector_load %arg7[%swap3A_1222, %swap3A_1223, %swap3A_1224] {strides = array<i32>} : memref<4x4x128xf32, #tpu.memory_space<vmem>>, vector<16xf32>,
    tpu.vector_store %arg7[%swap3A_1222, %swap3A_1223, %swap3A_1224], %gather3A_1219 {strides = array<i32>} : memref<4x4x128xf32, #tpu.memory_space<vmem>>, vector<16xf32>,
    %add3A_1226 = arith.constant 256 : i32
    %add3A_1227 = vector.broadcast %add3A_1226 : i32 to vector<16xi32>
    %add3A_1228 = arith.addi %add3A_1205, %add3A_1227 : vector<16xi32>
    %gather3A_1229 = tpu.vector_load_idx %arg5[%add3A_1228] : memref<2048xf32, #tpu.memory_space<vmem>>[vector<16xi32>], vector<16xf32>,
    %swap3A_1230 = arith.constant 2 : i32
    %swap3A_1231 = arith.constant 2 : i32
    %swap3A_1232 = arith.index_cast %swap3A_1230 : i32 to index
    %swap3A_1233 = arith.index_cast %swap3A_1231 : i32 to index
    %swap3A_1234 = arith.constant 112 : index
    %swap3A_1235 = tpu.vector_load %arg7[%swap3A_1232, %swap3A_1233, %swap3A_1234] {strides = array<i32>} : memref<4x4x128xf32, #tpu.memory_space<vmem>>, vector<16xf32>,
    tpu.vector_store %arg7[%swap3A_1232, %swap3A_1233, %swap3A_1234], %gather3A_1229 {strides = array<i32>} : memref<4x4x128xf32, #tpu.memory_space<vmem>>, vector<16xf32>,
    %add3A_1236 = arith.constant 384 : i32
    %add3A_1237 = vector.broadcast %add3A_1236 : i32 to vector<16xi32>
    %add3A_1238 = arith.addi %add3A_1205, %add3A_1237 : vector<16xi32>
    %gather3A_1239 = tpu.vector_load_idx %arg5[%add3A_1238] : memref<2048xf32, #tpu.memory_space<vmem>>[vector<16xi32>], vector<16xf32>,
    %swap3A_1240 = arith.constant 2 : i32
    %swap3A_1241 = arith.constant 3 : i32
    %swap3A_1242 = arith.index_cast %swap3A_1240 : i32 to index
    %swap3A_1243 = arith.index_cast %swap3A_1241 : i32 to index
    %swap3A_1244 = arith.constant 112 : index
    %swap3A_1245 = tpu.vector_load %arg7[%swap3A_1242, %swap3A_1243, %swap3A_1244] {strides = array<i32>} : memref<4x4x128xf32, #tpu.memory_space<vmem>>, vector<16xf32>,
    tpu.vector_store %arg7[%swap3A_1242, %swap3A_1243, %swap3A_1244], %gather3A_1239 {strides = array<i32>} : memref<4x4x128xf32, #tpu.memory_space<vmem>>, vector<16xf32>,
    %get3A_1246 = arith.constant 384 : index
    %get3A_1247 = tpu.vector_load %arg6[%get3A_1246] {strides = array<i32>} : memref<512xi32, #tpu.memory_space<vmem>>, vector<16xi32>,
    %shift_right_arithmetic3A_1248 = arith.constant 7 : i32
    %shift_right_arithmetic3A_1249 = vector.broadcast %shift_right_arithmetic3A_1248 : i32 to vector<16xi32>
    %shift_right_arithmetic3A_1250 = arith.shrsi %get3A_1247, %shift_right_arithmetic3A_1249 : vector<16xi32>
    %mul3A_1251 = arith.constant 512 : i32
    %mul3A_1252 = vector.broadcast %mul3A_1251 : i32 to vector<16xi32>
    %mul3A_1253 = arith.muli %shift_right_arithmetic3A_1250, %mul3A_1252 : vector<16xi32>
    %and3A_1254 = arith.constant 127 : i32
    %and3A_1255 = vector.broadcast %and3A_1254 : i32 to vector<16xi32>
    %and3A_1256 = arith.andi %get3A_1247, %and3A_1255 : vector<16xi32>
    %add3A_1257 = arith.addi %mul3A_1253, %and3A_1256 : vector<16xi32>
    %add3A_1258 = arith.constant 0 : i32
    %add3A_1259 = vector.broadcast %add3A_1258 : i32 to vector<16xi32>
    %add3A_1260 = arith.addi %add3A_1257, %add3A_1259 : vector<16xi32>
    %gather3A_1261 = tpu.vector_load_idx %arg5[%add3A_1260] : memref<2048xf32, #tpu.memory_space<vmem>>[vector<16xi32>], vector<16xf32>,
    %swap3A_1262 = arith.constant 3 : i32
    %swap3A_1263 = arith.constant 0 : i32
    %swap3A_1264 = arith.index_cast %swap3A_1262 : i32 to index
    %swap3A_1265 = arith.index_cast %swap3A_1263 : i32 to index
    %swap3A_1266 = arith.constant 0 : index
    %swap3A_1267 = tpu.vector_load %arg7[%swap3A_1264, %swap3A_1265, %swap3A_1266] {strides = array<i32>} : memref<4x4x128xf32, #tpu.memory_space<vmem>>, vector<16xf32>,
    tpu.vector_store %arg7[%swap3A_1264, %swap3A_1265, %swap3A_1266], %gather3A_1261 {strides = array<i32>} : memref<4x4x128xf32, #tpu.memory_space<vmem>>, vector<16xf32>,
    %add3A_1268 = arith.constant 128 : i32
    %add3A_1269 = vector.broadcast %add3A_1268 : i32 to vector<16xi32>
    %add3A_1270 = arith.addi %add3A_1257, %add3A_1269 : vector<16xi32>
    %gather3A_1271 = tpu.vector_load_idx %arg5[%add3A_1270] : memref<2048xf32, #tpu.memory_space<vmem>>[vector<16xi32>], vector<16xf32>,
    %swap3A_1272 = arith.constant 3 : i32
    %swap3A_1273 = arith.constant 1 : i32
    %swap3A_1274 = arith.index_cast %swap3A_1272 : i32 to index
    %swap3A_1275 = arith.index_cast %swap3A_1273 : i32 to index
    %swap3A_1276 = arith.constant 0 : index
    %swap3A_1277 = tpu.vector_load %arg7[%swap3A_1274, %swap3A_1275, %swap3A_1276] {strides = array<i32>} : memref<4x4x128xf32, #tpu.memory_space<vmem>>, vector<16xf32>,
    tpu.vector_store %arg7[%swap3A_1274, %swap3A_1275, %swap3A_1276], %gather3A_1271 {strides = array<i32>} : memref<4x4x128xf32, #tpu.memory_space<vmem>>, vector<16xf32>,
    %add3A_1278 = arith.constant 256 : i32
    %add3A_1279 = vector.broadcast %add3A_1278 : i32 to vector<16xi32>
    %add3A_1280 = arith.addi %add3A_1257, %add3A_1279 : vector<16xi32>
    %gather3A_1281 = tpu.vector_load_idx %arg5[%add3A_1280] : memref<2048xf32, #tpu.memory_space<vmem>>[vector<16xi32>], vector<16xf32>,
    %swap3A_1282 = arith.constant 3 : i32
    %swap3A_1283 = arith.constant 2 : i32
    %swap3A_1284 = arith.index_cast %swap3A_1282 : i32 to index
    %swap3A_1285 = arith.index_cast %swap3A_1283 : i32 to index
    %swap3A_1286 = arith.constant 0 : index
    %swap3A_1287 = tpu.vector_load %arg7[%swap3A_1284, %swap3A_1285, %swap3A_1286] {strides = array<i32>} : memref<4x4x128xf32, #tpu.memory_space<vmem>>, vector<16xf32>,
    tpu.vector_store %arg7[%swap3A_1284, %swap3A_1285, %swap3A_1286], %gather3A_1281 {strides = array<i32>} : memref<4x4x128xf32, #tpu.memory_space<vmem>>, vector<16xf32>,
    %add3A_1288 = arith.constant 384 : i32
    %add3A_1289 = vector.broadcast %add3A_1288 : i32 to vector<16xi32>
    %add3A_1290 = arith.addi %add3A_1257, %add3A_1289 : vector<16xi32>
    %gather3A_1291 = tpu.vector_load_idx %arg5[%add3A_1290] : memref<2048xf32, #tpu.memory_space<vmem>>[vector<16xi32>], vector<16xf32>,
    %swap3A_1292 = arith.constant 3 : i32
    %swap3A_1293 = arith.constant 3 : i32
    %swap3A_1294 = arith.index_cast %swap3A_1292 : i32 to index
    %swap3A_1295 = arith.index_cast %swap3A_1293 : i32 to index
    %swap3A_1296 = arith.constant 0 : index
    %swap3A_1297 = tpu.vector_load %arg7[%swap3A_1294, %swap3A_1295, %swap3A_1296] {strides = array<i32>} : memref<4x4x128xf32, #tpu.memory_space<vmem>>, vector<16xf32>,
    tpu.vector_store %arg7[%swap3A_1294, %swap3A_1295, %swap3A_1296], %gather3A_1291 {strides = array<i32>} : memref<4x4x128xf32, #tpu.memory_space<vmem>>, vector<16xf32>,
    %get3A_1298 = arith.constant 400 : index
    %get3A_1299 = tpu.vector_load %arg6[%get3A_1298] {strides = array<i32>} : memref<512xi32, #tpu.memory_space<vmem>>, vector<16xi32>,
    %shift_right_arithmetic3A_1300 = arith.constant 7 : i32
    %shift_right_arithmetic3A_1301 = vector.broadcast %shift_right_arithmetic3A_1300 : i32 to vector<16xi32>
    %shift_right_arithmetic3A_1302 = arith.shrsi %get3A_1299, %shift_right_arithmetic3A_1301 : vector<16xi32>
    %mul3A_1303 = arith.constant 512 : i32
    %mul3A_1304 = vector.broadcast %mul3A_1303 : i32 to vector<16xi32>
    %mul3A_1305 = arith.muli %shift_right_arithmetic3A_1302, %mul3A_1304 : vector<16xi32>
    %and3A_1306 = arith.constant 127 : i32
    %and3A_1307 = vector.broadcast %and3A_1306 : i32 to vector<16xi32>
    %and3A_1308 = arith.andi %get3A_1299, %and3A_1307 : vector<16xi32>
    %add3A_1309 = arith.addi %mul3A_1305, %and3A_1308 : vector<16xi32>
    %add3A_1310 = arith.constant 0 : i32
    %add3A_1311 = vector.broadcast %add3A_1310 : i32 to vector<16xi32>
    %add3A_1312 = arith.addi %add3A_1309, %add3A_1311 : vector<16xi32>
    %gather3A_1313 = tpu.vector_load_idx %arg5[%add3A_1312] : memref<2048xf32, #tpu.memory_space<vmem>>[vector<16xi32>], vector<16xf32>,
    %swap3A_1314 = arith.constant 3 : i32
    %swap3A_1315 = arith.constant 0 : i32
    %swap3A_1316 = arith.index_cast %swap3A_1314 : i32 to index
    %swap3A_1317 = arith.index_cast %swap3A_1315 : i32 to index
    %swap3A_1318 = arith.constant 16 : index
    %swap3A_1319 = tpu.vector_load %arg7[%swap3A_1316, %swap3A_1317, %swap3A_1318] {strides = array<i32>} : memref<4x4x128xf32, #tpu.memory_space<vmem>>, vector<16xf32>,
    tpu.vector_store %arg7[%swap3A_1316, %swap3A_1317, %swap3A_1318], %gather3A_1313 {strides = array<i32>} : memref<4x4x128xf32, #tpu.memory_space<vmem>>, vector<16xf32>,
    %add3A_1320 = arith.constant 128 : i32
    %add3A_1321 = vector.broadcast %add3A_1320 : i32 to vector<16xi32>
    %add3A_1322 = arith.addi %add3A_1309, %add3A_1321 : vector<16xi32>
    %gather3A_1323 = tpu.vector_load_idx %arg5[%add3A_1322] : memref<2048xf32, #tpu.memory_space<vmem>>[vector<16xi32>], vector<16xf32>,
    %swap3A_1324 = arith.constant 3 : i32
    %swap3A_1325 = arith.constant 1 : i32
    %swap3A_1326 = arith.index_cast %swap3A_1324 : i32 to index
    %swap3A_1327 = arith.index_cast %swap3A_1325 : i32 to index
    %swap3A_1328 = arith.constant 16 : index
    %swap3A_1329 = tpu.vector_load %arg7[%swap3A_1326, %swap3A_1327, %swap3A_1328] {strides = array<i32>} : memref<4x4x128xf32, #tpu.memory_space<vmem>>, vector<16xf32>,
    tpu.vector_store %arg7[%swap3A_1326, %swap3A_1327, %swap3A_1328], %gather3A_1323 {strides = array<i32>} : memref<4x4x128xf32, #tpu.memory_space<vmem>>, vector<16xf32>,
    %add3A_1330 = arith.constant 256 : i32
    %add3A_1331 = vector.broadcast %add3A_1330 : i32 to vector<16xi32>
    %add3A_1332 = arith.addi %add3A_1309, %add3A_1331 : vector<16xi32>
    %gather3A_1333 = tpu.vector_load_idx %arg5[%add3A_1332] : memref<2048xf32, #tpu.memory_space<vmem>>[vector<16xi32>], vector<16xf32>,
    %swap3A_1334 = arith.constant 3 : i32
    %swap3A_1335 = arith.constant 2 : i32
    %swap3A_1336 = arith.index_cast %swap3A_1334 : i32 to index
    %swap3A_1337 = arith.index_cast %swap3A_1335 : i32 to index
    %swap3A_1338 = arith.constant 16 : index
    %swap3A_1339 = tpu.vector_load %arg7[%swap3A_1336, %swap3A_1337, %swap3A_1338] {strides = array<i32>} : memref<4x4x128xf32, #tpu.memory_space<vmem>>, vector<16xf32>,
    tpu.vector_store %arg7[%swap3A_1336, %swap3A_1337, %swap3A_1338], %gather3A_1333 {strides = array<i32>} : memref<4x4x128xf32, #tpu.memory_space<vmem>>, vector<16xf32>,
    %add3A_1340 = arith.constant 384 : i32
    %add3A_1341 = vector.broadcast %add3A_1340 : i32 to vector<16xi32>
    %add3A_1342 = arith.addi %add3A_1309, %add3A_1341 : vector<16xi32>
    %gather3A_1343 = tpu.vector_load_idx %arg5[%add3A_1342] : memref<2048xf32, #tpu.memory_space<vmem>>[vector<16xi32>], vector<16xf32>,
    %swap3A_1344 = arith.constant 3 : i32
    %swap3A_1345 = arith.constant 3 : i32
    %swap3A_1346 = arith.index_cast %swap3A_1344 : i32 to index
    %swap3A_1347 = arith.index_cast %swap3A_1345 : i32 to index
    %swap3A_1348 = arith.constant 16 : index
    %swap3A_1349 = tpu.vector_load %arg7[%swap3A_1346, %swap3A_1347, %swap3A_1348] {strides = array<i32>} : memref<4x4x128xf32, #tpu.memory_space<vmem>>, vector<16xf32>,
    tpu.vector_store %arg7[%swap3A_1346, %swap3A_1347, %swap3A_1348], %gather3A_1343 {strides = array<i32>} : memref<4x4x128xf32, #tpu.memory_space<vmem>>, vector<16xf32>,
    %get3A_1350 = arith.constant 416 : index
    %get3A_1351 = tpu.vector_load %arg6[%get3A_1350] {strides = array<i32>} : memref<512xi32, #tpu.memory_space<vmem>>, vector<16xi32>,
    %shift_right_arithmetic3A_1352 = arith.constant 7 : i32
    %shift_right_arithmetic3A_1353 = vector.broadcast %shift_right_arithmetic3A_1352 : i32 to vector<16xi32>
    %shift_right_arithmetic3A_1354 = arith.shrsi %get3A_1351, %shift_right_arithmetic3A_1353 : vector<16xi32>
    %mul3A_1355 = arith.constant 512 : i32
    %mul3A_1356 = vector.broadcast %mul3A_1355 : i32 to vector<16xi32>
    %mul3A_1357 = arith.muli %shift_right_arithmetic3A_1354, %mul3A_1356 : vector<16xi32>
    %and3A_1358 = arith.constant 127 : i32
    %and3A_1359 = vector.broadcast %and3A_1358 : i32 to vector<16xi32>
    %and3A_1360 = arith.andi %get3A_1351, %and3A_1359 : vector<16xi32>
    %add3A_1361 = arith.addi %mul3A_1357, %and3A_1360 : vector<16xi32>
    %add3A_1362 = arith.constant 0 : i32
    %add3A_1363 = vector.broadcast %add3A_1362 : i32 to vector<16xi32>
    %add3A_1364 = arith.addi %add3A_1361, %add3A_1363 : vector<16xi32>
    %gather3A_1365 = tpu.vector_load_idx %arg5[%add3A_1364] : memref<2048xf32, #tpu.memory_space<vmem>>[vector<16xi32>], vector<16xf32>,
    %swap3A_1366 = arith.constant 3 : i32
    %swap3A_1367 = arith.constant 0 : i32
    %swap3A_1368 = arith.index_cast %swap3A_1366 : i32 to index
    %swap3A_1369 = arith.index_cast %swap3A_1367 : i32 to index
    %swap3A_1370 = arith.constant 32 : index
    %swap3A_1371 = tpu.vector_load %arg7[%swap3A_1368, %swap3A_1369, %swap3A_1370] {strides = array<i32>} : memref<4x4x128xf32, #tpu.memory_space<vmem>>, vector<16xf32>,
    tpu.vector_store %arg7[%swap3A_1368, %swap3A_1369, %swap3A_1370], %gather3A_1365 {strides = array<i32>} : memref<4x4x128xf32, #tpu.memory_space<vmem>>, vector<16xf32>,
    %add3A_1372 = arith.constant 128 : i32
    %add3A_1373 = vector.broadcast %add3A_1372 : i32 to vector<16xi32>
    %add3A_1374 = arith.addi %add3A_1361, %add3A_1373 : vector<16xi32>
    %gather3A_1375 = tpu.vector_load_idx %arg5[%add3A_1374] : memref<2048xf32, #tpu.memory_space<vmem>>[vector<16xi32>], vector<16xf32>,
    %swap3A_1376 = arith.constant 3 : i32
    %swap3A_1377 = arith.constant 1 : i32
    %swap3A_1378 = arith.index_cast %swap3A_1376 : i32 to index
    %swap3A_1379 = arith.index_cast %swap3A_1377 : i32 to index
    %swap3A_1380 = arith.constant 32 : index
    %swap3A_1381 = tpu.vector_load %arg7[%swap3A_1378, %swap3A_1379, %swap3A_1380] {strides = array<i32>} : memref<4x4x128xf32, #tpu.memory_space<vmem>>, vector<16xf32>,
    tpu.vector_store %arg7[%swap3A_1378, %swap3A_1379, %swap3A_1380], %gather3A_1375 {strides = array<i32>} : memref<4x4x128xf32, #tpu.memory_space<vmem>>, vector<16xf32>,
    %add3A_1382 = arith.constant 256 : i32
    %add3A_1383 = vector.broadcast %add3A_1382 : i32 to vector<16xi32>
    %add3A_1384 = arith.addi %add3A_1361, %add3A_1383 : vector<16xi32>
    %gather3A_1385 = tpu.vector_load_idx %arg5[%add3A_1384] : memref<2048xf32, #tpu.memory_space<vmem>>[vector<16xi32>], vector<16xf32>,
    %swap3A_1386 = arith.constant 3 : i32
    %swap3A_1387 = arith.constant 2 : i32
    %swap3A_1388 = arith.index_cast %swap3A_1386 : i32 to index
    %swap3A_1389 = arith.index_cast %swap3A_1387 : i32 to index
    %swap3A_1390 = arith.constant 32 : index
    %swap3A_1391 = tpu.vector_load %arg7[%swap3A_1388, %swap3A_1389, %swap3A_1390] {strides = array<i32>} : memref<4x4x128xf32, #tpu.memory_space<vmem>>, vector<16xf32>,
    tpu.vector_store %arg7[%swap3A_1388, %swap3A_1389, %swap3A_1390], %gather3A_1385 {strides = array<i32>} : memref<4x4x128xf32, #tpu.memory_space<vmem>>, vector<16xf32>,
    %add3A_1392 = arith.constant 384 : i32
    %add3A_1393 = vector.broadcast %add3A_1392 : i32 to vector<16xi32>
    %add3A_1394 = arith.addi %add3A_1361, %add3A_1393 : vector<16xi32>
    %gather3A_1395 = tpu.vector_load_idx %arg5[%add3A_1394] : memref<2048xf32, #tpu.memory_space<vmem>>[vector<16xi32>], vector<16xf32>,
    %swap3A_1396 = arith.constant 3 : i32
    %swap3A_1397 = arith.constant 3 : i32
    %swap3A_1398 = arith.index_cast %swap3A_1396 : i32 to index
    %swap3A_1399 = arith.index_cast %swap3A_1397 : i32 to index
    %swap3A_1400 = arith.constant 32 : index
    %swap3A_1401 = tpu.vector_load %arg7[%swap3A_1398, %swap3A_1399, %swap3A_1400] {strides = array<i32>} : memref<4x4x128xf32, #tpu.memory_space<vmem>>, vector<16xf32>,
    tpu.vector_store %arg7[%swap3A_1398, %swap3A_1399, %swap3A_1400], %gather3A_1395 {strides = array<i32>} : memref<4x4x128xf32, #tpu.memory_space<vmem>>, vector<16xf32>,
    %get3A_1402 = arith.constant 432 : index
    %get3A_1403 = tpu.vector_load %arg6[%get3A_1402] {strides = array<i32>} : memref<512xi32, #tpu.memory_space<vmem>>, vector<16xi32>,
    %shift_right_arithmetic3A_1404 = arith.constant 7 : i32
    %shift_right_arithmetic3A_1405 = vector.broadcast %shift_right_arithmetic3A_1404 : i32 to vector<16xi32>
    %shift_right_arithmetic3A_1406 = arith.shrsi %get3A_1403, %shift_right_arithmetic3A_1405 : vector<16xi32>
    %mul3A_1407 = arith.constant 512 : i32
    %mul3A_1408 = vector.broadcast %mul3A_1407 : i32 to vector<16xi32>
    %mul3A_1409 = arith.muli %shift_right_arithmetic3A_1406, %mul3A_1408 : vector<16xi32>
    %and3A_1410 = arith.constant 127 : i32
    %and3A_1411 = vector.broadcast %and3A_1410 : i32 to vector<16xi32>
    %and3A_1412 = arith.andi %get3A_1403, %and3A_1411 : vector<16xi32>
    %add3A_1413 = arith.addi %mul3A_1409, %and3A_1412 : vector<16xi32>
    %add3A_1414 = arith.constant 0 : i32
    %add3A_1415 = vector.broadcast %add3A_1414 : i32 to vector<16xi32>
    %add3A_1416 = arith.addi %add3A_1413, %add3A_1415 : vector<16xi32>
    %gather3A_1417 = tpu.vector_load_idx %arg5[%add3A_1416] : memref<2048xf32, #tpu.memory_space<vmem>>[vector<16xi32>], vector<16xf32>,
    %swap3A_1418 = arith.constant 3 : i32
    %swap3A_1419 = arith.constant 0 : i32
    %swap3A_1420 = arith.index_cast %swap3A_1418 : i32 to index
    %swap3A_1421 = arith.index_cast %swap3A_1419 : i32 to index
    %swap3A_1422 = arith.constant 48 : index
    %swap3A_1423 = tpu.vector_load %arg7[%swap3A_1420, %swap3A_1421, %swap3A_1422] {strides = array<i32>} : memref<4x4x128xf32, #tpu.memory_space<vmem>>, vector<16xf32>,
    tpu.vector_store %arg7[%swap3A_1420, %swap3A_1421, %swap3A_1422], %gather3A_1417 {strides = array<i32>} : memref<4x4x128xf32, #tpu.memory_space<vmem>>, vector<16xf32>,
    %add3A_1424 = arith.constant 128 : i32
    %add3A_1425 = vector.broadcast %add3A_1424 : i32 to vector<16xi32>
    %add3A_1426 = arith.addi %add3A_1413, %add3A_1425 : vector<16xi32>
    %gather3A_1427 = tpu.vector_load_idx %arg5[%add3A_1426] : memref<2048xf32, #tpu.memory_space<vmem>>[vector<16xi32>], vector<16xf32>,
    %swap3A_1428 = arith.constant 3 : i32
    %swap3A_1429 = arith.constant 1 : i32
    %swap3A_1430 = arith.index_cast %swap3A_1428 : i32 to index
    %swap3A_1431 = arith.index_cast %swap3A_1429 : i32 to index
    %swap3A_1432 = arith.constant 48 : index
    %swap3A_1433 = tpu.vector_load %arg7[%swap3A_1430, %swap3A_1431, %swap3A_1432] {strides = array<i32>} : memref<4x4x128xf32, #tpu.memory_space<vmem>>, vector<16xf32>,
    tpu.vector_store %arg7[%swap3A_1430, %swap3A_1431, %swap3A_1432], %gather3A_1427 {strides = array<i32>} : memref<4x4x128xf32, #tpu.memory_space<vmem>>, vector<16xf32>,
    %add3A_1434 = arith.constant 256 : i32
    %add3A_1435 = vector.broadcast %add3A_1434 : i32 to vector<16xi32>
    %add3A_1436 = arith.addi %add3A_1413, %add3A_1435 : vector<16xi32>
    %gather3A_1437 = tpu.vector_load_idx %arg5[%add3A_1436] : memref<2048xf32, #tpu.memory_space<vmem>>[vector<16xi32>], vector<16xf32>,
    %swap3A_1438 = arith.constant 3 : i32
    %swap3A_1439 = arith.constant 2 : i32
    %swap3A_1440 = arith.index_cast %swap3A_1438 : i32 to index
    %swap3A_1441 = arith.index_cast %swap3A_1439 : i32 to index
    %swap3A_1442 = arith.constant 48 : index
    %swap3A_1443 = tpu.vector_load %arg7[%swap3A_1440, %swap3A_1441, %swap3A_1442] {strides = array<i32>} : memref<4x4x128xf32, #tpu.memory_space<vmem>>, vector<16xf32>,
    tpu.vector_store %arg7[%swap3A_1440, %swap3A_1441, %swap3A_1442], %gather3A_1437 {strides = array<i32>} : memref<4x4x128xf32, #tpu.memory_space<vmem>>, vector<16xf32>,
    %add3A_1444 = arith.constant 384 : i32
    %add3A_1445 = vector.broadcast %add3A_1444 : i32 to vector<16xi32>
    %add3A_1446 = arith.addi %add3A_1413, %add3A_1445 : vector<16xi32>
    %gather3A_1447 = tpu.vector_load_idx %arg5[%add3A_1446] : memref<2048xf32, #tpu.memory_space<vmem>>[vector<16xi32>], vector<16xf32>,
    %swap3A_1448 = arith.constant 3 : i32
    %swap3A_1449 = arith.constant 3 : i32
    %swap3A_1450 = arith.index_cast %swap3A_1448 : i32 to index
    %swap3A_1451 = arith.index_cast %swap3A_1449 : i32 to index
    %swap3A_1452 = arith.constant 48 : index
    %swap3A_1453 = tpu.vector_load %arg7[%swap3A_1450, %swap3A_1451, %swap3A_1452] {strides = array<i32>} : memref<4x4x128xf32, #tpu.memory_space<vmem>>, vector<16xf32>,
    tpu.vector_store %arg7[%swap3A_1450, %swap3A_1451, %swap3A_1452], %gather3A_1447 {strides = array<i32>} : memref<4x4x128xf32, #tpu.memory_space<vmem>>, vector<16xf32>,
    %get3A_1454 = arith.constant 448 : index
    %get3A_1455 = tpu.vector_load %arg6[%get3A_1454] {strides = array<i32>} : memref<512xi32, #tpu.memory_space<vmem>>, vector<16xi32>,
    %shift_right_arithmetic3A_1456 = arith.constant 7 : i32
    %shift_right_arithmetic3A_1457 = vector.broadcast %shift_right_arithmetic3A_1456 : i32 to vector<16xi32>
    %shift_right_arithmetic3A_1458 = arith.shrsi %get3A_1455, %shift_right_arithmetic3A_1457 : vector<16xi32>
    %mul3A_1459 = arith.constant 512 : i32
    %mul3A_1460 = vector.broadcast %mul3A_1459 : i32 to vector<16xi32>
    %mul3A_1461 = arith.muli %shift_right_arithmetic3A_1458, %mul3A_1460 : vector<16xi32>
    %and3A_1462 = arith.constant 127 : i32
    %and3A_1463 = vector.broadcast %and3A_1462 : i32 to vector<16xi32>
    %and3A_1464 = arith.andi %get3A_1455, %and3A_1463 : vector<16xi32>
    %add3A_1465 = arith.addi %mul3A_1461, %and3A_1464 : vector<16xi32>
    %add3A_1466 = arith.constant 0 : i32
    %add3A_1467 = vector.broadcast %add3A_1466 : i32 to vector<16xi32>
    %add3A_1468 = arith.addi %add3A_1465, %add3A_1467 : vector<16xi32>
    %gather3A_1469 = tpu.vector_load_idx %arg5[%add3A_1468] : memref<2048xf32, #tpu.memory_space<vmem>>[vector<16xi32>], vector<16xf32>,
    %swap3A_1470 = arith.constant 3 : i32
    %swap3A_1471 = arith.constant 0 : i32
    %swap3A_1472 = arith.index_cast %swap3A_1470 : i32 to index
    %swap3A_1473 = arith.index_cast %swap3A_1471 : i32 to index
    %swap3A_1474 = arith.constant 64 : index
    %swap3A_1475 = tpu.vector_load %arg7[%swap3A_1472, %swap3A_1473, %swap3A_1474] {strides = array<i32>} : memref<4x4x128xf32, #tpu.memory_space<vmem>>, vector<16xf32>,
    tpu.vector_store %arg7[%swap3A_1472, %swap3A_1473, %swap3A_1474], %gather3A_1469 {strides = array<i32>} : memref<4x4x128xf32, #tpu.memory_space<vmem>>, vector<16xf32>,
    %add3A_1476 = arith.constant 128 : i32
    %add3A_1477 = vector.broadcast %add3A_1476 : i32 to vector<16xi32>
    %add3A_1478 = arith.addi %add3A_1465, %add3A_1477 : vector<16xi32>
    %gather3A_1479 = tpu.vector_load_idx %arg5[%add3A_1478] : memref<2048xf32, #tpu.memory_space<vmem>>[vector<16xi32>], vector<16xf32>,
    %swap3A_1480 = arith.constant 3 : i32
    %swap3A_1481 = arith.constant 1 : i32
    %swap3A_1482 = arith.index_cast %swap3A_1480 : i32 to index
    %swap3A_1483 = arith.index_cast %swap3A_1481 : i32 to index
    %swap3A_1484 = arith.constant 64 : index
    %swap3A_1485 = tpu.vector_load %arg7[%swap3A_1482, %swap3A_1483, %swap3A_1484] {strides = array<i32>} : memref<4x4x128xf32, #tpu.memory_space<vmem>>, vector<16xf32>,
    tpu.vector_store %arg7[%swap3A_1482, %swap3A_1483, %swap3A_1484], %gather3A_1479 {strides = array<i32>} : memref<4x4x128xf32, #tpu.memory_space<vmem>>, vector<16xf32>,
    %add3A_1486 = arith.constant 256 : i32
    %add3A_1487 = vector.broadcast %add3A_1486 : i32 to vector<16xi32>
    %add3A_1488 = arith.addi %add3A_1465, %add3A_1487 : vector<16xi32>
    %gather3A_1489 = tpu.vector_load_idx %arg5[%add3A_1488] : memref<2048xf32, #tpu.memory_space<vmem>>[vector<16xi32>], vector<16xf32>,
    %swap3A_1490 = arith.constant 3 : i32
    %swap3A_1491 = arith.constant 2 : i32
    %swap3A_1492 = arith.index_cast %swap3A_1490 : i32 to index
    %swap3A_1493 = arith.index_cast %swap3A_1491 : i32 to index
    %swap3A_1494 = arith.constant 64 : index
    %swap3A_1495 = tpu.vector_load %arg7[%swap3A_1492, %swap3A_1493, %swap3A_1494] {strides = array<i32>} : memref<4x4x128xf32, #tpu.memory_space<vmem>>, vector<16xf32>,
    tpu.vector_store %arg7[%swap3A_1492, %swap3A_1493, %swap3A_1494], %gather3A_1489 {strides = array<i32>} : memref<4x4x128xf32, #tpu.memory_space<vmem>>, vector<16xf32>,
    %add3A_1496 = arith.constant 384 : i32
    %add3A_1497 = vector.broadcast %add3A_1496 : i32 to vector<16xi32>
    %add3A_1498 = arith.addi %add3A_1465, %add3A_1497 : vector<16xi32>
    %gather3A_1499 = tpu.vector_load_idx %arg5[%add3A_1498] : memref<2048xf32, #tpu.memory_space<vmem>>[vector<16xi32>], vector<16xf32>,
    %swap3A_1500 = arith.constant 3 : i32
    %swap3A_1501 = arith.constant 3 : i32
    %swap3A_1502 = arith.index_cast %swap3A_1500 : i32 to index
    %swap3A_1503 = arith.index_cast %swap3A_1501 : i32 to index
    %swap3A_1504 = arith.constant 64 : index
    %swap3A_1505 = tpu.vector_load %arg7[%swap3A_1502, %swap3A_1503, %swap3A_1504] {strides = array<i32>} : memref<4x4x128xf32, #tpu.memory_space<vmem>>, vector<16xf32>,
    tpu.vector_store %arg7[%swap3A_1502, %swap3A_1503, %swap3A_1504], %gather3A_1499 {strides = array<i32>} : memref<4x4x128xf32, #tpu.memory_space<vmem>>, vector<16xf32>,
    %get3A_1506 = arith.constant 464 : index
    %get3A_1507 = tpu.vector_load %arg6[%get3A_1506] {strides = array<i32>} : memref<512xi32, #tpu.memory_space<vmem>>, vector<16xi32>,
    %shift_right_arithmetic3A_1508 = arith.constant 7 : i32
    %shift_right_arithmetic3A_1509 = vector.broadcast %shift_right_arithmetic3A_1508 : i32 to vector<16xi32>
    %shift_right_arithmetic3A_1510 = arith.shrsi %get3A_1507, %shift_right_arithmetic3A_1509 : vector<16xi32>
    %mul3A_1511 = arith.constant 512 : i32
    %mul3A_1512 = vector.broadcast %mul3A_1511 : i32 to vector<16xi32>
    %mul3A_1513 = arith.muli %shift_right_arithmetic3A_1510, %mul3A_1512 : vector<16xi32>
    %and3A_1514 = arith.constant 127 : i32
    %and3A_1515 = vector.broadcast %and3A_1514 : i32 to vector<16xi32>
    %and3A_1516 = arith.andi %get3A_1507, %and3A_1515 : vector<16xi32>
    %add3A_1517 = arith.addi %mul3A_1513, %and3A_1516 : vector<16xi32>
    %add3A_1518 = arith.constant 0 : i32
    %add3A_1519 = vector.broadcast %add3A_1518 : i32 to vector<16xi32>
    %add3A_1520 = arith.addi %add3A_1517, %add3A_1519 : vector<16xi32>
    %gather3A_1521 = tpu.vector_load_idx %arg5[%add3A_1520] : memref<2048xf32, #tpu.memory_space<vmem>>[vector<16xi32>], vector<16xf32>,
    %swap3A_1522 = arith.constant 3 : i32
    %swap3A_1523 = arith.constant 0 : i32
    %swap3A_1524 = arith.index_cast %swap3A_1522 : i32 to index
    %swap3A_1525 = arith.index_cast %swap3A_1523 : i32 to index
    %swap3A_1526 = arith.constant 80 : index
    %swap3A_1527 = tpu.vector_load %arg7[%swap3A_1524, %swap3A_1525, %swap3A_1526] {strides = array<i32>} : memref<4x4x128xf32, #tpu.memory_space<vmem>>, vector<16xf32>,
    tpu.vector_store %arg7[%swap3A_1524, %swap3A_1525, %swap3A_1526], %gather3A_1521 {strides = array<i32>} : memref<4x4x128xf32, #tpu.memory_space<vmem>>, vector<16xf32>,
    %add3A_1528 = arith.constant 128 : i32
    %add3A_1529 = vector.broadcast %add3A_1528 : i32 to vector<16xi32>
    %add3A_1530 = arith.addi %add3A_1517, %add3A_1529 : vector<16xi32>
    %gather3A_1531 = tpu.vector_load_idx %arg5[%add3A_1530] : memref<2048xf32, #tpu.memory_space<vmem>>[vector<16xi32>], vector<16xf32>,
    %swap3A_1532 = arith.constant 3 : i32
    %swap3A_1533 = arith.constant 1 : i32
    %swap3A_1534 = arith.index_cast %swap3A_1532 : i32 to index
    %swap3A_1535 = arith.index_cast %swap3A_1533 : i32 to index
    %swap3A_1536 = arith.constant 80 : index
    %swap3A_1537 = tpu.vector_load %arg7[%swap3A_1534, %swap3A_1535, %swap3A_1536] {strides = array<i32>} : memref<4x4x128xf32, #tpu.memory_space<vmem>>, vector<16xf32>,
    tpu.vector_store %arg7[%swap3A_1534, %swap3A_1535, %swap3A_1536], %gather3A_1531 {strides = array<i32>} : memref<4x4x128xf32, #tpu.memory_space<vmem>>, vector<16xf32>,
    %add3A_1538 = arith.constant 256 : i32
    %add3A_1539 = vector.broadcast %add3A_1538 : i32 to vector<16xi32>
    %add3A_1540 = arith.addi %add3A_1517, %add3A_1539 : vector<16xi32>
    %gather3A_1541 = tpu.vector_load_idx %arg5[%add3A_1540] : memref<2048xf32, #tpu.memory_space<vmem>>[vector<16xi32>], vector<16xf32>,
    %swap3A_1542 = arith.constant 3 : i32
    %swap3A_1543 = arith.constant 2 : i32
    %swap3A_1544 = arith.index_cast %swap3A_1542 : i32 to index
    %swap3A_1545 = arith.index_cast %swap3A_1543 : i32 to index
    %swap3A_1546 = arith.constant 80 : index
    %swap3A_1547 = tpu.vector_load %arg7[%swap3A_1544, %swap3A_1545, %swap3A_1546] {strides = array<i32>} : memref<4x4x128xf32, #tpu.memory_space<vmem>>, vector<16xf32>,
    tpu.vector_store %arg7[%swap3A_1544, %swap3A_1545, %swap3A_1546], %gather3A_1541 {strides = array<i32>} : memref<4x4x128xf32, #tpu.memory_space<vmem>>, vector<16xf32>,
    %add3A_1548 = arith.constant 384 : i32
    %add3A_1549 = vector.broadcast %add3A_1548 : i32 to vector<16xi32>
    %add3A_1550 = arith.addi %add3A_1517, %add3A_1549 : vector<16xi32>
    %gather3A_1551 = tpu.vector_load_idx %arg5[%add3A_1550] : memref<2048xf32, #tpu.memory_space<vmem>>[vector<16xi32>], vector<16xf32>,
    %swap3A_1552 = arith.constant 3 : i32
    %swap3A_1553 = arith.constant 3 : i32
    %swap3A_1554 = arith.index_cast %swap3A_1552 : i32 to index
    %swap3A_1555 = arith.index_cast %swap3A_1553 : i32 to index
    %swap3A_1556 = arith.constant 80 : index
    %swap3A_1557 = tpu.vector_load %arg7[%swap3A_1554, %swap3A_1555, %swap3A_1556] {strides = array<i32>} : memref<4x4x128xf32, #tpu.memory_space<vmem>>, vector<16xf32>,
    tpu.vector_store %arg7[%swap3A_1554, %swap3A_1555, %swap3A_1556], %gather3A_1551 {strides = array<i32>} : memref<4x4x128xf32, #tpu.memory_space<vmem>>, vector<16xf32>,
    %get3A_1558 = arith.constant 480 : index
    %get3A_1559 = tpu.vector_load %arg6[%get3A_1558] {strides = array<i32>} : memref<512xi32, #tpu.memory_space<vmem>>, vector<16xi32>,
    %shift_right_arithmetic3A_1560 = arith.constant 7 : i32
    %shift_right_arithmetic3A_1561 = vector.broadcast %shift_right_arithmetic3A_1560 : i32 to vector<16xi32>
    %shift_right_arithmetic3A_1562 = arith.shrsi %get3A_1559, %shift_right_arithmetic3A_1561 : vector<16xi32>
    %mul3A_1563 = arith.constant 512 : i32
    %mul3A_1564 = vector.broadcast %mul3A_1563 : i32 to vector<16xi32>
    %mul3A_1565 = arith.muli %shift_right_arithmetic3A_1562, %mul3A_1564 : vector<16xi32>
    %and3A_1566 = arith.constant 127 : i32
    %and3A_1567 = vector.broadcast %and3A_1566 : i32 to vector<16xi32>
    %and3A_1568 = arith.andi %get3A_1559, %and3A_1567 : vector<16xi32>
    %add3A_1569 = arith.addi %mul3A_1565, %and3A_1568 : vector<16xi32>
    %add3A_1570 = arith.constant 0 : i32
    %add3A_1571 = vector.broadcast %add3A_1570 : i32 to vector<16xi32>
    %add3A_1572 = arith.addi %add3A_1569, %add3A_1571 : vector<16xi32>
    %gather3A_1573 = tpu.vector_load_idx %arg5[%add3A_1572] : memref<2048xf32, #tpu.memory_space<vmem>>[vector<16xi32>], vector<16xf32>,
    %swap3A_1574 = arith.constant 3 : i32
    %swap3A_1575 = arith.constant 0 : i32
    %swap3A_1576 = arith.index_cast %swap3A_1574 : i32 to index
    %swap3A_1577 = arith.index_cast %swap3A_1575 : i32 to index
    %swap3A_1578 = arith.constant 96 : index
    %swap3A_1579 = tpu.vector_load %arg7[%swap3A_1576, %swap3A_1577, %swap3A_1578] {strides = array<i32>} : memref<4x4x128xf32, #tpu.memory_space<vmem>>, vector<16xf32>,
    tpu.vector_store %arg7[%swap3A_1576, %swap3A_1577, %swap3A_1578], %gather3A_1573 {strides = array<i32>} : memref<4x4x128xf32, #tpu.memory_space<vmem>>, vector<16xf32>,
    %add3A_1580 = arith.constant 128 : i32
    %add3A_1581 = vector.broadcast %add3A_1580 : i32 to vector<16xi32>
    %add3A_1582 = arith.addi %add3A_1569, %add3A_1581 : vector<16xi32>
    %gather3A_1583 = tpu.vector_load_idx %arg5[%add3A_1582] : memref<2048xf32, #tpu.memory_space<vmem>>[vector<16xi32>], vector<16xf32>,
    %swap3A_1584 = arith.constant 3 : i32
    %swap3A_1585 = arith.constant 1 : i32
    %swap3A_1586 = arith.index_cast %swap3A_1584 : i32 to index
    %swap3A_1587 = arith.index_cast %swap3A_1585 : i32 to index
    %swap3A_1588 = arith.constant 96 : index
    %swap3A_1589 = tpu.vector_load %arg7[%swap3A_1586, %swap3A_1587, %swap3A_1588] {strides = array<i32>} : memref<4x4x128xf32, #tpu.memory_space<vmem>>, vector<16xf32>,
    tpu.vector_store %arg7[%swap3A_1586, %swap3A_1587, %swap3A_1588], %gather3A_1583 {strides = array<i32>} : memref<4x4x128xf32, #tpu.memory_space<vmem>>, vector<16xf32>,
    %add3A_1590 = arith.constant 256 : i32
    %add3A_1591 = vector.broadcast %add3A_1590 : i32 to vector<16xi32>
    %add3A_1592 = arith.addi %add3A_1569, %add3A_1591 : vector<16xi32>
    %gather3A_1593 = tpu.vector_load_idx %arg5[%add3A_1592] : memref<2048xf32, #tpu.memory_space<vmem>>[vector<16xi32>], vector<16xf32>,
    %swap3A_1594 = arith.constant 3 : i32
    %swap3A_1595 = arith.constant 2 : i32
    %swap3A_1596 = arith.index_cast %swap3A_1594 : i32 to index
    %swap3A_1597 = arith.index_cast %swap3A_1595 : i32 to index
    %swap3A_1598 = arith.constant 96 : index
    %swap3A_1599 = tpu.vector_load %arg7[%swap3A_1596, %swap3A_1597, %swap3A_1598] {strides = array<i32>} : memref<4x4x128xf32, #tpu.memory_space<vmem>>, vector<16xf32>,
    tpu.vector_store %arg7[%swap3A_1596, %swap3A_1597, %swap3A_1598], %gather3A_1593 {strides = array<i32>} : memref<4x4x128xf32, #tpu.memory_space<vmem>>, vector<16xf32>,
    %add3A_1600 = arith.constant 384 : i32
    %add3A_1601 = vector.broadcast %add3A_1600 : i32 to vector<16xi32>
    %add3A_1602 = arith.addi %add3A_1569, %add3A_1601 : vector<16xi32>
    %gather3A_1603 = tpu.vector_load_idx %arg5[%add3A_1602] : memref<2048xf32, #tpu.memory_space<vmem>>[vector<16xi32>], vector<16xf32>,
    %swap3A_1604 = arith.constant 3 : i32
    %swap3A_1605 = arith.constant 3 : i32
    %swap3A_1606 = arith.index_cast %swap3A_1604 : i32 to index
    %swap3A_1607 = arith.index_cast %swap3A_1605 : i32 to index
    %swap3A_1608 = arith.constant 96 : index
    %swap3A_1609 = tpu.vector_load %arg7[%swap3A_1606, %swap3A_1607, %swap3A_1608] {strides = array<i32>} : memref<4x4x128xf32, #tpu.memory_space<vmem>>, vector<16xf32>,
    tpu.vector_store %arg7[%swap3A_1606, %swap3A_1607, %swap3A_1608], %gather3A_1603 {strides = array<i32>} : memref<4x4x128xf32, #tpu.memory_space<vmem>>, vector<16xf32>,
    %get3A_1610 = arith.constant 496 : index
    %get3A_1611 = tpu.vector_load %arg6[%get3A_1610] {strides = array<i32>} : memref<512xi32, #tpu.memory_space<vmem>>, vector<16xi32>,
    %shift_right_arithmetic3A_1612 = arith.constant 7 : i32
    %shift_right_arithmetic3A_1613 = vector.broadcast %shift_right_arithmetic3A_1612 : i32 to vector<16xi32>
    %shift_right_arithmetic3A_1614 = arith.shrsi %get3A_1611, %shift_right_arithmetic3A_1613 : vector<16xi32>
    %mul3A_1615 = arith.constant 512 : i32
    %mul3A_1616 = vector.broadcast %mul3A_1615 : i32 to vector<16xi32>
    %mul3A_1617 = arith.muli %shift_right_arithmetic3A_1614, %mul3A_1616 : vector<16xi32>
    %and3A_1618 = arith.constant 127 : i32
    %and3A_1619 = vector.broadcast %and3A_1618 : i32 to vector<16xi32>
    %and3A_1620 = arith.andi %get3A_1611, %and3A_1619 : vector<16xi32>
    %add3A_1621 = arith.addi %mul3A_1617, %and3A_1620 : vector<16xi32>
    %add3A_1622 = arith.constant 0 : i32
    %add3A_1623 = vector.broadcast %add3A_1622 : i32 to vector<16xi32>
    %add3A_1624 = arith.addi %add3A_1621, %add3A_1623 : vector<16xi32>
    %gather3A_1625 = tpu.vector_load_idx %arg5[%add3A_1624] : memref<2048xf32, #tpu.memory_space<vmem>>[vector<16xi32>], vector<16xf32>,
    %swap3A_1626 = arith.constant 3 : i32
    %swap3A_1627 = arith.constant 0 : i32
    %swap3A_1628 = arith.index_cast %swap3A_1626 : i32 to index
    %swap3A_1629 = arith.index_cast %swap3A_1627 : i32 to index
    %swap3A_1630 = arith.constant 112 : index
    %swap3A_1631 = tpu.vector_load %arg7[%swap3A_1628, %swap3A_1629, %swap3A_1630] {strides = array<i32>} : memref<4x4x128xf32, #tpu.memory_space<vmem>>, vector<16xf32>,
    tpu.vector_store %arg7[%swap3A_1628, %swap3A_1629, %swap3A_1630], %gather3A_1625 {strides = array<i32>} : memref<4x4x128xf32, #tpu.memory_space<vmem>>, vector<16xf32>,
    %add3A_1632 = arith.constant 128 : i32
    %add3A_1633 = vector.broadcast %add3A_1632 : i32 to vector<16xi32>
    %add3A_1634 = arith.addi %add3A_1621, %add3A_1633 : vector<16xi32>
    %gather3A_1635 = tpu.vector_load_idx %arg5[%add3A_1634] : memref<2048xf32, #tpu.memory_space<vmem>>[vector<16xi32>], vector<16xf32>,
    %swap3A_1636 = arith.constant 3 : i32
    %swap3A_1637 = arith.constant 1 : i32
    %swap3A_1638 = arith.index_cast %swap3A_1636 : i32 to index
    %swap3A_1639 = arith.index_cast %swap3A_1637 : i32 to index
    %swap3A_1640 = arith.constant 112 : index
    %swap3A_1641 = tpu.vector_load %arg7[%swap3A_1638, %swap3A_1639, %swap3A_1640] {strides = array<i32>} : memref<4x4x128xf32, #tpu.memory_space<vmem>>, vector<16xf32>,
    tpu.vector_store %arg7[%swap3A_1638, %swap3A_1639, %swap3A_1640], %gather3A_1635 {strides = array<i32>} : memref<4x4x128xf32, #tpu.memory_space<vmem>>, vector<16xf32>,
    %add3A_1642 = arith.constant 256 : i32
    %add3A_1643 = vector.broadcast %add3A_1642 : i32 to vector<16xi32>
    %add3A_1644 = arith.addi %add3A_1621, %add3A_1643 : vector<16xi32>
    %gather3A_1645 = tpu.vector_load_idx %arg5[%add3A_1644] : memref<2048xf32, #tpu.memory_space<vmem>>[vector<16xi32>], vector<16xf32>,
    %swap3A_1646 = arith.constant 3 : i32
    %swap3A_1647 = arith.constant 2 : i32
    %swap3A_1648 = arith.index_cast %swap3A_1646 : i32 to index
    %swap3A_1649 = arith.index_cast %swap3A_1647 : i32 to index
    %swap3A_1650 = arith.constant 112 : index
    %swap3A_1651 = tpu.vector_load %arg7[%swap3A_1648, %swap3A_1649, %swap3A_1650] {strides = array<i32>} : memref<4x4x128xf32, #tpu.memory_space<vmem>>, vector<16xf32>,
    tpu.vector_store %arg7[%swap3A_1648, %swap3A_1649, %swap3A_1650], %gather3A_1645 {strides = array<i32>} : memref<4x4x128xf32, #tpu.memory_space<vmem>>, vector<16xf32>,
    %add3A_1652 = arith.constant 384 : i32
    %add3A_1653 = vector.broadcast %add3A_1652 : i32 to vector<16xi32>
    %add3A_1654 = arith.addi %add3A_1621, %add3A_1653 : vector<16xi32>
    %gather3A_1655 = tpu.vector_load_idx %arg5[%add3A_1654] : memref<2048xf32, #tpu.memory_space<vmem>>[vector<16xi32>], vector<16xf32>,
    %swap3A_1656 = arith.constant 3 : i32
    %swap3A_1657 = arith.constant 3 : i32
    %swap3A_1658 = arith.index_cast %swap3A_1656 : i32 to index
    %swap3A_1659 = arith.index_cast %swap3A_1657 : i32 to index
    %swap3A_1660 = arith.constant 112 : index
    %swap3A_1661 = tpu.vector_load %arg7[%swap3A_1658, %swap3A_1659, %swap3A_1660] {strides = array<i32>} : memref<4x4x128xf32, #tpu.memory_space<vmem>>, vector<16xf32>,
    tpu.vector_store %arg7[%swap3A_1658, %swap3A_1659, %swap3A_1660], %gather3A_1655 {strides = array<i32>} : memref<4x4x128xf32, #tpu.memory_space<vmem>>, vector<16xf32>,
    %mul3A_1662 = arith.constant 4 : i32
    %mul3A_1663 = arith.muli %add3A, %mul3A_1662 : i32
    "tpu.region"() ({
      %run_scoped3A = tpu.sem_alloc : memref<!tpu.dma_semaphore, #tpu.memory_space<semaphore_mem>>
      %dma_start3A = arith.constant 0 : i32
      %dma_start3A_1664 = arith.constant 0 : i32
      %dma_start3A_1665 = tpu.memref_slice %arg4[%mul3A_1663, %dma_start3A, %dma_start3A_1664] : memref<128x4x128xf32, #tpu.memory_space<hbm>> -> memref<4x4x128xf32, #tpu.memory_space<hbm>>
      %dma_start3A_1666 = arith.constant 0 : i32
      %dma_start3A_1667 = arith.constant 0 : i32
      %dma_start3A_1668 = tpu.memref_slice %arg4[%mul3A_1663, %dma_start3A_1666, %dma_start3A_1667] : memref<128x4x128xf32, #tpu.memory_space<hbm>> -> memref<4x4x128xf32, #tpu.memory_space<hbm>>
      tpu.enqueue_dma source(%arg7 : memref<4x4x128xf32, #tpu.memory_space<vmem>>) target(%dma_start3A_1668 : memref<4x4x128xf32, #tpu.memory_space<hbm>>) target_semaphore(%run_scoped3A : memref<!tpu.dma_semaphore, #tpu.memory_space<semaphore_mem>>)
      %dma_wait3A = arith.constant 0 : i32
      %dma_wait3A_1669 = arith.constant 0 : i32
      %dma_wait3A_1670 = tpu.memref_slice %arg4[%mul3A_1663, %dma_wait3A, %dma_wait3A_1669] : memref<128x4x128xf32, #tpu.memory_space<hbm>> -> memref<4x4x128xf32, #tpu.memory_space<hbm>>
      %dma_wait3A_1671 = arith.constant 0 : i32
      %dma_wait3A_1672 = arith.constant 0 : i32
      %dma_wait3A_1673 = tpu.memref_slice %arg4[%mul3A_1663, %dma_wait3A_1671, %dma_wait3A_1672] : memref<128x4x128xf32, #tpu.memory_space<hbm>> -> memref<4x4x128xf32, #tpu.memory_space<hbm>>
      tpu.wait_dma2 semaphore(%run_scoped3A : memref<!tpu.dma_semaphore, #tpu.memory_space<semaphore_mem>>) src(%arg7 : memref<4x4x128xf32, #tpu.memory_space<vmem>>) dst(%dma_wait3A_1673 : memref<4x4x128xf32, #tpu.memory_space<hbm>>)
      tpu.yield
    }) : () -> ()
    return
  }
}

module attributes {stable_mosaic.version = 14 : i64} {
  func.func @_dp_body(%arg0: i32, %arg1: memref<20x2048xi32, #tpu.memory_space<vmem>>, %arg2: memref<20x2048xi32, #tpu.memory_space<vmem>>, %arg3: memref<1x2048xi32, #tpu.memory_space<vmem>>) attributes {dimension_semantics = [#tpu.dimension_semantics<arbitrary>], iteration_bounds = array<i64: 8>, scalar_prefetch = 0 : i64, scratch_operands = 0 : i64, tpu.core_type = #tpu.core_type<tc>, window_params = [{transform_indices = @transform_0, window_bounds = array<i64: 20, 2048>}, {transform_indices = @transform_1, window_bounds = array<i64: 20, 2048>}, {transform_indices = @transform_2, window_bounds = array<i64: 1, 2048>}]} {
    %get3A = arith.constant 0 : index
    %get3A_0 = arith.constant 0 : index
    %get3A_1 = vector.load %arg1[%get3A, %get3A_0] : memref<20x2048xi32, #tpu.memory_space<vmem>>, vector<20x2048xi32>
    %convert_element_type3A = arith.sitofp %get3A_1 : vector<20x2048xi32> to vector<20x2048xbf16>
    %get3A_2 = arith.constant 0 : index
    %get3A_3 = arith.constant 0 : index
    %get3A_4 = vector.load %arg2[%get3A_2, %get3A_3] : memref<20x2048xi32, #tpu.memory_space<vmem>>, vector<20x2048xi32>
    %convert_element_type3A_5 = arith.sitofp %get3A_4 : vector<20x2048xi32> to vector<20x2048xbf16>
    %broadcast_in_dim3A = arith.constant 0.000000e+00 : bf16
    %broadcast_in_dim3A_6 = vector.broadcast %broadcast_in_dim3A : bf16 to vector<21x2048xbf16>
    %slice3A = vector.extract_strided_slice %convert_element_type3A {offsets = [0, 0], sizes = [1, 2048], strides = [1, 1]} : vector<20x2048xbf16> to vector<1x2048xbf16>
    %ne3A = vector.broadcast %slice3A : vector<1x2048xbf16> to vector<20x2048xbf16>
    %ne3A_7 = arith.cmpf one, %ne3A, %convert_element_type3A_5 : vector<20x2048xbf16>
    %jit3A = arith.constant 0.000000e+00 : bf16
    %jit3A_8 = arith.constant -1.000000e+00 : bf16
    %broadcast_in_dim3A_9 = vector.broadcast %jit3A : bf16 to vector<20x2048xbf16>
    %broadcast_in_dim3A_10 = vector.broadcast %jit3A_8 : bf16 to vector<20x2048xbf16>
    %select_n3A = arith.select %ne3A_7, %broadcast_in_dim3A_9, %broadcast_in_dim3A_10 : vector<20x2048xi1>, vector<20x2048xbf16>
    %add3A = arith.constant 1.000000e+00 : bf16
    %add3A_11 = vector.broadcast %add3A : bf16 to vector<21x2048xbf16>
    %add3A_12 = arith.addf %broadcast_in_dim3A_6, %add3A_11 : vector<21x2048xbf16>
    %broadcast_in_dim3A_13 = arith.constant 1.000000e+00 : bf16
    %broadcast_in_dim3A_14 = vector.broadcast %broadcast_in_dim3A_13 : bf16 to vector<1x2048xbf16>
    %slice3A_15 = vector.extract_strided_slice %broadcast_in_dim3A_6 {offsets = [0, 0], sizes = [20, 2048], strides = [1, 1]} : vector<21x2048xbf16> to vector<20x2048xbf16>
    %add3A_16 = arith.addf %slice3A_15, %select_n3A : vector<20x2048xbf16>
    %concatenate3A = tpu.concatenate %broadcast_in_dim3A_14, %add3A_16 in 0 : vector<1x2048xbf16>, vector<20x2048xbf16> -> vector<21x2048xbf16>
    %min3A = arith.minimumf %add3A_12, %concatenate3A : vector<21x2048xbf16>
    %broadcast_in_dim3A_17 = arith.constant 1.280000e+02 : bf16
    %broadcast_in_dim3A_18 = vector.broadcast %broadcast_in_dim3A_17 : bf16 to vector<1x2048xbf16>
    %slice3A_19 = vector.extract_strided_slice %min3A {offsets = [0, 0], sizes = [20, 2048], strides = [1, 1]} : vector<21x2048xbf16> to vector<20x2048xbf16>
    %concatenate3A_20 = tpu.concatenate %broadcast_in_dim3A_18, %slice3A_19 in 0 : vector<1x2048xbf16>, vector<20x2048xbf16> -> vector<21x2048xbf16>
    %min3A_21 = arith.minimumf %min3A, %concatenate3A_20 : vector<21x2048xbf16>
    %broadcast_in_dim3A_22 = arith.constant 1.280000e+02 : bf16
    %broadcast_in_dim3A_23 = vector.broadcast %broadcast_in_dim3A_22 : bf16 to vector<2x2048xbf16>
    %slice3A_24 = vector.extract_strided_slice %min3A_21 {offsets = [0, 0], sizes = [19, 2048], strides = [1, 1]} : vector<21x2048xbf16> to vector<19x2048xbf16>
    %concatenate3A_25 = tpu.concatenate %broadcast_in_dim3A_23, %slice3A_24 in 0 : vector<2x2048xbf16>, vector<19x2048xbf16> -> vector<21x2048xbf16>
    %min3A_26 = arith.minimumf %min3A_21, %concatenate3A_25 : vector<21x2048xbf16>
    %broadcast_in_dim3A_27 = arith.constant 1.280000e+02 : bf16
    %broadcast_in_dim3A_28 = vector.broadcast %broadcast_in_dim3A_27 : bf16 to vector<4x2048xbf16>
    %slice3A_29 = vector.extract_strided_slice %min3A_26 {offsets = [0, 0], sizes = [17, 2048], strides = [1, 1]} : vector<21x2048xbf16> to vector<17x2048xbf16>
    %concatenate3A_30 = tpu.concatenate %broadcast_in_dim3A_28, %slice3A_29 in 0 : vector<4x2048xbf16>, vector<17x2048xbf16> -> vector<21x2048xbf16>
    %min3A_31 = arith.minimumf %min3A_26, %concatenate3A_30 : vector<21x2048xbf16>
    %broadcast_in_dim3A_32 = arith.constant 1.280000e+02 : bf16
    %broadcast_in_dim3A_33 = vector.broadcast %broadcast_in_dim3A_32 : bf16 to vector<8x2048xbf16>
    %slice3A_34 = vector.extract_strided_slice %min3A_31 {offsets = [0, 0], sizes = [13, 2048], strides = [1, 1]} : vector<21x2048xbf16> to vector<13x2048xbf16>
    %concatenate3A_35 = tpu.concatenate %broadcast_in_dim3A_33, %slice3A_34 in 0 : vector<8x2048xbf16>, vector<13x2048xbf16> -> vector<21x2048xbf16>
    %min3A_36 = arith.minimumf %min3A_31, %concatenate3A_35 : vector<21x2048xbf16>
    %broadcast_in_dim3A_37 = arith.constant 1.280000e+02 : bf16
    %broadcast_in_dim3A_38 = vector.broadcast %broadcast_in_dim3A_37 : bf16 to vector<16x2048xbf16>
    %slice3A_39 = vector.extract_strided_slice %min3A_36 {offsets = [0, 0], sizes = [5, 2048], strides = [1, 1]} : vector<21x2048xbf16> to vector<5x2048xbf16>
    %concatenate3A_40 = tpu.concatenate %broadcast_in_dim3A_38, %slice3A_39 in 0 : vector<16x2048xbf16>, vector<5x2048xbf16> -> vector<21x2048xbf16>
    %min3A_41 = arith.minimumf %min3A_36, %concatenate3A_40 : vector<21x2048xbf16>
    %slice3A_42 = vector.extract_strided_slice %convert_element_type3A {offsets = [1, 0], sizes = [1, 2048], strides = [1, 1]} : vector<20x2048xbf16> to vector<1x2048xbf16>
    %ne3A_43 = vector.broadcast %slice3A_42 : vector<1x2048xbf16> to vector<20x2048xbf16>
    %ne3A_44 = arith.cmpf one, %ne3A_43, %convert_element_type3A_5 : vector<20x2048xbf16>
    %jit3A_45 = arith.constant 0.000000e+00 : bf16
    %jit3A_46 = arith.constant -1.000000e+00 : bf16
    %broadcast_in_dim3A_47 = vector.broadcast %jit3A_45 : bf16 to vector<20x2048xbf16>
    %broadcast_in_dim3A_48 = vector.broadcast %jit3A_46 : bf16 to vector<20x2048xbf16>
    %select_n3A_49 = arith.select %ne3A_44, %broadcast_in_dim3A_47, %broadcast_in_dim3A_48 : vector<20x2048xi1>, vector<20x2048xbf16>
    %add3A_50 = arith.constant 1.000000e+00 : bf16
    %add3A_51 = vector.broadcast %add3A_50 : bf16 to vector<21x2048xbf16>
    %add3A_52 = arith.addf %min3A_41, %add3A_51 : vector<21x2048xbf16>
    %broadcast_in_dim3A_53 = arith.constant 2.000000e+00 : bf16
    %broadcast_in_dim3A_54 = vector.broadcast %broadcast_in_dim3A_53 : bf16 to vector<1x2048xbf16>
    %slice3A_55 = vector.extract_strided_slice %min3A_41 {offsets = [0, 0], sizes = [20, 2048], strides = [1, 1]} : vector<21x2048xbf16> to vector<20x2048xbf16>
    %add3A_56 = arith.addf %slice3A_55, %select_n3A_49 : vector<20x2048xbf16>
    %concatenate3A_57 = tpu.concatenate %broadcast_in_dim3A_54, %add3A_56 in 0 : vector<1x2048xbf16>, vector<20x2048xbf16> -> vector<21x2048xbf16>
    %min3A_58 = arith.minimumf %add3A_52, %concatenate3A_57 : vector<21x2048xbf16>
    %broadcast_in_dim3A_59 = arith.constant 1.280000e+02 : bf16
    %broadcast_in_dim3A_60 = vector.broadcast %broadcast_in_dim3A_59 : bf16 to vector<1x2048xbf16>
    %slice3A_61 = vector.extract_strided_slice %min3A_58 {offsets = [0, 0], sizes = [20, 2048], strides = [1, 1]} : vector<21x2048xbf16> to vector<20x2048xbf16>
    %concatenate3A_62 = tpu.concatenate %broadcast_in_dim3A_60, %slice3A_61 in 0 : vector<1x2048xbf16>, vector<20x2048xbf16> -> vector<21x2048xbf16>
    %min3A_63 = arith.minimumf %min3A_58, %concatenate3A_62 : vector<21x2048xbf16>
    %broadcast_in_dim3A_64 = arith.constant 1.280000e+02 : bf16
    %broadcast_in_dim3A_65 = vector.broadcast %broadcast_in_dim3A_64 : bf16 to vector<2x2048xbf16>
    %slice3A_66 = vector.extract_strided_slice %min3A_63 {offsets = [0, 0], sizes = [19, 2048], strides = [1, 1]} : vector<21x2048xbf16> to vector<19x2048xbf16>
    %concatenate3A_67 = tpu.concatenate %broadcast_in_dim3A_65, %slice3A_66 in 0 : vector<2x2048xbf16>, vector<19x2048xbf16> -> vector<21x2048xbf16>
    %min3A_68 = arith.minimumf %min3A_63, %concatenate3A_67 : vector<21x2048xbf16>
    %broadcast_in_dim3A_69 = arith.constant 1.280000e+02 : bf16
    %broadcast_in_dim3A_70 = vector.broadcast %broadcast_in_dim3A_69 : bf16 to vector<4x2048xbf16>
    %slice3A_71 = vector.extract_strided_slice %min3A_68 {offsets = [0, 0], sizes = [17, 2048], strides = [1, 1]} : vector<21x2048xbf16> to vector<17x2048xbf16>
    %concatenate3A_72 = tpu.concatenate %broadcast_in_dim3A_70, %slice3A_71 in 0 : vector<4x2048xbf16>, vector<17x2048xbf16> -> vector<21x2048xbf16>
    %min3A_73 = arith.minimumf %min3A_68, %concatenate3A_72 : vector<21x2048xbf16>
    %broadcast_in_dim3A_74 = arith.constant 1.280000e+02 : bf16
    %broadcast_in_dim3A_75 = vector.broadcast %broadcast_in_dim3A_74 : bf16 to vector<8x2048xbf16>
    %slice3A_76 = vector.extract_strided_slice %min3A_73 {offsets = [0, 0], sizes = [13, 2048], strides = [1, 1]} : vector<21x2048xbf16> to vector<13x2048xbf16>
    %concatenate3A_77 = tpu.concatenate %broadcast_in_dim3A_75, %slice3A_76 in 0 : vector<8x2048xbf16>, vector<13x2048xbf16> -> vector<21x2048xbf16>
    %min3A_78 = arith.minimumf %min3A_73, %concatenate3A_77 : vector<21x2048xbf16>
    %broadcast_in_dim3A_79 = arith.constant 1.280000e+02 : bf16
    %broadcast_in_dim3A_80 = vector.broadcast %broadcast_in_dim3A_79 : bf16 to vector<16x2048xbf16>
    %slice3A_81 = vector.extract_strided_slice %min3A_78 {offsets = [0, 0], sizes = [5, 2048], strides = [1, 1]} : vector<21x2048xbf16> to vector<5x2048xbf16>
    %concatenate3A_82 = tpu.concatenate %broadcast_in_dim3A_80, %slice3A_81 in 0 : vector<16x2048xbf16>, vector<5x2048xbf16> -> vector<21x2048xbf16>
    %min3A_83 = arith.minimumf %min3A_78, %concatenate3A_82 : vector<21x2048xbf16>
    %slice3A_84 = vector.extract_strided_slice %convert_element_type3A {offsets = [2, 0], sizes = [1, 2048], strides = [1, 1]} : vector<20x2048xbf16> to vector<1x2048xbf16>
    %ne3A_85 = vector.broadcast %slice3A_84 : vector<1x2048xbf16> to vector<20x2048xbf16>
    %ne3A_86 = arith.cmpf one, %ne3A_85, %convert_element_type3A_5 : vector<20x2048xbf16>
    %jit3A_87 = arith.constant 0.000000e+00 : bf16
    %jit3A_88 = arith.constant -1.000000e+00 : bf16
    %broadcast_in_dim3A_89 = vector.broadcast %jit3A_87 : bf16 to vector<20x2048xbf16>
    %broadcast_in_dim3A_90 = vector.broadcast %jit3A_88 : bf16 to vector<20x2048xbf16>
    %select_n3A_91 = arith.select %ne3A_86, %broadcast_in_dim3A_89, %broadcast_in_dim3A_90 : vector<20x2048xi1>, vector<20x2048xbf16>
    %add3A_92 = arith.constant 1.000000e+00 : bf16
    %add3A_93 = vector.broadcast %add3A_92 : bf16 to vector<21x2048xbf16>
    %add3A_94 = arith.addf %min3A_83, %add3A_93 : vector<21x2048xbf16>
    %broadcast_in_dim3A_95 = arith.constant 3.000000e+00 : bf16
    %broadcast_in_dim3A_96 = vector.broadcast %broadcast_in_dim3A_95 : bf16 to vector<1x2048xbf16>
    %slice3A_97 = vector.extract_strided_slice %min3A_83 {offsets = [0, 0], sizes = [20, 2048], strides = [1, 1]} : vector<21x2048xbf16> to vector<20x2048xbf16>
    %add3A_98 = arith.addf %slice3A_97, %select_n3A_91 : vector<20x2048xbf16>
    %concatenate3A_99 = tpu.concatenate %broadcast_in_dim3A_96, %add3A_98 in 0 : vector<1x2048xbf16>, vector<20x2048xbf16> -> vector<21x2048xbf16>
    %min3A_100 = arith.minimumf %add3A_94, %concatenate3A_99 : vector<21x2048xbf16>
    %broadcast_in_dim3A_101 = arith.constant 1.280000e+02 : bf16
    %broadcast_in_dim3A_102 = vector.broadcast %broadcast_in_dim3A_101 : bf16 to vector<1x2048xbf16>
    %slice3A_103 = vector.extract_strided_slice %min3A_100 {offsets = [0, 0], sizes = [20, 2048], strides = [1, 1]} : vector<21x2048xbf16> to vector<20x2048xbf16>
    %concatenate3A_104 = tpu.concatenate %broadcast_in_dim3A_102, %slice3A_103 in 0 : vector<1x2048xbf16>, vector<20x2048xbf16> -> vector<21x2048xbf16>
    %min3A_105 = arith.minimumf %min3A_100, %concatenate3A_104 : vector<21x2048xbf16>
    %broadcast_in_dim3A_106 = arith.constant 1.280000e+02 : bf16
    %broadcast_in_dim3A_107 = vector.broadcast %broadcast_in_dim3A_106 : bf16 to vector<2x2048xbf16>
    %slice3A_108 = vector.extract_strided_slice %min3A_105 {offsets = [0, 0], sizes = [19, 2048], strides = [1, 1]} : vector<21x2048xbf16> to vector<19x2048xbf16>
    %concatenate3A_109 = tpu.concatenate %broadcast_in_dim3A_107, %slice3A_108 in 0 : vector<2x2048xbf16>, vector<19x2048xbf16> -> vector<21x2048xbf16>
    %min3A_110 = arith.minimumf %min3A_105, %concatenate3A_109 : vector<21x2048xbf16>
    %broadcast_in_dim3A_111 = arith.constant 1.280000e+02 : bf16
    %broadcast_in_dim3A_112 = vector.broadcast %broadcast_in_dim3A_111 : bf16 to vector<4x2048xbf16>
    %slice3A_113 = vector.extract_strided_slice %min3A_110 {offsets = [0, 0], sizes = [17, 2048], strides = [1, 1]} : vector<21x2048xbf16> to vector<17x2048xbf16>
    %concatenate3A_114 = tpu.concatenate %broadcast_in_dim3A_112, %slice3A_113 in 0 : vector<4x2048xbf16>, vector<17x2048xbf16> -> vector<21x2048xbf16>
    %min3A_115 = arith.minimumf %min3A_110, %concatenate3A_114 : vector<21x2048xbf16>
    %broadcast_in_dim3A_116 = arith.constant 1.280000e+02 : bf16
    %broadcast_in_dim3A_117 = vector.broadcast %broadcast_in_dim3A_116 : bf16 to vector<8x2048xbf16>
    %slice3A_118 = vector.extract_strided_slice %min3A_115 {offsets = [0, 0], sizes = [13, 2048], strides = [1, 1]} : vector<21x2048xbf16> to vector<13x2048xbf16>
    %concatenate3A_119 = tpu.concatenate %broadcast_in_dim3A_117, %slice3A_118 in 0 : vector<8x2048xbf16>, vector<13x2048xbf16> -> vector<21x2048xbf16>
    %min3A_120 = arith.minimumf %min3A_115, %concatenate3A_119 : vector<21x2048xbf16>
    %broadcast_in_dim3A_121 = arith.constant 1.280000e+02 : bf16
    %broadcast_in_dim3A_122 = vector.broadcast %broadcast_in_dim3A_121 : bf16 to vector<16x2048xbf16>
    %slice3A_123 = vector.extract_strided_slice %min3A_120 {offsets = [0, 0], sizes = [5, 2048], strides = [1, 1]} : vector<21x2048xbf16> to vector<5x2048xbf16>
    %concatenate3A_124 = tpu.concatenate %broadcast_in_dim3A_122, %slice3A_123 in 0 : vector<16x2048xbf16>, vector<5x2048xbf16> -> vector<21x2048xbf16>
    %min3A_125 = arith.minimumf %min3A_120, %concatenate3A_124 : vector<21x2048xbf16>
    %slice3A_126 = vector.extract_strided_slice %convert_element_type3A {offsets = [3, 0], sizes = [1, 2048], strides = [1, 1]} : vector<20x2048xbf16> to vector<1x2048xbf16>
    %ne3A_127 = vector.broadcast %slice3A_126 : vector<1x2048xbf16> to vector<20x2048xbf16>
    %ne3A_128 = arith.cmpf one, %ne3A_127, %convert_element_type3A_5 : vector<20x2048xbf16>
    %jit3A_129 = arith.constant 0.000000e+00 : bf16
    %jit3A_130 = arith.constant -1.000000e+00 : bf16
    %broadcast_in_dim3A_131 = vector.broadcast %jit3A_129 : bf16 to vector<20x2048xbf16>
    %broadcast_in_dim3A_132 = vector.broadcast %jit3A_130 : bf16 to vector<20x2048xbf16>
    %select_n3A_133 = arith.select %ne3A_128, %broadcast_in_dim3A_131, %broadcast_in_dim3A_132 : vector<20x2048xi1>, vector<20x2048xbf16>
    %add3A_134 = arith.constant 1.000000e+00 : bf16
    %add3A_135 = vector.broadcast %add3A_134 : bf16 to vector<21x2048xbf16>
    %add3A_136 = arith.addf %min3A_125, %add3A_135 : vector<21x2048xbf16>
    %broadcast_in_dim3A_137 = arith.constant 4.000000e+00 : bf16
    %broadcast_in_dim3A_138 = vector.broadcast %broadcast_in_dim3A_137 : bf16 to vector<1x2048xbf16>
    %slice3A_139 = vector.extract_strided_slice %min3A_125 {offsets = [0, 0], sizes = [20, 2048], strides = [1, 1]} : vector<21x2048xbf16> to vector<20x2048xbf16>
    %add3A_140 = arith.addf %slice3A_139, %select_n3A_133 : vector<20x2048xbf16>
    %concatenate3A_141 = tpu.concatenate %broadcast_in_dim3A_138, %add3A_140 in 0 : vector<1x2048xbf16>, vector<20x2048xbf16> -> vector<21x2048xbf16>
    %min3A_142 = arith.minimumf %add3A_136, %concatenate3A_141 : vector<21x2048xbf16>
    %broadcast_in_dim3A_143 = arith.constant 1.280000e+02 : bf16
    %broadcast_in_dim3A_144 = vector.broadcast %broadcast_in_dim3A_143 : bf16 to vector<1x2048xbf16>
    %slice3A_145 = vector.extract_strided_slice %min3A_142 {offsets = [0, 0], sizes = [20, 2048], strides = [1, 1]} : vector<21x2048xbf16> to vector<20x2048xbf16>
    %concatenate3A_146 = tpu.concatenate %broadcast_in_dim3A_144, %slice3A_145 in 0 : vector<1x2048xbf16>, vector<20x2048xbf16> -> vector<21x2048xbf16>
    %min3A_147 = arith.minimumf %min3A_142, %concatenate3A_146 : vector<21x2048xbf16>
    %broadcast_in_dim3A_148 = arith.constant 1.280000e+02 : bf16
    %broadcast_in_dim3A_149 = vector.broadcast %broadcast_in_dim3A_148 : bf16 to vector<2x2048xbf16>
    %slice3A_150 = vector.extract_strided_slice %min3A_147 {offsets = [0, 0], sizes = [19, 2048], strides = [1, 1]} : vector<21x2048xbf16> to vector<19x2048xbf16>
    %concatenate3A_151 = tpu.concatenate %broadcast_in_dim3A_149, %slice3A_150 in 0 : vector<2x2048xbf16>, vector<19x2048xbf16> -> vector<21x2048xbf16>
    %min3A_152 = arith.minimumf %min3A_147, %concatenate3A_151 : vector<21x2048xbf16>
    %broadcast_in_dim3A_153 = arith.constant 1.280000e+02 : bf16
    %broadcast_in_dim3A_154 = vector.broadcast %broadcast_in_dim3A_153 : bf16 to vector<4x2048xbf16>
    %slice3A_155 = vector.extract_strided_slice %min3A_152 {offsets = [0, 0], sizes = [17, 2048], strides = [1, 1]} : vector<21x2048xbf16> to vector<17x2048xbf16>
    %concatenate3A_156 = tpu.concatenate %broadcast_in_dim3A_154, %slice3A_155 in 0 : vector<4x2048xbf16>, vector<17x2048xbf16> -> vector<21x2048xbf16>
    %min3A_157 = arith.minimumf %min3A_152, %concatenate3A_156 : vector<21x2048xbf16>
    %broadcast_in_dim3A_158 = arith.constant 1.280000e+02 : bf16
    %broadcast_in_dim3A_159 = vector.broadcast %broadcast_in_dim3A_158 : bf16 to vector<8x2048xbf16>
    %slice3A_160 = vector.extract_strided_slice %min3A_157 {offsets = [0, 0], sizes = [13, 2048], strides = [1, 1]} : vector<21x2048xbf16> to vector<13x2048xbf16>
    %concatenate3A_161 = tpu.concatenate %broadcast_in_dim3A_159, %slice3A_160 in 0 : vector<8x2048xbf16>, vector<13x2048xbf16> -> vector<21x2048xbf16>
    %min3A_162 = arith.minimumf %min3A_157, %concatenate3A_161 : vector<21x2048xbf16>
    %broadcast_in_dim3A_163 = arith.constant 1.280000e+02 : bf16
    %broadcast_in_dim3A_164 = vector.broadcast %broadcast_in_dim3A_163 : bf16 to vector<16x2048xbf16>
    %slice3A_165 = vector.extract_strided_slice %min3A_162 {offsets = [0, 0], sizes = [5, 2048], strides = [1, 1]} : vector<21x2048xbf16> to vector<5x2048xbf16>
    %concatenate3A_166 = tpu.concatenate %broadcast_in_dim3A_164, %slice3A_165 in 0 : vector<16x2048xbf16>, vector<5x2048xbf16> -> vector<21x2048xbf16>
    %min3A_167 = arith.minimumf %min3A_162, %concatenate3A_166 : vector<21x2048xbf16>
    %slice3A_168 = vector.extract_strided_slice %convert_element_type3A {offsets = [4, 0], sizes = [1, 2048], strides = [1, 1]} : vector<20x2048xbf16> to vector<1x2048xbf16>
    %ne3A_169 = vector.broadcast %slice3A_168 : vector<1x2048xbf16> to vector<20x2048xbf16>
    %ne3A_170 = arith.cmpf one, %ne3A_169, %convert_element_type3A_5 : vector<20x2048xbf16>
    %jit3A_171 = arith.constant 0.000000e+00 : bf16
    %jit3A_172 = arith.constant -1.000000e+00 : bf16
    %broadcast_in_dim3A_173 = vector.broadcast %jit3A_171 : bf16 to vector<20x2048xbf16>
    %broadcast_in_dim3A_174 = vector.broadcast %jit3A_172 : bf16 to vector<20x2048xbf16>
    %select_n3A_175 = arith.select %ne3A_170, %broadcast_in_dim3A_173, %broadcast_in_dim3A_174 : vector<20x2048xi1>, vector<20x2048xbf16>
    %add3A_176 = arith.constant 1.000000e+00 : bf16
    %add3A_177 = vector.broadcast %add3A_176 : bf16 to vector<21x2048xbf16>
    %add3A_178 = arith.addf %min3A_167, %add3A_177 : vector<21x2048xbf16>
    %broadcast_in_dim3A_179 = arith.constant 5.000000e+00 : bf16
    %broadcast_in_dim3A_180 = vector.broadcast %broadcast_in_dim3A_179 : bf16 to vector<1x2048xbf16>
    %slice3A_181 = vector.extract_strided_slice %min3A_167 {offsets = [0, 0], sizes = [20, 2048], strides = [1, 1]} : vector<21x2048xbf16> to vector<20x2048xbf16>
    %add3A_182 = arith.addf %slice3A_181, %select_n3A_175 : vector<20x2048xbf16>
    %concatenate3A_183 = tpu.concatenate %broadcast_in_dim3A_180, %add3A_182 in 0 : vector<1x2048xbf16>, vector<20x2048xbf16> -> vector<21x2048xbf16>
    %min3A_184 = arith.minimumf %add3A_178, %concatenate3A_183 : vector<21x2048xbf16>
    %broadcast_in_dim3A_185 = arith.constant 1.280000e+02 : bf16
    %broadcast_in_dim3A_186 = vector.broadcast %broadcast_in_dim3A_185 : bf16 to vector<1x2048xbf16>
    %slice3A_187 = vector.extract_strided_slice %min3A_184 {offsets = [0, 0], sizes = [20, 2048], strides = [1, 1]} : vector<21x2048xbf16> to vector<20x2048xbf16>
    %concatenate3A_188 = tpu.concatenate %broadcast_in_dim3A_186, %slice3A_187 in 0 : vector<1x2048xbf16>, vector<20x2048xbf16> -> vector<21x2048xbf16>
    %min3A_189 = arith.minimumf %min3A_184, %concatenate3A_188 : vector<21x2048xbf16>
    %broadcast_in_dim3A_190 = arith.constant 1.280000e+02 : bf16
    %broadcast_in_dim3A_191 = vector.broadcast %broadcast_in_dim3A_190 : bf16 to vector<2x2048xbf16>
    %slice3A_192 = vector.extract_strided_slice %min3A_189 {offsets = [0, 0], sizes = [19, 2048], strides = [1, 1]} : vector<21x2048xbf16> to vector<19x2048xbf16>
    %concatenate3A_193 = tpu.concatenate %broadcast_in_dim3A_191, %slice3A_192 in 0 : vector<2x2048xbf16>, vector<19x2048xbf16> -> vector<21x2048xbf16>
    %min3A_194 = arith.minimumf %min3A_189, %concatenate3A_193 : vector<21x2048xbf16>
    %broadcast_in_dim3A_195 = arith.constant 1.280000e+02 : bf16
    %broadcast_in_dim3A_196 = vector.broadcast %broadcast_in_dim3A_195 : bf16 to vector<4x2048xbf16>
    %slice3A_197 = vector.extract_strided_slice %min3A_194 {offsets = [0, 0], sizes = [17, 2048], strides = [1, 1]} : vector<21x2048xbf16> to vector<17x2048xbf16>
    %concatenate3A_198 = tpu.concatenate %broadcast_in_dim3A_196, %slice3A_197 in 0 : vector<4x2048xbf16>, vector<17x2048xbf16> -> vector<21x2048xbf16>
    %min3A_199 = arith.minimumf %min3A_194, %concatenate3A_198 : vector<21x2048xbf16>
    %broadcast_in_dim3A_200 = arith.constant 1.280000e+02 : bf16
    %broadcast_in_dim3A_201 = vector.broadcast %broadcast_in_dim3A_200 : bf16 to vector<8x2048xbf16>
    %slice3A_202 = vector.extract_strided_slice %min3A_199 {offsets = [0, 0], sizes = [13, 2048], strides = [1, 1]} : vector<21x2048xbf16> to vector<13x2048xbf16>
    %concatenate3A_203 = tpu.concatenate %broadcast_in_dim3A_201, %slice3A_202 in 0 : vector<8x2048xbf16>, vector<13x2048xbf16> -> vector<21x2048xbf16>
    %min3A_204 = arith.minimumf %min3A_199, %concatenate3A_203 : vector<21x2048xbf16>
    %broadcast_in_dim3A_205 = arith.constant 1.280000e+02 : bf16
    %broadcast_in_dim3A_206 = vector.broadcast %broadcast_in_dim3A_205 : bf16 to vector<16x2048xbf16>
    %slice3A_207 = vector.extract_strided_slice %min3A_204 {offsets = [0, 0], sizes = [5, 2048], strides = [1, 1]} : vector<21x2048xbf16> to vector<5x2048xbf16>
    %concatenate3A_208 = tpu.concatenate %broadcast_in_dim3A_206, %slice3A_207 in 0 : vector<16x2048xbf16>, vector<5x2048xbf16> -> vector<21x2048xbf16>
    %min3A_209 = arith.minimumf %min3A_204, %concatenate3A_208 : vector<21x2048xbf16>
    %slice3A_210 = vector.extract_strided_slice %convert_element_type3A {offsets = [5, 0], sizes = [1, 2048], strides = [1, 1]} : vector<20x2048xbf16> to vector<1x2048xbf16>
    %ne3A_211 = vector.broadcast %slice3A_210 : vector<1x2048xbf16> to vector<20x2048xbf16>
    %ne3A_212 = arith.cmpf one, %ne3A_211, %convert_element_type3A_5 : vector<20x2048xbf16>
    %jit3A_213 = arith.constant 0.000000e+00 : bf16
    %jit3A_214 = arith.constant -1.000000e+00 : bf16
    %broadcast_in_dim3A_215 = vector.broadcast %jit3A_213 : bf16 to vector<20x2048xbf16>
    %broadcast_in_dim3A_216 = vector.broadcast %jit3A_214 : bf16 to vector<20x2048xbf16>
    %select_n3A_217 = arith.select %ne3A_212, %broadcast_in_dim3A_215, %broadcast_in_dim3A_216 : vector<20x2048xi1>, vector<20x2048xbf16>
    %add3A_218 = arith.constant 1.000000e+00 : bf16
    %add3A_219 = vector.broadcast %add3A_218 : bf16 to vector<21x2048xbf16>
    %add3A_220 = arith.addf %min3A_209, %add3A_219 : vector<21x2048xbf16>
    %broadcast_in_dim3A_221 = arith.constant 6.000000e+00 : bf16
    %broadcast_in_dim3A_222 = vector.broadcast %broadcast_in_dim3A_221 : bf16 to vector<1x2048xbf16>
    %slice3A_223 = vector.extract_strided_slice %min3A_209 {offsets = [0, 0], sizes = [20, 2048], strides = [1, 1]} : vector<21x2048xbf16> to vector<20x2048xbf16>
    %add3A_224 = arith.addf %slice3A_223, %select_n3A_217 : vector<20x2048xbf16>
    %concatenate3A_225 = tpu.concatenate %broadcast_in_dim3A_222, %add3A_224 in 0 : vector<1x2048xbf16>, vector<20x2048xbf16> -> vector<21x2048xbf16>
    %min3A_226 = arith.minimumf %add3A_220, %concatenate3A_225 : vector<21x2048xbf16>
    %broadcast_in_dim3A_227 = arith.constant 1.280000e+02 : bf16
    %broadcast_in_dim3A_228 = vector.broadcast %broadcast_in_dim3A_227 : bf16 to vector<1x2048xbf16>
    %slice3A_229 = vector.extract_strided_slice %min3A_226 {offsets = [0, 0], sizes = [20, 2048], strides = [1, 1]} : vector<21x2048xbf16> to vector<20x2048xbf16>
    %concatenate3A_230 = tpu.concatenate %broadcast_in_dim3A_228, %slice3A_229 in 0 : vector<1x2048xbf16>, vector<20x2048xbf16> -> vector<21x2048xbf16>
    %min3A_231 = arith.minimumf %min3A_226, %concatenate3A_230 : vector<21x2048xbf16>
    %broadcast_in_dim3A_232 = arith.constant 1.280000e+02 : bf16
    %broadcast_in_dim3A_233 = vector.broadcast %broadcast_in_dim3A_232 : bf16 to vector<2x2048xbf16>
    %slice3A_234 = vector.extract_strided_slice %min3A_231 {offsets = [0, 0], sizes = [19, 2048], strides = [1, 1]} : vector<21x2048xbf16> to vector<19x2048xbf16>
    %concatenate3A_235 = tpu.concatenate %broadcast_in_dim3A_233, %slice3A_234 in 0 : vector<2x2048xbf16>, vector<19x2048xbf16> -> vector<21x2048xbf16>
    %min3A_236 = arith.minimumf %min3A_231, %concatenate3A_235 : vector<21x2048xbf16>
    %broadcast_in_dim3A_237 = arith.constant 1.280000e+02 : bf16
    %broadcast_in_dim3A_238 = vector.broadcast %broadcast_in_dim3A_237 : bf16 to vector<4x2048xbf16>
    %slice3A_239 = vector.extract_strided_slice %min3A_236 {offsets = [0, 0], sizes = [17, 2048], strides = [1, 1]} : vector<21x2048xbf16> to vector<17x2048xbf16>
    %concatenate3A_240 = tpu.concatenate %broadcast_in_dim3A_238, %slice3A_239 in 0 : vector<4x2048xbf16>, vector<17x2048xbf16> -> vector<21x2048xbf16>
    %min3A_241 = arith.minimumf %min3A_236, %concatenate3A_240 : vector<21x2048xbf16>
    %broadcast_in_dim3A_242 = arith.constant 1.280000e+02 : bf16
    %broadcast_in_dim3A_243 = vector.broadcast %broadcast_in_dim3A_242 : bf16 to vector<8x2048xbf16>
    %slice3A_244 = vector.extract_strided_slice %min3A_241 {offsets = [0, 0], sizes = [13, 2048], strides = [1, 1]} : vector<21x2048xbf16> to vector<13x2048xbf16>
    %concatenate3A_245 = tpu.concatenate %broadcast_in_dim3A_243, %slice3A_244 in 0 : vector<8x2048xbf16>, vector<13x2048xbf16> -> vector<21x2048xbf16>
    %min3A_246 = arith.minimumf %min3A_241, %concatenate3A_245 : vector<21x2048xbf16>
    %broadcast_in_dim3A_247 = arith.constant 1.280000e+02 : bf16
    %broadcast_in_dim3A_248 = vector.broadcast %broadcast_in_dim3A_247 : bf16 to vector<16x2048xbf16>
    %slice3A_249 = vector.extract_strided_slice %min3A_246 {offsets = [0, 0], sizes = [5, 2048], strides = [1, 1]} : vector<21x2048xbf16> to vector<5x2048xbf16>
    %concatenate3A_250 = tpu.concatenate %broadcast_in_dim3A_248, %slice3A_249 in 0 : vector<16x2048xbf16>, vector<5x2048xbf16> -> vector<21x2048xbf16>
    %min3A_251 = arith.minimumf %min3A_246, %concatenate3A_250 : vector<21x2048xbf16>
    %slice3A_252 = vector.extract_strided_slice %convert_element_type3A {offsets = [6, 0], sizes = [1, 2048], strides = [1, 1]} : vector<20x2048xbf16> to vector<1x2048xbf16>
    %ne3A_253 = vector.broadcast %slice3A_252 : vector<1x2048xbf16> to vector<20x2048xbf16>
    %ne3A_254 = arith.cmpf one, %ne3A_253, %convert_element_type3A_5 : vector<20x2048xbf16>
    %jit3A_255 = arith.constant 0.000000e+00 : bf16
    %jit3A_256 = arith.constant -1.000000e+00 : bf16
    %broadcast_in_dim3A_257 = vector.broadcast %jit3A_255 : bf16 to vector<20x2048xbf16>
    %broadcast_in_dim3A_258 = vector.broadcast %jit3A_256 : bf16 to vector<20x2048xbf16>
    %select_n3A_259 = arith.select %ne3A_254, %broadcast_in_dim3A_257, %broadcast_in_dim3A_258 : vector<20x2048xi1>, vector<20x2048xbf16>
    %add3A_260 = arith.constant 1.000000e+00 : bf16
    %add3A_261 = vector.broadcast %add3A_260 : bf16 to vector<21x2048xbf16>
    %add3A_262 = arith.addf %min3A_251, %add3A_261 : vector<21x2048xbf16>
    %broadcast_in_dim3A_263 = arith.constant 7.000000e+00 : bf16
    %broadcast_in_dim3A_264 = vector.broadcast %broadcast_in_dim3A_263 : bf16 to vector<1x2048xbf16>
    %slice3A_265 = vector.extract_strided_slice %min3A_251 {offsets = [0, 0], sizes = [20, 2048], strides = [1, 1]} : vector<21x2048xbf16> to vector<20x2048xbf16>
    %add3A_266 = arith.addf %slice3A_265, %select_n3A_259 : vector<20x2048xbf16>
    %concatenate3A_267 = tpu.concatenate %broadcast_in_dim3A_264, %add3A_266 in 0 : vector<1x2048xbf16>, vector<20x2048xbf16> -> vector<21x2048xbf16>
    %min3A_268 = arith.minimumf %add3A_262, %concatenate3A_267 : vector<21x2048xbf16>
    %broadcast_in_dim3A_269 = arith.constant 1.280000e+02 : bf16
    %broadcast_in_dim3A_270 = vector.broadcast %broadcast_in_dim3A_269 : bf16 to vector<1x2048xbf16>
    %slice3A_271 = vector.extract_strided_slice %min3A_268 {offsets = [0, 0], sizes = [20, 2048], strides = [1, 1]} : vector<21x2048xbf16> to vector<20x2048xbf16>
    %concatenate3A_272 = tpu.concatenate %broadcast_in_dim3A_270, %slice3A_271 in 0 : vector<1x2048xbf16>, vector<20x2048xbf16> -> vector<21x2048xbf16>
    %min3A_273 = arith.minimumf %min3A_268, %concatenate3A_272 : vector<21x2048xbf16>
    %broadcast_in_dim3A_274 = arith.constant 1.280000e+02 : bf16
    %broadcast_in_dim3A_275 = vector.broadcast %broadcast_in_dim3A_274 : bf16 to vector<2x2048xbf16>
    %slice3A_276 = vector.extract_strided_slice %min3A_273 {offsets = [0, 0], sizes = [19, 2048], strides = [1, 1]} : vector<21x2048xbf16> to vector<19x2048xbf16>
    %concatenate3A_277 = tpu.concatenate %broadcast_in_dim3A_275, %slice3A_276 in 0 : vector<2x2048xbf16>, vector<19x2048xbf16> -> vector<21x2048xbf16>
    %min3A_278 = arith.minimumf %min3A_273, %concatenate3A_277 : vector<21x2048xbf16>
    %broadcast_in_dim3A_279 = arith.constant 1.280000e+02 : bf16
    %broadcast_in_dim3A_280 = vector.broadcast %broadcast_in_dim3A_279 : bf16 to vector<4x2048xbf16>
    %slice3A_281 = vector.extract_strided_slice %min3A_278 {offsets = [0, 0], sizes = [17, 2048], strides = [1, 1]} : vector<21x2048xbf16> to vector<17x2048xbf16>
    %concatenate3A_282 = tpu.concatenate %broadcast_in_dim3A_280, %slice3A_281 in 0 : vector<4x2048xbf16>, vector<17x2048xbf16> -> vector<21x2048xbf16>
    %min3A_283 = arith.minimumf %min3A_278, %concatenate3A_282 : vector<21x2048xbf16>
    %broadcast_in_dim3A_284 = arith.constant 1.280000e+02 : bf16
    %broadcast_in_dim3A_285 = vector.broadcast %broadcast_in_dim3A_284 : bf16 to vector<8x2048xbf16>
    %slice3A_286 = vector.extract_strided_slice %min3A_283 {offsets = [0, 0], sizes = [13, 2048], strides = [1, 1]} : vector<21x2048xbf16> to vector<13x2048xbf16>
    %concatenate3A_287 = tpu.concatenate %broadcast_in_dim3A_285, %slice3A_286 in 0 : vector<8x2048xbf16>, vector<13x2048xbf16> -> vector<21x2048xbf16>
    %min3A_288 = arith.minimumf %min3A_283, %concatenate3A_287 : vector<21x2048xbf16>
    %broadcast_in_dim3A_289 = arith.constant 1.280000e+02 : bf16
    %broadcast_in_dim3A_290 = vector.broadcast %broadcast_in_dim3A_289 : bf16 to vector<16x2048xbf16>
    %slice3A_291 = vector.extract_strided_slice %min3A_288 {offsets = [0, 0], sizes = [5, 2048], strides = [1, 1]} : vector<21x2048xbf16> to vector<5x2048xbf16>
    %concatenate3A_292 = tpu.concatenate %broadcast_in_dim3A_290, %slice3A_291 in 0 : vector<16x2048xbf16>, vector<5x2048xbf16> -> vector<21x2048xbf16>
    %min3A_293 = arith.minimumf %min3A_288, %concatenate3A_292 : vector<21x2048xbf16>
    %slice3A_294 = vector.extract_strided_slice %convert_element_type3A {offsets = [7, 0], sizes = [1, 2048], strides = [1, 1]} : vector<20x2048xbf16> to vector<1x2048xbf16>
    %ne3A_295 = vector.broadcast %slice3A_294 : vector<1x2048xbf16> to vector<20x2048xbf16>
    %ne3A_296 = arith.cmpf one, %ne3A_295, %convert_element_type3A_5 : vector<20x2048xbf16>
    %jit3A_297 = arith.constant 0.000000e+00 : bf16
    %jit3A_298 = arith.constant -1.000000e+00 : bf16
    %broadcast_in_dim3A_299 = vector.broadcast %jit3A_297 : bf16 to vector<20x2048xbf16>
    %broadcast_in_dim3A_300 = vector.broadcast %jit3A_298 : bf16 to vector<20x2048xbf16>
    %select_n3A_301 = arith.select %ne3A_296, %broadcast_in_dim3A_299, %broadcast_in_dim3A_300 : vector<20x2048xi1>, vector<20x2048xbf16>
    %add3A_302 = arith.constant 1.000000e+00 : bf16
    %add3A_303 = vector.broadcast %add3A_302 : bf16 to vector<21x2048xbf16>
    %add3A_304 = arith.addf %min3A_293, %add3A_303 : vector<21x2048xbf16>
    %broadcast_in_dim3A_305 = arith.constant 8.000000e+00 : bf16
    %broadcast_in_dim3A_306 = vector.broadcast %broadcast_in_dim3A_305 : bf16 to vector<1x2048xbf16>
    %slice3A_307 = vector.extract_strided_slice %min3A_293 {offsets = [0, 0], sizes = [20, 2048], strides = [1, 1]} : vector<21x2048xbf16> to vector<20x2048xbf16>
    %add3A_308 = arith.addf %slice3A_307, %select_n3A_301 : vector<20x2048xbf16>
    %concatenate3A_309 = tpu.concatenate %broadcast_in_dim3A_306, %add3A_308 in 0 : vector<1x2048xbf16>, vector<20x2048xbf16> -> vector<21x2048xbf16>
    %min3A_310 = arith.minimumf %add3A_304, %concatenate3A_309 : vector<21x2048xbf16>
    %broadcast_in_dim3A_311 = arith.constant 1.280000e+02 : bf16
    %broadcast_in_dim3A_312 = vector.broadcast %broadcast_in_dim3A_311 : bf16 to vector<1x2048xbf16>
    %slice3A_313 = vector.extract_strided_slice %min3A_310 {offsets = [0, 0], sizes = [20, 2048], strides = [1, 1]} : vector<21x2048xbf16> to vector<20x2048xbf16>
    %concatenate3A_314 = tpu.concatenate %broadcast_in_dim3A_312, %slice3A_313 in 0 : vector<1x2048xbf16>, vector<20x2048xbf16> -> vector<21x2048xbf16>
    %min3A_315 = arith.minimumf %min3A_310, %concatenate3A_314 : vector<21x2048xbf16>
    %broadcast_in_dim3A_316 = arith.constant 1.280000e+02 : bf16
    %broadcast_in_dim3A_317 = vector.broadcast %broadcast_in_dim3A_316 : bf16 to vector<2x2048xbf16>
    %slice3A_318 = vector.extract_strided_slice %min3A_315 {offsets = [0, 0], sizes = [19, 2048], strides = [1, 1]} : vector<21x2048xbf16> to vector<19x2048xbf16>
    %concatenate3A_319 = tpu.concatenate %broadcast_in_dim3A_317, %slice3A_318 in 0 : vector<2x2048xbf16>, vector<19x2048xbf16> -> vector<21x2048xbf16>
    %min3A_320 = arith.minimumf %min3A_315, %concatenate3A_319 : vector<21x2048xbf16>
    %broadcast_in_dim3A_321 = arith.constant 1.280000e+02 : bf16
    %broadcast_in_dim3A_322 = vector.broadcast %broadcast_in_dim3A_321 : bf16 to vector<4x2048xbf16>
    %slice3A_323 = vector.extract_strided_slice %min3A_320 {offsets = [0, 0], sizes = [17, 2048], strides = [1, 1]} : vector<21x2048xbf16> to vector<17x2048xbf16>
    %concatenate3A_324 = tpu.concatenate %broadcast_in_dim3A_322, %slice3A_323 in 0 : vector<4x2048xbf16>, vector<17x2048xbf16> -> vector<21x2048xbf16>
    %min3A_325 = arith.minimumf %min3A_320, %concatenate3A_324 : vector<21x2048xbf16>
    %broadcast_in_dim3A_326 = arith.constant 1.280000e+02 : bf16
    %broadcast_in_dim3A_327 = vector.broadcast %broadcast_in_dim3A_326 : bf16 to vector<8x2048xbf16>
    %slice3A_328 = vector.extract_strided_slice %min3A_325 {offsets = [0, 0], sizes = [13, 2048], strides = [1, 1]} : vector<21x2048xbf16> to vector<13x2048xbf16>
    %concatenate3A_329 = tpu.concatenate %broadcast_in_dim3A_327, %slice3A_328 in 0 : vector<8x2048xbf16>, vector<13x2048xbf16> -> vector<21x2048xbf16>
    %min3A_330 = arith.minimumf %min3A_325, %concatenate3A_329 : vector<21x2048xbf16>
    %broadcast_in_dim3A_331 = arith.constant 1.280000e+02 : bf16
    %broadcast_in_dim3A_332 = vector.broadcast %broadcast_in_dim3A_331 : bf16 to vector<16x2048xbf16>
    %slice3A_333 = vector.extract_strided_slice %min3A_330 {offsets = [0, 0], sizes = [5, 2048], strides = [1, 1]} : vector<21x2048xbf16> to vector<5x2048xbf16>
    %concatenate3A_334 = tpu.concatenate %broadcast_in_dim3A_332, %slice3A_333 in 0 : vector<16x2048xbf16>, vector<5x2048xbf16> -> vector<21x2048xbf16>
    %min3A_335 = arith.minimumf %min3A_330, %concatenate3A_334 : vector<21x2048xbf16>
    %slice3A_336 = vector.extract_strided_slice %convert_element_type3A {offsets = [8, 0], sizes = [1, 2048], strides = [1, 1]} : vector<20x2048xbf16> to vector<1x2048xbf16>
    %ne3A_337 = vector.broadcast %slice3A_336 : vector<1x2048xbf16> to vector<20x2048xbf16>
    %ne3A_338 = arith.cmpf one, %ne3A_337, %convert_element_type3A_5 : vector<20x2048xbf16>
    %jit3A_339 = arith.constant 0.000000e+00 : bf16
    %jit3A_340 = arith.constant -1.000000e+00 : bf16
    %broadcast_in_dim3A_341 = vector.broadcast %jit3A_339 : bf16 to vector<20x2048xbf16>
    %broadcast_in_dim3A_342 = vector.broadcast %jit3A_340 : bf16 to vector<20x2048xbf16>
    %select_n3A_343 = arith.select %ne3A_338, %broadcast_in_dim3A_341, %broadcast_in_dim3A_342 : vector<20x2048xi1>, vector<20x2048xbf16>
    %add3A_344 = arith.constant 1.000000e+00 : bf16
    %add3A_345 = vector.broadcast %add3A_344 : bf16 to vector<21x2048xbf16>
    %add3A_346 = arith.addf %min3A_335, %add3A_345 : vector<21x2048xbf16>
    %broadcast_in_dim3A_347 = arith.constant 9.000000e+00 : bf16
    %broadcast_in_dim3A_348 = vector.broadcast %broadcast_in_dim3A_347 : bf16 to vector<1x2048xbf16>
    %slice3A_349 = vector.extract_strided_slice %min3A_335 {offsets = [0, 0], sizes = [20, 2048], strides = [1, 1]} : vector<21x2048xbf16> to vector<20x2048xbf16>
    %add3A_350 = arith.addf %slice3A_349, %select_n3A_343 : vector<20x2048xbf16>
    %concatenate3A_351 = tpu.concatenate %broadcast_in_dim3A_348, %add3A_350 in 0 : vector<1x2048xbf16>, vector<20x2048xbf16> -> vector<21x2048xbf16>
    %min3A_352 = arith.minimumf %add3A_346, %concatenate3A_351 : vector<21x2048xbf16>
    %broadcast_in_dim3A_353 = arith.constant 1.280000e+02 : bf16
    %broadcast_in_dim3A_354 = vector.broadcast %broadcast_in_dim3A_353 : bf16 to vector<1x2048xbf16>
    %slice3A_355 = vector.extract_strided_slice %min3A_352 {offsets = [0, 0], sizes = [20, 2048], strides = [1, 1]} : vector<21x2048xbf16> to vector<20x2048xbf16>
    %concatenate3A_356 = tpu.concatenate %broadcast_in_dim3A_354, %slice3A_355 in 0 : vector<1x2048xbf16>, vector<20x2048xbf16> -> vector<21x2048xbf16>
    %min3A_357 = arith.minimumf %min3A_352, %concatenate3A_356 : vector<21x2048xbf16>
    %broadcast_in_dim3A_358 = arith.constant 1.280000e+02 : bf16
    %broadcast_in_dim3A_359 = vector.broadcast %broadcast_in_dim3A_358 : bf16 to vector<2x2048xbf16>
    %slice3A_360 = vector.extract_strided_slice %min3A_357 {offsets = [0, 0], sizes = [19, 2048], strides = [1, 1]} : vector<21x2048xbf16> to vector<19x2048xbf16>
    %concatenate3A_361 = tpu.concatenate %broadcast_in_dim3A_359, %slice3A_360 in 0 : vector<2x2048xbf16>, vector<19x2048xbf16> -> vector<21x2048xbf16>
    %min3A_362 = arith.minimumf %min3A_357, %concatenate3A_361 : vector<21x2048xbf16>
    %broadcast_in_dim3A_363 = arith.constant 1.280000e+02 : bf16
    %broadcast_in_dim3A_364 = vector.broadcast %broadcast_in_dim3A_363 : bf16 to vector<4x2048xbf16>
    %slice3A_365 = vector.extract_strided_slice %min3A_362 {offsets = [0, 0], sizes = [17, 2048], strides = [1, 1]} : vector<21x2048xbf16> to vector<17x2048xbf16>
    %concatenate3A_366 = tpu.concatenate %broadcast_in_dim3A_364, %slice3A_365 in 0 : vector<4x2048xbf16>, vector<17x2048xbf16> -> vector<21x2048xbf16>
    %min3A_367 = arith.minimumf %min3A_362, %concatenate3A_366 : vector<21x2048xbf16>
    %broadcast_in_dim3A_368 = arith.constant 1.280000e+02 : bf16
    %broadcast_in_dim3A_369 = vector.broadcast %broadcast_in_dim3A_368 : bf16 to vector<8x2048xbf16>
    %slice3A_370 = vector.extract_strided_slice %min3A_367 {offsets = [0, 0], sizes = [13, 2048], strides = [1, 1]} : vector<21x2048xbf16> to vector<13x2048xbf16>
    %concatenate3A_371 = tpu.concatenate %broadcast_in_dim3A_369, %slice3A_370 in 0 : vector<8x2048xbf16>, vector<13x2048xbf16> -> vector<21x2048xbf16>
    %min3A_372 = arith.minimumf %min3A_367, %concatenate3A_371 : vector<21x2048xbf16>
    %broadcast_in_dim3A_373 = arith.constant 1.280000e+02 : bf16
    %broadcast_in_dim3A_374 = vector.broadcast %broadcast_in_dim3A_373 : bf16 to vector<16x2048xbf16>
    %slice3A_375 = vector.extract_strided_slice %min3A_372 {offsets = [0, 0], sizes = [5, 2048], strides = [1, 1]} : vector<21x2048xbf16> to vector<5x2048xbf16>
    %concatenate3A_376 = tpu.concatenate %broadcast_in_dim3A_374, %slice3A_375 in 0 : vector<16x2048xbf16>, vector<5x2048xbf16> -> vector<21x2048xbf16>
    %min3A_377 = arith.minimumf %min3A_372, %concatenate3A_376 : vector<21x2048xbf16>
    %slice3A_378 = vector.extract_strided_slice %convert_element_type3A {offsets = [9, 0], sizes = [1, 2048], strides = [1, 1]} : vector<20x2048xbf16> to vector<1x2048xbf16>
    %ne3A_379 = vector.broadcast %slice3A_378 : vector<1x2048xbf16> to vector<20x2048xbf16>
    %ne3A_380 = arith.cmpf one, %ne3A_379, %convert_element_type3A_5 : vector<20x2048xbf16>
    %jit3A_381 = arith.constant 0.000000e+00 : bf16
    %jit3A_382 = arith.constant -1.000000e+00 : bf16
    %broadcast_in_dim3A_383 = vector.broadcast %jit3A_381 : bf16 to vector<20x2048xbf16>
    %broadcast_in_dim3A_384 = vector.broadcast %jit3A_382 : bf16 to vector<20x2048xbf16>
    %select_n3A_385 = arith.select %ne3A_380, %broadcast_in_dim3A_383, %broadcast_in_dim3A_384 : vector<20x2048xi1>, vector<20x2048xbf16>
    %add3A_386 = arith.constant 1.000000e+00 : bf16
    %add3A_387 = vector.broadcast %add3A_386 : bf16 to vector<21x2048xbf16>
    %add3A_388 = arith.addf %min3A_377, %add3A_387 : vector<21x2048xbf16>
    %broadcast_in_dim3A_389 = arith.constant 1.000000e+01 : bf16
    %broadcast_in_dim3A_390 = vector.broadcast %broadcast_in_dim3A_389 : bf16 to vector<1x2048xbf16>
    %slice3A_391 = vector.extract_strided_slice %min3A_377 {offsets = [0, 0], sizes = [20, 2048], strides = [1, 1]} : vector<21x2048xbf16> to vector<20x2048xbf16>
    %add3A_392 = arith.addf %slice3A_391, %select_n3A_385 : vector<20x2048xbf16>
    %concatenate3A_393 = tpu.concatenate %broadcast_in_dim3A_390, %add3A_392 in 0 : vector<1x2048xbf16>, vector<20x2048xbf16> -> vector<21x2048xbf16>
    %min3A_394 = arith.minimumf %add3A_388, %concatenate3A_393 : vector<21x2048xbf16>
    %broadcast_in_dim3A_395 = arith.constant 1.280000e+02 : bf16
    %broadcast_in_dim3A_396 = vector.broadcast %broadcast_in_dim3A_395 : bf16 to vector<1x2048xbf16>
    %slice3A_397 = vector.extract_strided_slice %min3A_394 {offsets = [0, 0], sizes = [20, 2048], strides = [1, 1]} : vector<21x2048xbf16> to vector<20x2048xbf16>
    %concatenate3A_398 = tpu.concatenate %broadcast_in_dim3A_396, %slice3A_397 in 0 : vector<1x2048xbf16>, vector<20x2048xbf16> -> vector<21x2048xbf16>
    %min3A_399 = arith.minimumf %min3A_394, %concatenate3A_398 : vector<21x2048xbf16>
    %broadcast_in_dim3A_400 = arith.constant 1.280000e+02 : bf16
    %broadcast_in_dim3A_401 = vector.broadcast %broadcast_in_dim3A_400 : bf16 to vector<2x2048xbf16>
    %slice3A_402 = vector.extract_strided_slice %min3A_399 {offsets = [0, 0], sizes = [19, 2048], strides = [1, 1]} : vector<21x2048xbf16> to vector<19x2048xbf16>
    %concatenate3A_403 = tpu.concatenate %broadcast_in_dim3A_401, %slice3A_402 in 0 : vector<2x2048xbf16>, vector<19x2048xbf16> -> vector<21x2048xbf16>
    %min3A_404 = arith.minimumf %min3A_399, %concatenate3A_403 : vector<21x2048xbf16>
    %broadcast_in_dim3A_405 = arith.constant 1.280000e+02 : bf16
    %broadcast_in_dim3A_406 = vector.broadcast %broadcast_in_dim3A_405 : bf16 to vector<4x2048xbf16>
    %slice3A_407 = vector.extract_strided_slice %min3A_404 {offsets = [0, 0], sizes = [17, 2048], strides = [1, 1]} : vector<21x2048xbf16> to vector<17x2048xbf16>
    %concatenate3A_408 = tpu.concatenate %broadcast_in_dim3A_406, %slice3A_407 in 0 : vector<4x2048xbf16>, vector<17x2048xbf16> -> vector<21x2048xbf16>
    %min3A_409 = arith.minimumf %min3A_404, %concatenate3A_408 : vector<21x2048xbf16>
    %broadcast_in_dim3A_410 = arith.constant 1.280000e+02 : bf16
    %broadcast_in_dim3A_411 = vector.broadcast %broadcast_in_dim3A_410 : bf16 to vector<8x2048xbf16>
    %slice3A_412 = vector.extract_strided_slice %min3A_409 {offsets = [0, 0], sizes = [13, 2048], strides = [1, 1]} : vector<21x2048xbf16> to vector<13x2048xbf16>
    %concatenate3A_413 = tpu.concatenate %broadcast_in_dim3A_411, %slice3A_412 in 0 : vector<8x2048xbf16>, vector<13x2048xbf16> -> vector<21x2048xbf16>
    %min3A_414 = arith.minimumf %min3A_409, %concatenate3A_413 : vector<21x2048xbf16>
    %broadcast_in_dim3A_415 = arith.constant 1.280000e+02 : bf16
    %broadcast_in_dim3A_416 = vector.broadcast %broadcast_in_dim3A_415 : bf16 to vector<16x2048xbf16>
    %slice3A_417 = vector.extract_strided_slice %min3A_414 {offsets = [0, 0], sizes = [5, 2048], strides = [1, 1]} : vector<21x2048xbf16> to vector<5x2048xbf16>
    %concatenate3A_418 = tpu.concatenate %broadcast_in_dim3A_416, %slice3A_417 in 0 : vector<16x2048xbf16>, vector<5x2048xbf16> -> vector<21x2048xbf16>
    %min3A_419 = arith.minimumf %min3A_414, %concatenate3A_418 : vector<21x2048xbf16>
    %slice3A_420 = vector.extract_strided_slice %convert_element_type3A {offsets = [10, 0], sizes = [1, 2048], strides = [1, 1]} : vector<20x2048xbf16> to vector<1x2048xbf16>
    %ne3A_421 = vector.broadcast %slice3A_420 : vector<1x2048xbf16> to vector<20x2048xbf16>
    %ne3A_422 = arith.cmpf one, %ne3A_421, %convert_element_type3A_5 : vector<20x2048xbf16>
    %jit3A_423 = arith.constant 0.000000e+00 : bf16
    %jit3A_424 = arith.constant -1.000000e+00 : bf16
    %broadcast_in_dim3A_425 = vector.broadcast %jit3A_423 : bf16 to vector<20x2048xbf16>
    %broadcast_in_dim3A_426 = vector.broadcast %jit3A_424 : bf16 to vector<20x2048xbf16>
    %select_n3A_427 = arith.select %ne3A_422, %broadcast_in_dim3A_425, %broadcast_in_dim3A_426 : vector<20x2048xi1>, vector<20x2048xbf16>
    %add3A_428 = arith.constant 1.000000e+00 : bf16
    %add3A_429 = vector.broadcast %add3A_428 : bf16 to vector<21x2048xbf16>
    %add3A_430 = arith.addf %min3A_419, %add3A_429 : vector<21x2048xbf16>
    %broadcast_in_dim3A_431 = arith.constant 1.100000e+01 : bf16
    %broadcast_in_dim3A_432 = vector.broadcast %broadcast_in_dim3A_431 : bf16 to vector<1x2048xbf16>
    %slice3A_433 = vector.extract_strided_slice %min3A_419 {offsets = [0, 0], sizes = [20, 2048], strides = [1, 1]} : vector<21x2048xbf16> to vector<20x2048xbf16>
    %add3A_434 = arith.addf %slice3A_433, %select_n3A_427 : vector<20x2048xbf16>
    %concatenate3A_435 = tpu.concatenate %broadcast_in_dim3A_432, %add3A_434 in 0 : vector<1x2048xbf16>, vector<20x2048xbf16> -> vector<21x2048xbf16>
    %min3A_436 = arith.minimumf %add3A_430, %concatenate3A_435 : vector<21x2048xbf16>
    %broadcast_in_dim3A_437 = arith.constant 1.280000e+02 : bf16
    %broadcast_in_dim3A_438 = vector.broadcast %broadcast_in_dim3A_437 : bf16 to vector<1x2048xbf16>
    %slice3A_439 = vector.extract_strided_slice %min3A_436 {offsets = [0, 0], sizes = [20, 2048], strides = [1, 1]} : vector<21x2048xbf16> to vector<20x2048xbf16>
    %concatenate3A_440 = tpu.concatenate %broadcast_in_dim3A_438, %slice3A_439 in 0 : vector<1x2048xbf16>, vector<20x2048xbf16> -> vector<21x2048xbf16>
    %min3A_441 = arith.minimumf %min3A_436, %concatenate3A_440 : vector<21x2048xbf16>
    %broadcast_in_dim3A_442 = arith.constant 1.280000e+02 : bf16
    %broadcast_in_dim3A_443 = vector.broadcast %broadcast_in_dim3A_442 : bf16 to vector<2x2048xbf16>
    %slice3A_444 = vector.extract_strided_slice %min3A_441 {offsets = [0, 0], sizes = [19, 2048], strides = [1, 1]} : vector<21x2048xbf16> to vector<19x2048xbf16>
    %concatenate3A_445 = tpu.concatenate %broadcast_in_dim3A_443, %slice3A_444 in 0 : vector<2x2048xbf16>, vector<19x2048xbf16> -> vector<21x2048xbf16>
    %min3A_446 = arith.minimumf %min3A_441, %concatenate3A_445 : vector<21x2048xbf16>
    %broadcast_in_dim3A_447 = arith.constant 1.280000e+02 : bf16
    %broadcast_in_dim3A_448 = vector.broadcast %broadcast_in_dim3A_447 : bf16 to vector<4x2048xbf16>
    %slice3A_449 = vector.extract_strided_slice %min3A_446 {offsets = [0, 0], sizes = [17, 2048], strides = [1, 1]} : vector<21x2048xbf16> to vector<17x2048xbf16>
    %concatenate3A_450 = tpu.concatenate %broadcast_in_dim3A_448, %slice3A_449 in 0 : vector<4x2048xbf16>, vector<17x2048xbf16> -> vector<21x2048xbf16>
    %min3A_451 = arith.minimumf %min3A_446, %concatenate3A_450 : vector<21x2048xbf16>
    %broadcast_in_dim3A_452 = arith.constant 1.280000e+02 : bf16
    %broadcast_in_dim3A_453 = vector.broadcast %broadcast_in_dim3A_452 : bf16 to vector<8x2048xbf16>
    %slice3A_454 = vector.extract_strided_slice %min3A_451 {offsets = [0, 0], sizes = [13, 2048], strides = [1, 1]} : vector<21x2048xbf16> to vector<13x2048xbf16>
    %concatenate3A_455 = tpu.concatenate %broadcast_in_dim3A_453, %slice3A_454 in 0 : vector<8x2048xbf16>, vector<13x2048xbf16> -> vector<21x2048xbf16>
    %min3A_456 = arith.minimumf %min3A_451, %concatenate3A_455 : vector<21x2048xbf16>
    %broadcast_in_dim3A_457 = arith.constant 1.280000e+02 : bf16
    %broadcast_in_dim3A_458 = vector.broadcast %broadcast_in_dim3A_457 : bf16 to vector<16x2048xbf16>
    %slice3A_459 = vector.extract_strided_slice %min3A_456 {offsets = [0, 0], sizes = [5, 2048], strides = [1, 1]} : vector<21x2048xbf16> to vector<5x2048xbf16>
    %concatenate3A_460 = tpu.concatenate %broadcast_in_dim3A_458, %slice3A_459 in 0 : vector<16x2048xbf16>, vector<5x2048xbf16> -> vector<21x2048xbf16>
    %min3A_461 = arith.minimumf %min3A_456, %concatenate3A_460 : vector<21x2048xbf16>
    %slice3A_462 = vector.extract_strided_slice %convert_element_type3A {offsets = [11, 0], sizes = [1, 2048], strides = [1, 1]} : vector<20x2048xbf16> to vector<1x2048xbf16>
    %ne3A_463 = vector.broadcast %slice3A_462 : vector<1x2048xbf16> to vector<20x2048xbf16>
    %ne3A_464 = arith.cmpf one, %ne3A_463, %convert_element_type3A_5 : vector<20x2048xbf16>
    %jit3A_465 = arith.constant 0.000000e+00 : bf16
    %jit3A_466 = arith.constant -1.000000e+00 : bf16
    %broadcast_in_dim3A_467 = vector.broadcast %jit3A_465 : bf16 to vector<20x2048xbf16>
    %broadcast_in_dim3A_468 = vector.broadcast %jit3A_466 : bf16 to vector<20x2048xbf16>
    %select_n3A_469 = arith.select %ne3A_464, %broadcast_in_dim3A_467, %broadcast_in_dim3A_468 : vector<20x2048xi1>, vector<20x2048xbf16>
    %add3A_470 = arith.constant 1.000000e+00 : bf16
    %add3A_471 = vector.broadcast %add3A_470 : bf16 to vector<21x2048xbf16>
    %add3A_472 = arith.addf %min3A_461, %add3A_471 : vector<21x2048xbf16>
    %broadcast_in_dim3A_473 = arith.constant 1.200000e+01 : bf16
    %broadcast_in_dim3A_474 = vector.broadcast %broadcast_in_dim3A_473 : bf16 to vector<1x2048xbf16>
    %slice3A_475 = vector.extract_strided_slice %min3A_461 {offsets = [0, 0], sizes = [20, 2048], strides = [1, 1]} : vector<21x2048xbf16> to vector<20x2048xbf16>
    %add3A_476 = arith.addf %slice3A_475, %select_n3A_469 : vector<20x2048xbf16>
    %concatenate3A_477 = tpu.concatenate %broadcast_in_dim3A_474, %add3A_476 in 0 : vector<1x2048xbf16>, vector<20x2048xbf16> -> vector<21x2048xbf16>
    %min3A_478 = arith.minimumf %add3A_472, %concatenate3A_477 : vector<21x2048xbf16>
    %broadcast_in_dim3A_479 = arith.constant 1.280000e+02 : bf16
    %broadcast_in_dim3A_480 = vector.broadcast %broadcast_in_dim3A_479 : bf16 to vector<1x2048xbf16>
    %slice3A_481 = vector.extract_strided_slice %min3A_478 {offsets = [0, 0], sizes = [20, 2048], strides = [1, 1]} : vector<21x2048xbf16> to vector<20x2048xbf16>
    %concatenate3A_482 = tpu.concatenate %broadcast_in_dim3A_480, %slice3A_481 in 0 : vector<1x2048xbf16>, vector<20x2048xbf16> -> vector<21x2048xbf16>
    %min3A_483 = arith.minimumf %min3A_478, %concatenate3A_482 : vector<21x2048xbf16>
    %broadcast_in_dim3A_484 = arith.constant 1.280000e+02 : bf16
    %broadcast_in_dim3A_485 = vector.broadcast %broadcast_in_dim3A_484 : bf16 to vector<2x2048xbf16>
    %slice3A_486 = vector.extract_strided_slice %min3A_483 {offsets = [0, 0], sizes = [19, 2048], strides = [1, 1]} : vector<21x2048xbf16> to vector<19x2048xbf16>
    %concatenate3A_487 = tpu.concatenate %broadcast_in_dim3A_485, %slice3A_486 in 0 : vector<2x2048xbf16>, vector<19x2048xbf16> -> vector<21x2048xbf16>
    %min3A_488 = arith.minimumf %min3A_483, %concatenate3A_487 : vector<21x2048xbf16>
    %broadcast_in_dim3A_489 = arith.constant 1.280000e+02 : bf16
    %broadcast_in_dim3A_490 = vector.broadcast %broadcast_in_dim3A_489 : bf16 to vector<4x2048xbf16>
    %slice3A_491 = vector.extract_strided_slice %min3A_488 {offsets = [0, 0], sizes = [17, 2048], strides = [1, 1]} : vector<21x2048xbf16> to vector<17x2048xbf16>
    %concatenate3A_492 = tpu.concatenate %broadcast_in_dim3A_490, %slice3A_491 in 0 : vector<4x2048xbf16>, vector<17x2048xbf16> -> vector<21x2048xbf16>
    %min3A_493 = arith.minimumf %min3A_488, %concatenate3A_492 : vector<21x2048xbf16>
    %broadcast_in_dim3A_494 = arith.constant 1.280000e+02 : bf16
    %broadcast_in_dim3A_495 = vector.broadcast %broadcast_in_dim3A_494 : bf16 to vector<8x2048xbf16>
    %slice3A_496 = vector.extract_strided_slice %min3A_493 {offsets = [0, 0], sizes = [13, 2048], strides = [1, 1]} : vector<21x2048xbf16> to vector<13x2048xbf16>
    %concatenate3A_497 = tpu.concatenate %broadcast_in_dim3A_495, %slice3A_496 in 0 : vector<8x2048xbf16>, vector<13x2048xbf16> -> vector<21x2048xbf16>
    %min3A_498 = arith.minimumf %min3A_493, %concatenate3A_497 : vector<21x2048xbf16>
    %broadcast_in_dim3A_499 = arith.constant 1.280000e+02 : bf16
    %broadcast_in_dim3A_500 = vector.broadcast %broadcast_in_dim3A_499 : bf16 to vector<16x2048xbf16>
    %slice3A_501 = vector.extract_strided_slice %min3A_498 {offsets = [0, 0], sizes = [5, 2048], strides = [1, 1]} : vector<21x2048xbf16> to vector<5x2048xbf16>
    %concatenate3A_502 = tpu.concatenate %broadcast_in_dim3A_500, %slice3A_501 in 0 : vector<16x2048xbf16>, vector<5x2048xbf16> -> vector<21x2048xbf16>
    %min3A_503 = arith.minimumf %min3A_498, %concatenate3A_502 : vector<21x2048xbf16>
    %slice3A_504 = vector.extract_strided_slice %convert_element_type3A {offsets = [12, 0], sizes = [1, 2048], strides = [1, 1]} : vector<20x2048xbf16> to vector<1x2048xbf16>
    %ne3A_505 = vector.broadcast %slice3A_504 : vector<1x2048xbf16> to vector<20x2048xbf16>
    %ne3A_506 = arith.cmpf one, %ne3A_505, %convert_element_type3A_5 : vector<20x2048xbf16>
    %jit3A_507 = arith.constant 0.000000e+00 : bf16
    %jit3A_508 = arith.constant -1.000000e+00 : bf16
    %broadcast_in_dim3A_509 = vector.broadcast %jit3A_507 : bf16 to vector<20x2048xbf16>
    %broadcast_in_dim3A_510 = vector.broadcast %jit3A_508 : bf16 to vector<20x2048xbf16>
    %select_n3A_511 = arith.select %ne3A_506, %broadcast_in_dim3A_509, %broadcast_in_dim3A_510 : vector<20x2048xi1>, vector<20x2048xbf16>
    %add3A_512 = arith.constant 1.000000e+00 : bf16
    %add3A_513 = vector.broadcast %add3A_512 : bf16 to vector<21x2048xbf16>
    %add3A_514 = arith.addf %min3A_503, %add3A_513 : vector<21x2048xbf16>
    %broadcast_in_dim3A_515 = arith.constant 1.300000e+01 : bf16
    %broadcast_in_dim3A_516 = vector.broadcast %broadcast_in_dim3A_515 : bf16 to vector<1x2048xbf16>
    %slice3A_517 = vector.extract_strided_slice %min3A_503 {offsets = [0, 0], sizes = [20, 2048], strides = [1, 1]} : vector<21x2048xbf16> to vector<20x2048xbf16>
    %add3A_518 = arith.addf %slice3A_517, %select_n3A_511 : vector<20x2048xbf16>
    %concatenate3A_519 = tpu.concatenate %broadcast_in_dim3A_516, %add3A_518 in 0 : vector<1x2048xbf16>, vector<20x2048xbf16> -> vector<21x2048xbf16>
    %min3A_520 = arith.minimumf %add3A_514, %concatenate3A_519 : vector<21x2048xbf16>
    %broadcast_in_dim3A_521 = arith.constant 1.280000e+02 : bf16
    %broadcast_in_dim3A_522 = vector.broadcast %broadcast_in_dim3A_521 : bf16 to vector<1x2048xbf16>
    %slice3A_523 = vector.extract_strided_slice %min3A_520 {offsets = [0, 0], sizes = [20, 2048], strides = [1, 1]} : vector<21x2048xbf16> to vector<20x2048xbf16>
    %concatenate3A_524 = tpu.concatenate %broadcast_in_dim3A_522, %slice3A_523 in 0 : vector<1x2048xbf16>, vector<20x2048xbf16> -> vector<21x2048xbf16>
    %min3A_525 = arith.minimumf %min3A_520, %concatenate3A_524 : vector<21x2048xbf16>
    %broadcast_in_dim3A_526 = arith.constant 1.280000e+02 : bf16
    %broadcast_in_dim3A_527 = vector.broadcast %broadcast_in_dim3A_526 : bf16 to vector<2x2048xbf16>
    %slice3A_528 = vector.extract_strided_slice %min3A_525 {offsets = [0, 0], sizes = [19, 2048], strides = [1, 1]} : vector<21x2048xbf16> to vector<19x2048xbf16>
    %concatenate3A_529 = tpu.concatenate %broadcast_in_dim3A_527, %slice3A_528 in 0 : vector<2x2048xbf16>, vector<19x2048xbf16> -> vector<21x2048xbf16>
    %min3A_530 = arith.minimumf %min3A_525, %concatenate3A_529 : vector<21x2048xbf16>
    %broadcast_in_dim3A_531 = arith.constant 1.280000e+02 : bf16
    %broadcast_in_dim3A_532 = vector.broadcast %broadcast_in_dim3A_531 : bf16 to vector<4x2048xbf16>
    %slice3A_533 = vector.extract_strided_slice %min3A_530 {offsets = [0, 0], sizes = [17, 2048], strides = [1, 1]} : vector<21x2048xbf16> to vector<17x2048xbf16>
    %concatenate3A_534 = tpu.concatenate %broadcast_in_dim3A_532, %slice3A_533 in 0 : vector<4x2048xbf16>, vector<17x2048xbf16> -> vector<21x2048xbf16>
    %min3A_535 = arith.minimumf %min3A_530, %concatenate3A_534 : vector<21x2048xbf16>
    %broadcast_in_dim3A_536 = arith.constant 1.280000e+02 : bf16
    %broadcast_in_dim3A_537 = vector.broadcast %broadcast_in_dim3A_536 : bf16 to vector<8x2048xbf16>
    %slice3A_538 = vector.extract_strided_slice %min3A_535 {offsets = [0, 0], sizes = [13, 2048], strides = [1, 1]} : vector<21x2048xbf16> to vector<13x2048xbf16>
    %concatenate3A_539 = tpu.concatenate %broadcast_in_dim3A_537, %slice3A_538 in 0 : vector<8x2048xbf16>, vector<13x2048xbf16> -> vector<21x2048xbf16>
    %min3A_540 = arith.minimumf %min3A_535, %concatenate3A_539 : vector<21x2048xbf16>
    %broadcast_in_dim3A_541 = arith.constant 1.280000e+02 : bf16
    %broadcast_in_dim3A_542 = vector.broadcast %broadcast_in_dim3A_541 : bf16 to vector<16x2048xbf16>
    %slice3A_543 = vector.extract_strided_slice %min3A_540 {offsets = [0, 0], sizes = [5, 2048], strides = [1, 1]} : vector<21x2048xbf16> to vector<5x2048xbf16>
    %concatenate3A_544 = tpu.concatenate %broadcast_in_dim3A_542, %slice3A_543 in 0 : vector<16x2048xbf16>, vector<5x2048xbf16> -> vector<21x2048xbf16>
    %min3A_545 = arith.minimumf %min3A_540, %concatenate3A_544 : vector<21x2048xbf16>
    %slice3A_546 = vector.extract_strided_slice %convert_element_type3A {offsets = [13, 0], sizes = [1, 2048], strides = [1, 1]} : vector<20x2048xbf16> to vector<1x2048xbf16>
    %ne3A_547 = vector.broadcast %slice3A_546 : vector<1x2048xbf16> to vector<20x2048xbf16>
    %ne3A_548 = arith.cmpf one, %ne3A_547, %convert_element_type3A_5 : vector<20x2048xbf16>
    %jit3A_549 = arith.constant 0.000000e+00 : bf16
    %jit3A_550 = arith.constant -1.000000e+00 : bf16
    %broadcast_in_dim3A_551 = vector.broadcast %jit3A_549 : bf16 to vector<20x2048xbf16>
    %broadcast_in_dim3A_552 = vector.broadcast %jit3A_550 : bf16 to vector<20x2048xbf16>
    %select_n3A_553 = arith.select %ne3A_548, %broadcast_in_dim3A_551, %broadcast_in_dim3A_552 : vector<20x2048xi1>, vector<20x2048xbf16>
    %add3A_554 = arith.constant 1.000000e+00 : bf16
    %add3A_555 = vector.broadcast %add3A_554 : bf16 to vector<21x2048xbf16>
    %add3A_556 = arith.addf %min3A_545, %add3A_555 : vector<21x2048xbf16>
    %broadcast_in_dim3A_557 = arith.constant 1.400000e+01 : bf16
    %broadcast_in_dim3A_558 = vector.broadcast %broadcast_in_dim3A_557 : bf16 to vector<1x2048xbf16>
    %slice3A_559 = vector.extract_strided_slice %min3A_545 {offsets = [0, 0], sizes = [20, 2048], strides = [1, 1]} : vector<21x2048xbf16> to vector<20x2048xbf16>
    %add3A_560 = arith.addf %slice3A_559, %select_n3A_553 : vector<20x2048xbf16>
    %concatenate3A_561 = tpu.concatenate %broadcast_in_dim3A_558, %add3A_560 in 0 : vector<1x2048xbf16>, vector<20x2048xbf16> -> vector<21x2048xbf16>
    %min3A_562 = arith.minimumf %add3A_556, %concatenate3A_561 : vector<21x2048xbf16>
    %broadcast_in_dim3A_563 = arith.constant 1.280000e+02 : bf16
    %broadcast_in_dim3A_564 = vector.broadcast %broadcast_in_dim3A_563 : bf16 to vector<1x2048xbf16>
    %slice3A_565 = vector.extract_strided_slice %min3A_562 {offsets = [0, 0], sizes = [20, 2048], strides = [1, 1]} : vector<21x2048xbf16> to vector<20x2048xbf16>
    %concatenate3A_566 = tpu.concatenate %broadcast_in_dim3A_564, %slice3A_565 in 0 : vector<1x2048xbf16>, vector<20x2048xbf16> -> vector<21x2048xbf16>
    %min3A_567 = arith.minimumf %min3A_562, %concatenate3A_566 : vector<21x2048xbf16>
    %broadcast_in_dim3A_568 = arith.constant 1.280000e+02 : bf16
    %broadcast_in_dim3A_569 = vector.broadcast %broadcast_in_dim3A_568 : bf16 to vector<2x2048xbf16>
    %slice3A_570 = vector.extract_strided_slice %min3A_567 {offsets = [0, 0], sizes = [19, 2048], strides = [1, 1]} : vector<21x2048xbf16> to vector<19x2048xbf16>
    %concatenate3A_571 = tpu.concatenate %broadcast_in_dim3A_569, %slice3A_570 in 0 : vector<2x2048xbf16>, vector<19x2048xbf16> -> vector<21x2048xbf16>
    %min3A_572 = arith.minimumf %min3A_567, %concatenate3A_571 : vector<21x2048xbf16>
    %broadcast_in_dim3A_573 = arith.constant 1.280000e+02 : bf16
    %broadcast_in_dim3A_574 = vector.broadcast %broadcast_in_dim3A_573 : bf16 to vector<4x2048xbf16>
    %slice3A_575 = vector.extract_strided_slice %min3A_572 {offsets = [0, 0], sizes = [17, 2048], strides = [1, 1]} : vector<21x2048xbf16> to vector<17x2048xbf16>
    %concatenate3A_576 = tpu.concatenate %broadcast_in_dim3A_574, %slice3A_575 in 0 : vector<4x2048xbf16>, vector<17x2048xbf16> -> vector<21x2048xbf16>
    %min3A_577 = arith.minimumf %min3A_572, %concatenate3A_576 : vector<21x2048xbf16>
    %broadcast_in_dim3A_578 = arith.constant 1.280000e+02 : bf16
    %broadcast_in_dim3A_579 = vector.broadcast %broadcast_in_dim3A_578 : bf16 to vector<8x2048xbf16>
    %slice3A_580 = vector.extract_strided_slice %min3A_577 {offsets = [0, 0], sizes = [13, 2048], strides = [1, 1]} : vector<21x2048xbf16> to vector<13x2048xbf16>
    %concatenate3A_581 = tpu.concatenate %broadcast_in_dim3A_579, %slice3A_580 in 0 : vector<8x2048xbf16>, vector<13x2048xbf16> -> vector<21x2048xbf16>
    %min3A_582 = arith.minimumf %min3A_577, %concatenate3A_581 : vector<21x2048xbf16>
    %broadcast_in_dim3A_583 = arith.constant 1.280000e+02 : bf16
    %broadcast_in_dim3A_584 = vector.broadcast %broadcast_in_dim3A_583 : bf16 to vector<16x2048xbf16>
    %slice3A_585 = vector.extract_strided_slice %min3A_582 {offsets = [0, 0], sizes = [5, 2048], strides = [1, 1]} : vector<21x2048xbf16> to vector<5x2048xbf16>
    %concatenate3A_586 = tpu.concatenate %broadcast_in_dim3A_584, %slice3A_585 in 0 : vector<16x2048xbf16>, vector<5x2048xbf16> -> vector<21x2048xbf16>
    %min3A_587 = arith.minimumf %min3A_582, %concatenate3A_586 : vector<21x2048xbf16>
    %slice3A_588 = vector.extract_strided_slice %convert_element_type3A {offsets = [14, 0], sizes = [1, 2048], strides = [1, 1]} : vector<20x2048xbf16> to vector<1x2048xbf16>
    %ne3A_589 = vector.broadcast %slice3A_588 : vector<1x2048xbf16> to vector<20x2048xbf16>
    %ne3A_590 = arith.cmpf one, %ne3A_589, %convert_element_type3A_5 : vector<20x2048xbf16>
    %jit3A_591 = arith.constant 0.000000e+00 : bf16
    %jit3A_592 = arith.constant -1.000000e+00 : bf16
    %broadcast_in_dim3A_593 = vector.broadcast %jit3A_591 : bf16 to vector<20x2048xbf16>
    %broadcast_in_dim3A_594 = vector.broadcast %jit3A_592 : bf16 to vector<20x2048xbf16>
    %select_n3A_595 = arith.select %ne3A_590, %broadcast_in_dim3A_593, %broadcast_in_dim3A_594 : vector<20x2048xi1>, vector<20x2048xbf16>
    %add3A_596 = arith.constant 1.000000e+00 : bf16
    %add3A_597 = vector.broadcast %add3A_596 : bf16 to vector<21x2048xbf16>
    %add3A_598 = arith.addf %min3A_587, %add3A_597 : vector<21x2048xbf16>
    %broadcast_in_dim3A_599 = arith.constant 1.500000e+01 : bf16
    %broadcast_in_dim3A_600 = vector.broadcast %broadcast_in_dim3A_599 : bf16 to vector<1x2048xbf16>
    %slice3A_601 = vector.extract_strided_slice %min3A_587 {offsets = [0, 0], sizes = [20, 2048], strides = [1, 1]} : vector<21x2048xbf16> to vector<20x2048xbf16>
    %add3A_602 = arith.addf %slice3A_601, %select_n3A_595 : vector<20x2048xbf16>
    %concatenate3A_603 = tpu.concatenate %broadcast_in_dim3A_600, %add3A_602 in 0 : vector<1x2048xbf16>, vector<20x2048xbf16> -> vector<21x2048xbf16>
    %min3A_604 = arith.minimumf %add3A_598, %concatenate3A_603 : vector<21x2048xbf16>
    %broadcast_in_dim3A_605 = arith.constant 1.280000e+02 : bf16
    %broadcast_in_dim3A_606 = vector.broadcast %broadcast_in_dim3A_605 : bf16 to vector<1x2048xbf16>
    %slice3A_607 = vector.extract_strided_slice %min3A_604 {offsets = [0, 0], sizes = [20, 2048], strides = [1, 1]} : vector<21x2048xbf16> to vector<20x2048xbf16>
    %concatenate3A_608 = tpu.concatenate %broadcast_in_dim3A_606, %slice3A_607 in 0 : vector<1x2048xbf16>, vector<20x2048xbf16> -> vector<21x2048xbf16>
    %min3A_609 = arith.minimumf %min3A_604, %concatenate3A_608 : vector<21x2048xbf16>
    %broadcast_in_dim3A_610 = arith.constant 1.280000e+02 : bf16
    %broadcast_in_dim3A_611 = vector.broadcast %broadcast_in_dim3A_610 : bf16 to vector<2x2048xbf16>
    %slice3A_612 = vector.extract_strided_slice %min3A_609 {offsets = [0, 0], sizes = [19, 2048], strides = [1, 1]} : vector<21x2048xbf16> to vector<19x2048xbf16>
    %concatenate3A_613 = tpu.concatenate %broadcast_in_dim3A_611, %slice3A_612 in 0 : vector<2x2048xbf16>, vector<19x2048xbf16> -> vector<21x2048xbf16>
    %min3A_614 = arith.minimumf %min3A_609, %concatenate3A_613 : vector<21x2048xbf16>
    %broadcast_in_dim3A_615 = arith.constant 1.280000e+02 : bf16
    %broadcast_in_dim3A_616 = vector.broadcast %broadcast_in_dim3A_615 : bf16 to vector<4x2048xbf16>
    %slice3A_617 = vector.extract_strided_slice %min3A_614 {offsets = [0, 0], sizes = [17, 2048], strides = [1, 1]} : vector<21x2048xbf16> to vector<17x2048xbf16>
    %concatenate3A_618 = tpu.concatenate %broadcast_in_dim3A_616, %slice3A_617 in 0 : vector<4x2048xbf16>, vector<17x2048xbf16> -> vector<21x2048xbf16>
    %min3A_619 = arith.minimumf %min3A_614, %concatenate3A_618 : vector<21x2048xbf16>
    %broadcast_in_dim3A_620 = arith.constant 1.280000e+02 : bf16
    %broadcast_in_dim3A_621 = vector.broadcast %broadcast_in_dim3A_620 : bf16 to vector<8x2048xbf16>
    %slice3A_622 = vector.extract_strided_slice %min3A_619 {offsets = [0, 0], sizes = [13, 2048], strides = [1, 1]} : vector<21x2048xbf16> to vector<13x2048xbf16>
    %concatenate3A_623 = tpu.concatenate %broadcast_in_dim3A_621, %slice3A_622 in 0 : vector<8x2048xbf16>, vector<13x2048xbf16> -> vector<21x2048xbf16>
    %min3A_624 = arith.minimumf %min3A_619, %concatenate3A_623 : vector<21x2048xbf16>
    %broadcast_in_dim3A_625 = arith.constant 1.280000e+02 : bf16
    %broadcast_in_dim3A_626 = vector.broadcast %broadcast_in_dim3A_625 : bf16 to vector<16x2048xbf16>
    %slice3A_627 = vector.extract_strided_slice %min3A_624 {offsets = [0, 0], sizes = [5, 2048], strides = [1, 1]} : vector<21x2048xbf16> to vector<5x2048xbf16>
    %concatenate3A_628 = tpu.concatenate %broadcast_in_dim3A_626, %slice3A_627 in 0 : vector<16x2048xbf16>, vector<5x2048xbf16> -> vector<21x2048xbf16>
    %min3A_629 = arith.minimumf %min3A_624, %concatenate3A_628 : vector<21x2048xbf16>
    %slice3A_630 = vector.extract_strided_slice %convert_element_type3A {offsets = [15, 0], sizes = [1, 2048], strides = [1, 1]} : vector<20x2048xbf16> to vector<1x2048xbf16>
    %ne3A_631 = vector.broadcast %slice3A_630 : vector<1x2048xbf16> to vector<20x2048xbf16>
    %ne3A_632 = arith.cmpf one, %ne3A_631, %convert_element_type3A_5 : vector<20x2048xbf16>
    %jit3A_633 = arith.constant 0.000000e+00 : bf16
    %jit3A_634 = arith.constant -1.000000e+00 : bf16
    %broadcast_in_dim3A_635 = vector.broadcast %jit3A_633 : bf16 to vector<20x2048xbf16>
    %broadcast_in_dim3A_636 = vector.broadcast %jit3A_634 : bf16 to vector<20x2048xbf16>
    %select_n3A_637 = arith.select %ne3A_632, %broadcast_in_dim3A_635, %broadcast_in_dim3A_636 : vector<20x2048xi1>, vector<20x2048xbf16>
    %add3A_638 = arith.constant 1.000000e+00 : bf16
    %add3A_639 = vector.broadcast %add3A_638 : bf16 to vector<21x2048xbf16>
    %add3A_640 = arith.addf %min3A_629, %add3A_639 : vector<21x2048xbf16>
    %broadcast_in_dim3A_641 = arith.constant 1.600000e+01 : bf16
    %broadcast_in_dim3A_642 = vector.broadcast %broadcast_in_dim3A_641 : bf16 to vector<1x2048xbf16>
    %slice3A_643 = vector.extract_strided_slice %min3A_629 {offsets = [0, 0], sizes = [20, 2048], strides = [1, 1]} : vector<21x2048xbf16> to vector<20x2048xbf16>
    %add3A_644 = arith.addf %slice3A_643, %select_n3A_637 : vector<20x2048xbf16>
    %concatenate3A_645 = tpu.concatenate %broadcast_in_dim3A_642, %add3A_644 in 0 : vector<1x2048xbf16>, vector<20x2048xbf16> -> vector<21x2048xbf16>
    %min3A_646 = arith.minimumf %add3A_640, %concatenate3A_645 : vector<21x2048xbf16>
    %broadcast_in_dim3A_647 = arith.constant 1.280000e+02 : bf16
    %broadcast_in_dim3A_648 = vector.broadcast %broadcast_in_dim3A_647 : bf16 to vector<1x2048xbf16>
    %slice3A_649 = vector.extract_strided_slice %min3A_646 {offsets = [0, 0], sizes = [20, 2048], strides = [1, 1]} : vector<21x2048xbf16> to vector<20x2048xbf16>
    %concatenate3A_650 = tpu.concatenate %broadcast_in_dim3A_648, %slice3A_649 in 0 : vector<1x2048xbf16>, vector<20x2048xbf16> -> vector<21x2048xbf16>
    %min3A_651 = arith.minimumf %min3A_646, %concatenate3A_650 : vector<21x2048xbf16>
    %broadcast_in_dim3A_652 = arith.constant 1.280000e+02 : bf16
    %broadcast_in_dim3A_653 = vector.broadcast %broadcast_in_dim3A_652 : bf16 to vector<2x2048xbf16>
    %slice3A_654 = vector.extract_strided_slice %min3A_651 {offsets = [0, 0], sizes = [19, 2048], strides = [1, 1]} : vector<21x2048xbf16> to vector<19x2048xbf16>
    %concatenate3A_655 = tpu.concatenate %broadcast_in_dim3A_653, %slice3A_654 in 0 : vector<2x2048xbf16>, vector<19x2048xbf16> -> vector<21x2048xbf16>
    %min3A_656 = arith.minimumf %min3A_651, %concatenate3A_655 : vector<21x2048xbf16>
    %broadcast_in_dim3A_657 = arith.constant 1.280000e+02 : bf16
    %broadcast_in_dim3A_658 = vector.broadcast %broadcast_in_dim3A_657 : bf16 to vector<4x2048xbf16>
    %slice3A_659 = vector.extract_strided_slice %min3A_656 {offsets = [0, 0], sizes = [17, 2048], strides = [1, 1]} : vector<21x2048xbf16> to vector<17x2048xbf16>
    %concatenate3A_660 = tpu.concatenate %broadcast_in_dim3A_658, %slice3A_659 in 0 : vector<4x2048xbf16>, vector<17x2048xbf16> -> vector<21x2048xbf16>
    %min3A_661 = arith.minimumf %min3A_656, %concatenate3A_660 : vector<21x2048xbf16>
    %broadcast_in_dim3A_662 = arith.constant 1.280000e+02 : bf16
    %broadcast_in_dim3A_663 = vector.broadcast %broadcast_in_dim3A_662 : bf16 to vector<8x2048xbf16>
    %slice3A_664 = vector.extract_strided_slice %min3A_661 {offsets = [0, 0], sizes = [13, 2048], strides = [1, 1]} : vector<21x2048xbf16> to vector<13x2048xbf16>
    %concatenate3A_665 = tpu.concatenate %broadcast_in_dim3A_663, %slice3A_664 in 0 : vector<8x2048xbf16>, vector<13x2048xbf16> -> vector<21x2048xbf16>
    %min3A_666 = arith.minimumf %min3A_661, %concatenate3A_665 : vector<21x2048xbf16>
    %broadcast_in_dim3A_667 = arith.constant 1.280000e+02 : bf16
    %broadcast_in_dim3A_668 = vector.broadcast %broadcast_in_dim3A_667 : bf16 to vector<16x2048xbf16>
    %slice3A_669 = vector.extract_strided_slice %min3A_666 {offsets = [0, 0], sizes = [5, 2048], strides = [1, 1]} : vector<21x2048xbf16> to vector<5x2048xbf16>
    %concatenate3A_670 = tpu.concatenate %broadcast_in_dim3A_668, %slice3A_669 in 0 : vector<16x2048xbf16>, vector<5x2048xbf16> -> vector<21x2048xbf16>
    %min3A_671 = arith.minimumf %min3A_666, %concatenate3A_670 : vector<21x2048xbf16>
    %slice3A_672 = vector.extract_strided_slice %convert_element_type3A {offsets = [16, 0], sizes = [1, 2048], strides = [1, 1]} : vector<20x2048xbf16> to vector<1x2048xbf16>
    %ne3A_673 = vector.broadcast %slice3A_672 : vector<1x2048xbf16> to vector<20x2048xbf16>
    %ne3A_674 = arith.cmpf one, %ne3A_673, %convert_element_type3A_5 : vector<20x2048xbf16>
    %jit3A_675 = arith.constant 0.000000e+00 : bf16
    %jit3A_676 = arith.constant -1.000000e+00 : bf16
    %broadcast_in_dim3A_677 = vector.broadcast %jit3A_675 : bf16 to vector<20x2048xbf16>
    %broadcast_in_dim3A_678 = vector.broadcast %jit3A_676 : bf16 to vector<20x2048xbf16>
    %select_n3A_679 = arith.select %ne3A_674, %broadcast_in_dim3A_677, %broadcast_in_dim3A_678 : vector<20x2048xi1>, vector<20x2048xbf16>
    %add3A_680 = arith.constant 1.000000e+00 : bf16
    %add3A_681 = vector.broadcast %add3A_680 : bf16 to vector<21x2048xbf16>
    %add3A_682 = arith.addf %min3A_671, %add3A_681 : vector<21x2048xbf16>
    %broadcast_in_dim3A_683 = arith.constant 1.700000e+01 : bf16
    %broadcast_in_dim3A_684 = vector.broadcast %broadcast_in_dim3A_683 : bf16 to vector<1x2048xbf16>
    %slice3A_685 = vector.extract_strided_slice %min3A_671 {offsets = [0, 0], sizes = [20, 2048], strides = [1, 1]} : vector<21x2048xbf16> to vector<20x2048xbf16>
    %add3A_686 = arith.addf %slice3A_685, %select_n3A_679 : vector<20x2048xbf16>
    %concatenate3A_687 = tpu.concatenate %broadcast_in_dim3A_684, %add3A_686 in 0 : vector<1x2048xbf16>, vector<20x2048xbf16> -> vector<21x2048xbf16>
    %min3A_688 = arith.minimumf %add3A_682, %concatenate3A_687 : vector<21x2048xbf16>
    %broadcast_in_dim3A_689 = arith.constant 1.280000e+02 : bf16
    %broadcast_in_dim3A_690 = vector.broadcast %broadcast_in_dim3A_689 : bf16 to vector<1x2048xbf16>
    %slice3A_691 = vector.extract_strided_slice %min3A_688 {offsets = [0, 0], sizes = [20, 2048], strides = [1, 1]} : vector<21x2048xbf16> to vector<20x2048xbf16>
    %concatenate3A_692 = tpu.concatenate %broadcast_in_dim3A_690, %slice3A_691 in 0 : vector<1x2048xbf16>, vector<20x2048xbf16> -> vector<21x2048xbf16>
    %min3A_693 = arith.minimumf %min3A_688, %concatenate3A_692 : vector<21x2048xbf16>
    %broadcast_in_dim3A_694 = arith.constant 1.280000e+02 : bf16
    %broadcast_in_dim3A_695 = vector.broadcast %broadcast_in_dim3A_694 : bf16 to vector<2x2048xbf16>
    %slice3A_696 = vector.extract_strided_slice %min3A_693 {offsets = [0, 0], sizes = [19, 2048], strides = [1, 1]} : vector<21x2048xbf16> to vector<19x2048xbf16>
    %concatenate3A_697 = tpu.concatenate %broadcast_in_dim3A_695, %slice3A_696 in 0 : vector<2x2048xbf16>, vector<19x2048xbf16> -> vector<21x2048xbf16>
    %min3A_698 = arith.minimumf %min3A_693, %concatenate3A_697 : vector<21x2048xbf16>
    %broadcast_in_dim3A_699 = arith.constant 1.280000e+02 : bf16
    %broadcast_in_dim3A_700 = vector.broadcast %broadcast_in_dim3A_699 : bf16 to vector<4x2048xbf16>
    %slice3A_701 = vector.extract_strided_slice %min3A_698 {offsets = [0, 0], sizes = [17, 2048], strides = [1, 1]} : vector<21x2048xbf16> to vector<17x2048xbf16>
    %concatenate3A_702 = tpu.concatenate %broadcast_in_dim3A_700, %slice3A_701 in 0 : vector<4x2048xbf16>, vector<17x2048xbf16> -> vector<21x2048xbf16>
    %min3A_703 = arith.minimumf %min3A_698, %concatenate3A_702 : vector<21x2048xbf16>
    %broadcast_in_dim3A_704 = arith.constant 1.280000e+02 : bf16
    %broadcast_in_dim3A_705 = vector.broadcast %broadcast_in_dim3A_704 : bf16 to vector<8x2048xbf16>
    %slice3A_706 = vector.extract_strided_slice %min3A_703 {offsets = [0, 0], sizes = [13, 2048], strides = [1, 1]} : vector<21x2048xbf16> to vector<13x2048xbf16>
    %concatenate3A_707 = tpu.concatenate %broadcast_in_dim3A_705, %slice3A_706 in 0 : vector<8x2048xbf16>, vector<13x2048xbf16> -> vector<21x2048xbf16>
    %min3A_708 = arith.minimumf %min3A_703, %concatenate3A_707 : vector<21x2048xbf16>
    %broadcast_in_dim3A_709 = arith.constant 1.280000e+02 : bf16
    %broadcast_in_dim3A_710 = vector.broadcast %broadcast_in_dim3A_709 : bf16 to vector<16x2048xbf16>
    %slice3A_711 = vector.extract_strided_slice %min3A_708 {offsets = [0, 0], sizes = [5, 2048], strides = [1, 1]} : vector<21x2048xbf16> to vector<5x2048xbf16>
    %concatenate3A_712 = tpu.concatenate %broadcast_in_dim3A_710, %slice3A_711 in 0 : vector<16x2048xbf16>, vector<5x2048xbf16> -> vector<21x2048xbf16>
    %min3A_713 = arith.minimumf %min3A_708, %concatenate3A_712 : vector<21x2048xbf16>
    %slice3A_714 = vector.extract_strided_slice %convert_element_type3A {offsets = [17, 0], sizes = [1, 2048], strides = [1, 1]} : vector<20x2048xbf16> to vector<1x2048xbf16>
    %ne3A_715 = vector.broadcast %slice3A_714 : vector<1x2048xbf16> to vector<20x2048xbf16>
    %ne3A_716 = arith.cmpf one, %ne3A_715, %convert_element_type3A_5 : vector<20x2048xbf16>
    %jit3A_717 = arith.constant 0.000000e+00 : bf16
    %jit3A_718 = arith.constant -1.000000e+00 : bf16
    %broadcast_in_dim3A_719 = vector.broadcast %jit3A_717 : bf16 to vector<20x2048xbf16>
    %broadcast_in_dim3A_720 = vector.broadcast %jit3A_718 : bf16 to vector<20x2048xbf16>
    %select_n3A_721 = arith.select %ne3A_716, %broadcast_in_dim3A_719, %broadcast_in_dim3A_720 : vector<20x2048xi1>, vector<20x2048xbf16>
    %add3A_722 = arith.constant 1.000000e+00 : bf16
    %add3A_723 = vector.broadcast %add3A_722 : bf16 to vector<21x2048xbf16>
    %add3A_724 = arith.addf %min3A_713, %add3A_723 : vector<21x2048xbf16>
    %broadcast_in_dim3A_725 = arith.constant 1.800000e+01 : bf16
    %broadcast_in_dim3A_726 = vector.broadcast %broadcast_in_dim3A_725 : bf16 to vector<1x2048xbf16>
    %slice3A_727 = vector.extract_strided_slice %min3A_713 {offsets = [0, 0], sizes = [20, 2048], strides = [1, 1]} : vector<21x2048xbf16> to vector<20x2048xbf16>
    %add3A_728 = arith.addf %slice3A_727, %select_n3A_721 : vector<20x2048xbf16>
    %concatenate3A_729 = tpu.concatenate %broadcast_in_dim3A_726, %add3A_728 in 0 : vector<1x2048xbf16>, vector<20x2048xbf16> -> vector<21x2048xbf16>
    %min3A_730 = arith.minimumf %add3A_724, %concatenate3A_729 : vector<21x2048xbf16>
    %broadcast_in_dim3A_731 = arith.constant 1.280000e+02 : bf16
    %broadcast_in_dim3A_732 = vector.broadcast %broadcast_in_dim3A_731 : bf16 to vector<1x2048xbf16>
    %slice3A_733 = vector.extract_strided_slice %min3A_730 {offsets = [0, 0], sizes = [20, 2048], strides = [1, 1]} : vector<21x2048xbf16> to vector<20x2048xbf16>
    %concatenate3A_734 = tpu.concatenate %broadcast_in_dim3A_732, %slice3A_733 in 0 : vector<1x2048xbf16>, vector<20x2048xbf16> -> vector<21x2048xbf16>
    %min3A_735 = arith.minimumf %min3A_730, %concatenate3A_734 : vector<21x2048xbf16>
    %broadcast_in_dim3A_736 = arith.constant 1.280000e+02 : bf16
    %broadcast_in_dim3A_737 = vector.broadcast %broadcast_in_dim3A_736 : bf16 to vector<2x2048xbf16>
    %slice3A_738 = vector.extract_strided_slice %min3A_735 {offsets = [0, 0], sizes = [19, 2048], strides = [1, 1]} : vector<21x2048xbf16> to vector<19x2048xbf16>
    %concatenate3A_739 = tpu.concatenate %broadcast_in_dim3A_737, %slice3A_738 in 0 : vector<2x2048xbf16>, vector<19x2048xbf16> -> vector<21x2048xbf16>
    %min3A_740 = arith.minimumf %min3A_735, %concatenate3A_739 : vector<21x2048xbf16>
    %broadcast_in_dim3A_741 = arith.constant 1.280000e+02 : bf16
    %broadcast_in_dim3A_742 = vector.broadcast %broadcast_in_dim3A_741 : bf16 to vector<4x2048xbf16>
    %slice3A_743 = vector.extract_strided_slice %min3A_740 {offsets = [0, 0], sizes = [17, 2048], strides = [1, 1]} : vector<21x2048xbf16> to vector<17x2048xbf16>
    %concatenate3A_744 = tpu.concatenate %broadcast_in_dim3A_742, %slice3A_743 in 0 : vector<4x2048xbf16>, vector<17x2048xbf16> -> vector<21x2048xbf16>
    %min3A_745 = arith.minimumf %min3A_740, %concatenate3A_744 : vector<21x2048xbf16>
    %broadcast_in_dim3A_746 = arith.constant 1.280000e+02 : bf16
    %broadcast_in_dim3A_747 = vector.broadcast %broadcast_in_dim3A_746 : bf16 to vector<8x2048xbf16>
    %slice3A_748 = vector.extract_strided_slice %min3A_745 {offsets = [0, 0], sizes = [13, 2048], strides = [1, 1]} : vector<21x2048xbf16> to vector<13x2048xbf16>
    %concatenate3A_749 = tpu.concatenate %broadcast_in_dim3A_747, %slice3A_748 in 0 : vector<8x2048xbf16>, vector<13x2048xbf16> -> vector<21x2048xbf16>
    %min3A_750 = arith.minimumf %min3A_745, %concatenate3A_749 : vector<21x2048xbf16>
    %broadcast_in_dim3A_751 = arith.constant 1.280000e+02 : bf16
    %broadcast_in_dim3A_752 = vector.broadcast %broadcast_in_dim3A_751 : bf16 to vector<16x2048xbf16>
    %slice3A_753 = vector.extract_strided_slice %min3A_750 {offsets = [0, 0], sizes = [5, 2048], strides = [1, 1]} : vector<21x2048xbf16> to vector<5x2048xbf16>
    %concatenate3A_754 = tpu.concatenate %broadcast_in_dim3A_752, %slice3A_753 in 0 : vector<16x2048xbf16>, vector<5x2048xbf16> -> vector<21x2048xbf16>
    %min3A_755 = arith.minimumf %min3A_750, %concatenate3A_754 : vector<21x2048xbf16>
    %slice3A_756 = vector.extract_strided_slice %convert_element_type3A {offsets = [18, 0], sizes = [1, 2048], strides = [1, 1]} : vector<20x2048xbf16> to vector<1x2048xbf16>
    %ne3A_757 = vector.broadcast %slice3A_756 : vector<1x2048xbf16> to vector<20x2048xbf16>
    %ne3A_758 = arith.cmpf one, %ne3A_757, %convert_element_type3A_5 : vector<20x2048xbf16>
    %jit3A_759 = arith.constant 0.000000e+00 : bf16
    %jit3A_760 = arith.constant -1.000000e+00 : bf16
    %broadcast_in_dim3A_761 = vector.broadcast %jit3A_759 : bf16 to vector<20x2048xbf16>
    %broadcast_in_dim3A_762 = vector.broadcast %jit3A_760 : bf16 to vector<20x2048xbf16>
    %select_n3A_763 = arith.select %ne3A_758, %broadcast_in_dim3A_761, %broadcast_in_dim3A_762 : vector<20x2048xi1>, vector<20x2048xbf16>
    %add3A_764 = arith.constant 1.000000e+00 : bf16
    %add3A_765 = vector.broadcast %add3A_764 : bf16 to vector<21x2048xbf16>
    %add3A_766 = arith.addf %min3A_755, %add3A_765 : vector<21x2048xbf16>
    %broadcast_in_dim3A_767 = arith.constant 1.900000e+01 : bf16
    %broadcast_in_dim3A_768 = vector.broadcast %broadcast_in_dim3A_767 : bf16 to vector<1x2048xbf16>
    %slice3A_769 = vector.extract_strided_slice %min3A_755 {offsets = [0, 0], sizes = [20, 2048], strides = [1, 1]} : vector<21x2048xbf16> to vector<20x2048xbf16>
    %add3A_770 = arith.addf %slice3A_769, %select_n3A_763 : vector<20x2048xbf16>
    %concatenate3A_771 = tpu.concatenate %broadcast_in_dim3A_768, %add3A_770 in 0 : vector<1x2048xbf16>, vector<20x2048xbf16> -> vector<21x2048xbf16>
    %min3A_772 = arith.minimumf %add3A_766, %concatenate3A_771 : vector<21x2048xbf16>
    %broadcast_in_dim3A_773 = arith.constant 1.280000e+02 : bf16
    %broadcast_in_dim3A_774 = vector.broadcast %broadcast_in_dim3A_773 : bf16 to vector<1x2048xbf16>
    %slice3A_775 = vector.extract_strided_slice %min3A_772 {offsets = [0, 0], sizes = [20, 2048], strides = [1, 1]} : vector<21x2048xbf16> to vector<20x2048xbf16>
    %concatenate3A_776 = tpu.concatenate %broadcast_in_dim3A_774, %slice3A_775 in 0 : vector<1x2048xbf16>, vector<20x2048xbf16> -> vector<21x2048xbf16>
    %min3A_777 = arith.minimumf %min3A_772, %concatenate3A_776 : vector<21x2048xbf16>
    %broadcast_in_dim3A_778 = arith.constant 1.280000e+02 : bf16
    %broadcast_in_dim3A_779 = vector.broadcast %broadcast_in_dim3A_778 : bf16 to vector<2x2048xbf16>
    %slice3A_780 = vector.extract_strided_slice %min3A_777 {offsets = [0, 0], sizes = [19, 2048], strides = [1, 1]} : vector<21x2048xbf16> to vector<19x2048xbf16>
    %concatenate3A_781 = tpu.concatenate %broadcast_in_dim3A_779, %slice3A_780 in 0 : vector<2x2048xbf16>, vector<19x2048xbf16> -> vector<21x2048xbf16>
    %min3A_782 = arith.minimumf %min3A_777, %concatenate3A_781 : vector<21x2048xbf16>
    %broadcast_in_dim3A_783 = arith.constant 1.280000e+02 : bf16
    %broadcast_in_dim3A_784 = vector.broadcast %broadcast_in_dim3A_783 : bf16 to vector<4x2048xbf16>
    %slice3A_785 = vector.extract_strided_slice %min3A_782 {offsets = [0, 0], sizes = [17, 2048], strides = [1, 1]} : vector<21x2048xbf16> to vector<17x2048xbf16>
    %concatenate3A_786 = tpu.concatenate %broadcast_in_dim3A_784, %slice3A_785 in 0 : vector<4x2048xbf16>, vector<17x2048xbf16> -> vector<21x2048xbf16>
    %min3A_787 = arith.minimumf %min3A_782, %concatenate3A_786 : vector<21x2048xbf16>
    %broadcast_in_dim3A_788 = arith.constant 1.280000e+02 : bf16
    %broadcast_in_dim3A_789 = vector.broadcast %broadcast_in_dim3A_788 : bf16 to vector<8x2048xbf16>
    %slice3A_790 = vector.extract_strided_slice %min3A_787 {offsets = [0, 0], sizes = [13, 2048], strides = [1, 1]} : vector<21x2048xbf16> to vector<13x2048xbf16>
    %concatenate3A_791 = tpu.concatenate %broadcast_in_dim3A_789, %slice3A_790 in 0 : vector<8x2048xbf16>, vector<13x2048xbf16> -> vector<21x2048xbf16>
    %min3A_792 = arith.minimumf %min3A_787, %concatenate3A_791 : vector<21x2048xbf16>
    %broadcast_in_dim3A_793 = arith.constant 1.280000e+02 : bf16
    %broadcast_in_dim3A_794 = vector.broadcast %broadcast_in_dim3A_793 : bf16 to vector<16x2048xbf16>
    %slice3A_795 = vector.extract_strided_slice %min3A_792 {offsets = [0, 0], sizes = [5, 2048], strides = [1, 1]} : vector<21x2048xbf16> to vector<5x2048xbf16>
    %concatenate3A_796 = tpu.concatenate %broadcast_in_dim3A_794, %slice3A_795 in 0 : vector<16x2048xbf16>, vector<5x2048xbf16> -> vector<21x2048xbf16>
    %min3A_797 = arith.minimumf %min3A_792, %concatenate3A_796 : vector<21x2048xbf16>
    %slice3A_798 = vector.extract_strided_slice %convert_element_type3A {offsets = [19, 0], sizes = [1, 2048], strides = [1, 1]} : vector<20x2048xbf16> to vector<1x2048xbf16>
    %ne3A_799 = vector.broadcast %slice3A_798 : vector<1x2048xbf16> to vector<20x2048xbf16>
    %ne3A_800 = arith.cmpf one, %ne3A_799, %convert_element_type3A_5 : vector<20x2048xbf16>
    %jit3A_801 = arith.constant 0.000000e+00 : bf16
    %jit3A_802 = arith.constant -1.000000e+00 : bf16
    %broadcast_in_dim3A_803 = vector.broadcast %jit3A_801 : bf16 to vector<20x2048xbf16>
    %broadcast_in_dim3A_804 = vector.broadcast %jit3A_802 : bf16 to vector<20x2048xbf16>
    %select_n3A_805 = arith.select %ne3A_800, %broadcast_in_dim3A_803, %broadcast_in_dim3A_804 : vector<20x2048xi1>, vector<20x2048xbf16>
    %add3A_806 = arith.constant 1.000000e+00 : bf16
    %add3A_807 = vector.broadcast %add3A_806 : bf16 to vector<21x2048xbf16>
    %add3A_808 = arith.addf %min3A_797, %add3A_807 : vector<21x2048xbf16>
    %broadcast_in_dim3A_809 = arith.constant 2.000000e+01 : bf16
    %broadcast_in_dim3A_810 = vector.broadcast %broadcast_in_dim3A_809 : bf16 to vector<1x2048xbf16>
    %slice3A_811 = vector.extract_strided_slice %min3A_797 {offsets = [0, 0], sizes = [20, 2048], strides = [1, 1]} : vector<21x2048xbf16> to vector<20x2048xbf16>
    %add3A_812 = arith.addf %slice3A_811, %select_n3A_805 : vector<20x2048xbf16>
    %concatenate3A_813 = tpu.concatenate %broadcast_in_dim3A_810, %add3A_812 in 0 : vector<1x2048xbf16>, vector<20x2048xbf16> -> vector<21x2048xbf16>
    %min3A_814 = arith.minimumf %add3A_808, %concatenate3A_813 : vector<21x2048xbf16>
    %broadcast_in_dim3A_815 = arith.constant 1.280000e+02 : bf16
    %broadcast_in_dim3A_816 = vector.broadcast %broadcast_in_dim3A_815 : bf16 to vector<1x2048xbf16>
    %slice3A_817 = vector.extract_strided_slice %min3A_814 {offsets = [0, 0], sizes = [20, 2048], strides = [1, 1]} : vector<21x2048xbf16> to vector<20x2048xbf16>
    %concatenate3A_818 = tpu.concatenate %broadcast_in_dim3A_816, %slice3A_817 in 0 : vector<1x2048xbf16>, vector<20x2048xbf16> -> vector<21x2048xbf16>
    %min3A_819 = arith.minimumf %min3A_814, %concatenate3A_818 : vector<21x2048xbf16>
    %broadcast_in_dim3A_820 = arith.constant 1.280000e+02 : bf16
    %broadcast_in_dim3A_821 = vector.broadcast %broadcast_in_dim3A_820 : bf16 to vector<2x2048xbf16>
    %slice3A_822 = vector.extract_strided_slice %min3A_819 {offsets = [0, 0], sizes = [19, 2048], strides = [1, 1]} : vector<21x2048xbf16> to vector<19x2048xbf16>
    %concatenate3A_823 = tpu.concatenate %broadcast_in_dim3A_821, %slice3A_822 in 0 : vector<2x2048xbf16>, vector<19x2048xbf16> -> vector<21x2048xbf16>
    %min3A_824 = arith.minimumf %min3A_819, %concatenate3A_823 : vector<21x2048xbf16>
    %broadcast_in_dim3A_825 = arith.constant 1.280000e+02 : bf16
    %broadcast_in_dim3A_826 = vector.broadcast %broadcast_in_dim3A_825 : bf16 to vector<4x2048xbf16>
    %slice3A_827 = vector.extract_strided_slice %min3A_824 {offsets = [0, 0], sizes = [17, 2048], strides = [1, 1]} : vector<21x2048xbf16> to vector<17x2048xbf16>
    %concatenate3A_828 = tpu.concatenate %broadcast_in_dim3A_826, %slice3A_827 in 0 : vector<4x2048xbf16>, vector<17x2048xbf16> -> vector<21x2048xbf16>
    %min3A_829 = arith.minimumf %min3A_824, %concatenate3A_828 : vector<21x2048xbf16>
    %broadcast_in_dim3A_830 = arith.constant 1.280000e+02 : bf16
    %broadcast_in_dim3A_831 = vector.broadcast %broadcast_in_dim3A_830 : bf16 to vector<8x2048xbf16>
    %slice3A_832 = vector.extract_strided_slice %min3A_829 {offsets = [0, 0], sizes = [13, 2048], strides = [1, 1]} : vector<21x2048xbf16> to vector<13x2048xbf16>
    %concatenate3A_833 = tpu.concatenate %broadcast_in_dim3A_831, %slice3A_832 in 0 : vector<8x2048xbf16>, vector<13x2048xbf16> -> vector<21x2048xbf16>
    %min3A_834 = arith.minimumf %min3A_829, %concatenate3A_833 : vector<21x2048xbf16>
    %broadcast_in_dim3A_835 = arith.constant 1.280000e+02 : bf16
    %broadcast_in_dim3A_836 = vector.broadcast %broadcast_in_dim3A_835 : bf16 to vector<16x2048xbf16>
    %slice3A_837 = vector.extract_strided_slice %min3A_834 {offsets = [0, 0], sizes = [5, 2048], strides = [1, 1]} : vector<21x2048xbf16> to vector<5x2048xbf16>
    %concatenate3A_838 = tpu.concatenate %broadcast_in_dim3A_836, %slice3A_837 in 0 : vector<16x2048xbf16>, vector<5x2048xbf16> -> vector<21x2048xbf16>
    %min3A_839 = arith.minimumf %min3A_834, %concatenate3A_838 : vector<21x2048xbf16>
    %slice3A_840 = vector.extract_strided_slice %min3A_839 {offsets = [20, 0], sizes = [1, 2048], strides = [1, 1]} : vector<21x2048xbf16> to vector<1x2048xbf16>
    %squeeze3A = vector.shape_cast %slice3A_840 : vector<1x2048xbf16> to vector<2048xbf16>
    %convert_element_type3A_841 = arith.fptosi %squeeze3A : vector<2048xbf16> to vector<2048xi32>
    %add3A_842 = arith.constant 20 : i32
    %add3A_843 = vector.broadcast %add3A_842 : i32 to vector<2048xi32>
    %add3A_844 = arith.addi %convert_element_type3A_841, %add3A_843 : vector<2048xi32>
    %min3A_845 = arith.constant 511 : i32
    %min3A_846 = vector.broadcast %min3A_845 : i32 to vector<2048xi32>
    %min3A_847 = arith.minsi %add3A_844, %min3A_846 : vector<2048xi32>
    %reshape3A = vector.shape_cast %min3A_847 : vector<2048xi32> to vector<1x2048xi32>
    %swap3A = arith.constant 0 : index
    %swap3A_848 = arith.constant 0 : index
    %swap3A_849 = vector.load %arg3[%swap3A, %swap3A_848] : memref<1x2048xi32, #tpu.memory_space<vmem>>, vector<1x2048xi32>
    tpu.vector_store %arg3[%swap3A, %swap3A_848], %reshape3A {strides = array<i32>} : memref<1x2048xi32, #tpu.memory_space<vmem>>, vector<1x2048xi32>,
    return
  }
  func.func @transform_0(%arg0: i32) -> (i32, i32) {
    %c0_i32 = arith.constant 0 : i32
    %c0_i32_0 = arith.constant 0 : i32
    return %c0_i32, %arg0 : i32, i32
  }
  func.func @transform_1(%arg0: i32) -> (i32, i32) {
    %c0_i32 = arith.constant 0 : i32
    %c0_i32_0 = arith.constant 0 : i32
    return %c0_i32, %arg0 : i32, i32
  }
  func.func @transform_2(%arg0: i32) -> (i32, i32) {
    %c0_i32 = arith.constant 0 : i32
    %c0_i32_0 = arith.constant 0 : i32
    return %c0_i32, %arg0 : i32, i32
  }
}

</mosaic_0001>

<sc_bundles>
// kernel: kernel.4.cloned.1.call-start
scs
__scs_entry_jumppad:
0x0: {  	(pc) =	sbr.rel $0x88, $3  }
0x1: {  	(tag) =	ssettag $0x0;
	lr =	simm.s32 $0x1  }
0x2: {  	[smem:$0x3F9E] =	sst lr;
	_ =	strace $0xD0000000  }
0x3: {  	_ = 	snop  }
0x4: {  	_ = 	snop  }
0x5: {  	_ = 	snop  }
0x6: {  	_ = 	snop  }
0x7: {  	_ = 	snop  }
__scs_overlays_trampoline_lowered:
0x8: {  	[smem:$0x3FAD] =	sst s0  }
0x9: {  	[smem:$0x3FAE] =	sst s1  }
0xa: {  	[smem:$0x3FAF] =	sst s2  }
0xb: {  	[smem:$0x3FB0] =	sst s3  }
0xc: {  	[smem:$0x3FB1] =	sst s4  }
0xd: {  	[smem:$0x3FB2] =	sst s5  }
0xe: {  	[smem:$0x3FB3] =	sst s6  }
0xf: {  	[smem:$0x3FB4] =	sst s7  }
0x10: {  	[smem:$0x3FB5] =	sst s8  }
0x11: {  	[smem:$0x3FB6] =	sst s9;
	s0 =	simm.s32 @!p0 $0x0  }
0x12: {  	s1 =	sld [smem:$0x3F9C];
	s0 =	simm.s32 @p0 $0x1  }
0x13: {  	[smem:$0x3FB7] =	sst s0;
	s0 =	simm.s32 @!p1 $0x0  }
0x14: {  	s2 =	sld [smem:$0x3F9B];
	s0 =	simm.s32 @p1 $0x1  }
0x15: {  	[smem:$0x3FB8] =	sst s0;
	s0 =	simm.s32 @!p2 $0x0  }
0x16: {  	s3 =	sld [smem:$0x3FDB];
	s0 =	simm.s32 @p2 $0x1  }
0x17: {  	s4 =	simm.s32 $0x1BF5;
	[smem:$0x3FBA] =	sst s0  }
0x18: {  	s0 =	sld [smem:$0x3F9D];
	_ =	swait.ge [sflag:s4], $0x0  }
0x19: {  	s7 =	sld [smem:$0x3F9E]  }
0x1a: {  	s8 =	sadd.s32 $0xFFFFE003, lr  }
0x1b: {  	s9 =	sadd.s32 $0xFFFFFEF7, lr;
	s5 =	simm.s32 $0xFFFFFFFF;
	p2 =	slt.u32 s8, $0xFFFFF086  }
0x1c: {  	p1 =	slt.u32 s9, $0xF7A;
	s5 =	simm.s32 @!p2 $0x0  }
0x1d: {  	s5 =	simm.s32 @p1 $0x1;
	p0 =	seq.s32 s7, s2  }
0x1e: {  	s7 =	smul.u32 @!p0 $0xF7A, s2;
	p2 =	seq.s32 @!p0 s5, $0x0  }
0x1f: {  	s9 =	smul.u32 $0xF7A, s1;
	s8 =	simm.s32 @!p0 $0x1BF5;
	p2 =	por !p2, p0  }
0x20: {  	[sflag:s8] =	ssyncset.s32 @!p0 $0xFFFFF086;
	s6 =	sadd.s32 @!p0 s3, s7;
	s7 =	simm.s32 @!p0 $0x108  }
0x21: {  	s3 =	sadd.s32 s3, s9;
	s6 =	sadd.s32 @!p0 $0x88, s6;
	s7 =	simm.s32 @p2 $0x1082  }
0x22: {  	[simem:s7], [sflag:s8] =	dma.local @!p0 [hbm:s6], $0xF7A  }
0x23: {  	s9 =	sor.u32 $0xD0000000, s2;
	s6 =	simm.s32 $0x108;
	_ =	swait.ge @!p0 [sflag:s8], $0x0  }
0x24: {  	s3 =	sadd.s32 $0x88, s3;
	s6 =	simm.s32 @!p1 $0x1082;
	[sflag:s4] =	ssyncset.s32 $0xFFFFF086  }
0x25: {  	[simem:s6], [sflag:s4] =	dma.local [hbm:s3], $0xF7A  }
0x26: {  	[smem:$0x3F9E] =	sst s1;
	(tag) =	ssettag s2;
	_ =	strace s9  }
0x27: {  	s1 =	sld [smem:$0x3FAE]  }
0x28: {  	s2 =	sld [smem:$0x3FAF]  }
0x29: {  	s4 =	sld [smem:$0x3FB1]  }
0x2a: {  	p0 =	seq.s32 s5, $0x0;
	s5 =	sld [smem:$0x3FB2]  }
0x2b: {  	s6 =	sld [smem:$0x3FB3]  }
0x2c: {  	s7 =	sld [smem:$0x3FB4]  }
0x2d: {  	s3 =	simm.s32 $0x108;
	s8 =	sld [smem:$0x3FB5]  }
0x2e: {  	s3 =	simm.s32 @!p0 $0x1082;
	s9 =	sld [smem:$0x3FB6]  }
0x2f: {  	lr =	sadd.s32 s0, s3;
	s0 =	sld [smem:$0x3FAD]  }
0x30: {  	s3 =	sld [smem:$0x3FB0]  }
0x31: {  	[smem:$0x3FB9] =	sst s10  }
0x32: {  	s10 =	sld [smem:$0x3FB7];
	_ =	sdelay $0x3  }
0x33: {  	p0 =	seq.s32 s10, $0x1;
	s10 =	sld [smem:$0x3FB9];
	_ =	sdelay $0x3  }
0x34: {  	[smem:$0x3FB9] =	sst s10  }
0x35: {  	s10 =	sld [smem:$0x3FB8];
	_ =	sdelay $0x3  }
0x36: {  	p1 =	seq.s32 s10, $0x1;
	s10 =	sld [smem:$0x3FB9];
	_ =	sdelay $0x3  }
0x37: {  	[smem:$0x3FB9] =	sst s10  }
0x38: {  	s10 =	sld [smem:$0x3FBA]  }
0x39: {  	_ = 	snop;
	(pc) =	sbr.ind lr, $3  }
0x3a: {  	_ = 	snop  }
0x3b: {  	_ = 	snop  }
0x3c: {  	p2 =	seq.s32 s10, $0x1;
	s10 =	sld [smem:$0x3FB9]  }
0x3d: {  	_ =	shalt  }
0x3e: {  	_ =	shalt  }
0x3f: {  	_ =	shalt  }
0x40: {  	_ =	shalt  }
0x41: {  	_ =	shalt  }
0x42: {  	_ =	shalt  }
0x43: {  	_ =	shalt  }
0x44: {  	_ =	shalt  }
0x45: {  	_ =	shalt  }
0x46: {  	_ =	shalt  }
0x47: {  	_ =	shalt  }
0x48: {  	_ =	shalt  }
0x49: {  	_ =	shalt  }
0x4a: {  	_ =	shalt  }
0x4b: {  	_ =	shalt  }
0x4c: {  	_ =	shalt  }
0x4d: {  	_ =	shalt  }
0x4e: {  	_ =	shalt  }
0x4f: {  	_ =	shalt  }
0x50: {  	_ =	shalt  }
0x51: {  	_ =	shalt  }
0x52: {  	_ =	shalt  }
0x53: {  	_ =	shalt  }
0x54: {  	_ =	shalt  }
0x55: {  	_ =	shalt  }
0x56: {  	_ =	shalt  }
0x57: {  	_ =	shalt  }
0x58: {  	_ =	shalt  }
0x59: {  	_ =	shalt  }
0x5a: {  	_ =	shalt  }
0x5b: {  	_ =	shalt  }
0x5c: {  	_ =	shalt  }
0x5d: {  	_ =	shalt  }
0x5e: {  	_ =	shalt  }
0x5f: {  	_ =	shalt  }
0x60: {  	_ =	shalt  }
0x61: {  	_ =	shalt  }
0x62: {  	_ =	shalt  }
0x63: {  	_ =	shalt  }
0x64: {  	_ =	shalt  }
0x65: {  	_ =	shalt  }
0x66: {  	_ =	shalt  }
0x67: {  	_ =	shalt  }
0x68: {  	_ =	shalt  }
0x69: {  	_ =	shalt  }
0x6a: {  	_ =	shalt  }
0x6b: {  	_ =	shalt  }
0x6c: {  	_ =	shalt  }
0x6d: {  	_ =	shalt  }
0x6e: {  	_ =	shalt  }
0x6f: {  	_ =	shalt  }
0x70: {  	_ =	shalt  }
0x71: {  	_ =	shalt  }
0x72: {  	_ =	shalt  }
0x73: {  	_ =	shalt  }
0x74: {  	_ =	shalt  }
0x75: {  	_ =	shalt  }
0x76: {  	_ =	shalt  }
0x77: {  	_ =	shalt  }
0x78: {  	_ =	shalt  }
0x79: {  	_ =	shalt  }
0x7a: {  	_ =	shalt  }
0x7b: {  	_ =	shalt  }
0x7c: {  	_ =	shalt  }
0x7d: {  	_ =	shalt  }
0x7e: {  	_ =	shalt  }
0x7f: {  	_ =	shalt  }
0x80: {  	_ =	shalt  }
0x81: {  	_ =	shalt  }
0x82: {  	_ =	shalt  }
0x83: {  	_ =	shalt  }
0x84: {  	_ =	shalt  }
0x85: {  	_ =	shalt  }
0x86: {  	_ =	shalt  }
0x87: {  	_ =	shalt  }
.Lfunc_end0:
.L_simem_size_0:
called_computation_lowered:
.L_overlay_start_0:
0x88: {  	s2 =	sld [smem:$0x3FD9]  }
0x89: {  	s3 =	sld [smem:$0x3FFE];
	_ =	sdelay $0x1  }
0x8a: {  	s1 =	srdreg.scid  }
0x8b: {  	s0 =	sand.u32 $0x1, s1  }
0x8c: {  	s17 =	sshll.u32 s0, $0xA;
	s2 =	sadd.s32 s3, s2  }
0x8d: {  	s2 =	sadd.s32 s2, s17  }
0x8e: {  	[smem:$0x3FC5] =	sst s2  }
0x8f: {  	_ = 	snop  }
0x90: {  	s2 =	sld [smem:$0x3FC7]  }
0x91: {  	s18 =	sld [smem:$0x3FD0];
	(tm) =	ssettm $0x1  }
0x92: {  	s4 =	sld [smem:$0x3FFB];
	_ =	sdelay $0x3  }
0x93: {  	_ =	strace s4  }
0x94: {  	s4 =	sld [smem:$0x3FFC];
	_ =	sdelay $0x3  }
0x95: {  	_ =	strace s4  }
0x96: {  	s4 =	sld [smem:$0x3FFD];
	_ =	sdelay $0x3  }
0x97: {  	_ =	strace s4  }
0x98: {  	_ =	strace $0x8FFFFFFF  }
0x99: {  	s19 =	sld [smem:$0x3FDB];
	_ =	sdelay $0x1  }
0x9a: {  	s5 =	simm.s32 $_scs_section_size  }
0x9b: {  	s6 =	simm.s32 $_size__tile_overlayer_lowered;
	s7 =	simm.s32 $_tile_overlayer_lowered  }
0x9c: {  	s22 =	simm.s32 $0x1BFF;
	s21 =	sshll.u32 s7, $0x1;
	s4 =	sadd.s32 s5, s19  }
0x9d: {  	s8 =	simm.s32 $0x0;
	s20 =	sshll.u32 s6, $0x1;
	s6 =	sadd.s32 s21, s4  }
0x9e: {  	[timem:s8], [sflag:s22] =	dma.local [hbm:s6], s20  }
0x9f: {  	_ =	swait.ge [sflag:s22], s20  }
0xa0: {  	s5 =	ssub.s32 $0x0, s20;
	[sflag:s22] =	ssyncset.done $0x0  }
0xa1: {  	[sflag:s22] =	ssyncadd.s32 s5;
	_ =	sdelay $0x1  }
0xa2: {  	s23 =	simm.s32 $0x1B8B  }
0xa3: {  	_ =	swait.ge [sflag:s23], $0x1  }
0xa4: {  	[sflag:s23] =	ssyncset.done $0x0  }
0xa5: {  	s25 =	simm.s32 $0x1B8E;
	s24 =	sld [smem:$0x3FFE];
	[sflag:s23] =	ssyncadd.s32 $0xFFFFFFFF  }
0xa6: {  	s26 =	simm.s32 $execute0_lowered;
	[smem:$0x3FD2] =	sst s25  }
0xa7: {  	s6 =	sshll.u32 s26, $0x1;
	_ =	strace $0x80000046;
	[dreg:$0x1] =	wrdreg $0xFFFFFFFF  }
0xa8: {  	s28 =	simm.s32 $_size_execute0_lowered;
	s4 =	sadd.s32 s4, s6;
	[dreg:$0x0] =	wrdreg $0x0  }
0xa9: {  	s6 =	sshll.u32 s28, $0x1;
	[dreg:$0x2] =	wrdreg s4  }
0xaa: {  	[dreg:$0x3] =	wrdreg s6  }
0xab: {  	[dreg:$0x4] =	wrdreg $0xC0  }
0xac: {  	_ =	task [dreg:s8], $0x5FFFF  }
0xad: {  	[dreg:$0x1] =	wrdreg $0xFFFFFFFF  }
0xae: {  	[dreg:$0x0] =	wrdreg $0x60  }
0xaf: {  	[dreg:$0x2] =	wrdreg s2  }
0xb0: {  	[dreg:$0x3] =	wrdreg s24  }
0xb1: {  	[dreg:$0x4] =	wrdreg s18  }
0xb2: {  	[dreg:$0x5] =	wrdreg $0x9  }
0xb3: {  	_ =	task.clear_ibuf [dreg:s8], $0x6FFFF;
	_ =	strace $0x90000046  }
0xb4: {  	s29 =	simm.s32 $0x9;
	_ =	strace $0x80000048  }
0xb5: {  	_ =	swait.ge [sflag:s29], $0x1  }
0xb6: {  	[sflag:s29] =	ssyncadd.s32 $0xFFFFFFFF  }
0xb7: {  	_ =	strace $0x90000048  }
0xb8: {  	_ =	sfence  }
0xb9: {  	s30 =	sld [smem:$0x0];
	_ =	sdelay $0x2  }
0xba: {  	s31 =	sshll.u32 s1, $0xD;
	s1 =	sshrl.u32 s1, $0x2  }
0xbb: {  	s3 =	sand.u32 $0x4000, s31;
	s1 =	sadd.s32 s1, s30  }
0xbc: {  	s0 =	sor.u32 s3, s0;
	s1 =	sshll.u32 s1, $0x11  }
0xbd: {  	s0 =	sor.u32 s1, s0  }
0xbe: {  	s0 =	sadd.s32 $0x8F2B, s0  }
0xbf: {  	[sflag:s0] =	ssyncadd.remote.s32 $0x1  }
0xc0: {  	_ =	sfence.sel $0xFFFF  }
0xc1: {  	[dreg:$0x0] =	wrdreg $0xFFFFFFFF;
	(pc) =	sbr.abs _section_cstart, $3  }
0xc2: {  	[dreg:$0x1] =	wrdreg $0xFFFFFFFF  }
0xc3: {  	_ =	task.clear_ibuf [dreg:s8], $0x2FFFF;
	_ =	strace $0x9FFFFFFF  }
0xc4: {  	(tm) =	ssettm $0x7FFFFFFF  }
0xc5: {  	_ =	shalt  }
tec
execute0_lowered:
.L_overlay_start_1:
0x0: {  	(tag) =	ssettag $0x1  }
0x1: {  	s1 =	rddreg [dreg:$0x0]  }
0x2: {  	s4 =	rddreg [dreg:$0x1]  }
0x3: {  	s5 =	rddreg [dreg:$0x2]  }
0x4: {  	s0 =	rddreg [dreg:$0x3]  }
0x5: {  	s6 =	srdreg.scid;
	s2 =	stileid.u32  }
0x6: {  	s3 =	simm.s32 $0x0;
	s6 =	sand.u32 $0x1, s6;
	s7 =	sshll.u32 s2, $0x1  }
0x7: {  	[smem:$0x7FF] =	sst s3;
	s7 =	sor.u32 s6, s7;
	s6 =	ssub.s32 $0x2, s6  }
0x8: {  	_ =	strace $0x80000047;
	s8 =	sshll.u32 s7, $0x6;
	s9 =	sshrl.u32 s6, $0x1  }
0x9: {  	s7 =	sshll.u32 s7, $0x8;
	s4 =	sadd.s32 s8, s4;
	s6 =	ssub.s32 s6, s9  }
0xa: {  	s5 =	sadd.s32 s5, s7;
	s7 =	simm.s32 $0x1;
	s8 =	simm.s32 $0x800  }
0xb: {  	s9 =	simm.s32 $0xA00;
	s4 =	sadd.s32 $0xA00, s4;
	s6 =	smax.u32 s6, $0x1  }
.LBB2_1:
0xc: {  	[tilespmem:s3], [sflag:$0x1] =	stream.linear.gather [hbm4b:s1+s3], $0x800, $0x38;
	[tilespmem:$0x1200] =	vst v63  }
0xd: {  	_ =	swait.ge [sflag:s7], $0x800  }
0xe: {  	[sflag:s7] =	ssyncset.done $0x0  }
0xf: {  	[sflag:s7] =	ssyncadd.s32 $0xFFFFF800  }
0x10: {  	[tilespmem:s8], [sflag:$0x1] =	stream.linear.gather [hbm4b:s4+s3], $0x200, $0x38;
	[tilespmem:$0x1200] =	vst v63  }
0x11: {  	_ =	swait.ge [sflag:s7], $0x200  }
0x12: {  	[sflag:s7] =	ssyncset.done $0x0  }
0x13: {  	[sflag:s7] =	ssyncadd.s32 $0xFFFFFE00  }
0x14: {  	v0 =	vld [tilespmem:$0x800];
	_ =	sdelay $0x4  }
0x15: {  	v1 =	vshll.u32 v0, $0x2  }
0x16: {  	v0 =	vand.u32 $0x7F, v0;
	v1 =	vand.u32 $0xFFFFFE00, v1  }
0x17: {  	v0 =	vor.u32 v0, v1;
	_ =	sdelay $0x4  }
0x18: {  	v1 =	vld.idx.msk [tilespmem:v0+s3+$0x0], $0xffff  }
0x19: {  	v2 =	vor.u32 $0x80, v0;
	_ =	sdelay $0x3  }
0x1a: {  	[tilespmem:$0xA00] =	vst v1  }
0x1b: {  	v1 =	vld.idx.msk [tilespmem:v2+s3+$0x0], $0xffff  }
0x1c: {  	v30 =	vor.u32 $0x100, v0;
	_ =	sdelay $0x3  }
0x1d: {  	v31 =	vld [tilespmem:$0x810];
	[tilespmem:$0xA80] =	vst v1  }
0x1e: {  	v1 =	vld.idx.msk [tilespmem:v30+s3+$0x0], $0xffff  }
0x1f: {  	v0 =	vor.u32 $0x180, v0;
	_ =	sdelay $0x3  }
0x20: {  	v32 =	vshll.u32 v31, $0x2;
	[tilespmem:$0xB00] =	vst v1  }
0x21: {  	v2 =	vand.u32 $0x7F, v31;
	v1 =	vand.u32 $0xFFFFFE00, v32;
	v0 =	vld.idx.msk [tilespmem:v0+s3+$0x0], $0xffff  }
0x22: {  	v1 =	vor.u32 v2, v1;
	_ =	sdelay $0x3  }
0x23: {  	[tilespmem:$0xB80] =	vst v0  }
0x24: {  	v0 =	vld.idx.msk [tilespmem:v1+s3+$0x0], $0xffff  }
0x25: {  	v2 =	vor.u32 $0x80, v1;
	_ =	sdelay $0x3  }
0x26: {  	[tilespmem:$0xA10] =	vst v0  }
0x27: {  	v0 =	vld.idx.msk [tilespmem:v2+s3+$0x0], $0xffff  }
0x28: {  	v33 =	vor.u32 $0x100, v1;
	_ =	sdelay $0x3  }
0x29: {  	v34 =	vld [tilespmem:$0x820];
	[tilespmem:$0xA90] =	vst v0  }
0x2a: {  	v0 =	vld.idx.msk [tilespmem:v33+s3+$0x0], $0xffff  }
0x2b: {  	v1 =	vor.u32 $0x180, v1;
	_ =	sdelay $0x3  }
0x2c: {  	v35 =	vshll.u32 v34, $0x2;
	[tilespmem:$0xB10] =	vst v0  }
0x2d: {  	v2 =	vand.u32 $0x7F, v34;
	v0 =	vand.u32 $0xFFFFFE00, v35;
	v1 =	vld.idx.msk [tilespmem:v1+s3+$0x0], $0xffff  }
0x2e: {  	v0 =	vor.u32 v2, v0;
	_ =	sdelay $0x3  }
0x2f: {  	[tilespmem:$0xB90] =	vst v1  }
0x30: {  	v1 =	vld.idx.msk [tilespmem:v0+s3+$0x0], $0xffff  }
0x31: {  	v2 =	vor.u32 $0x80, v0;
	_ =	sdelay $0x3  }
0x32: {  	[tilespmem:$0xA20] =	vst v1  }
0x33: {  	v1 =	vld.idx.msk [tilespmem:v2+s3+$0x0], $0xffff  }
0x34: {  	v36 =	vor.u32 $0x100, v0;
	_ =	sdelay $0x3  }
0x35: {  	v37 =	vld [tilespmem:$0x830];
	[tilespmem:$0xAA0] =	vst v1  }
0x36: {  	v1 =	vld.idx.msk [tilespmem:v36+s3+$0x0], $0xffff  }
0x37: {  	v0 =	vor.u32 $0x180, v0;
	_ =	sdelay $0x3  }
0x38: {  	v38 =	vshll.u32 v37, $0x2;
	[tilespmem:$0xB20] =	vst v1  }
0x39: {  	v2 =	vand.u32 $0x7F, v37;
	v1 =	vand.u32 $0xFFFFFE00, v38;
	v0 =	vld.idx.msk [tilespmem:v0+s3+$0x0], $0xffff  }
0x3a: {  	v1 =	vor.u32 v2, v1;
	_ =	sdelay $0x3  }
0x3b: {  	[tilespmem:$0xBA0] =	vst v0  }
0x3c: {  	v0 =	vld.idx.msk [tilespmem:v1+s3+$0x0], $0xffff  }
0x3d: {  	v2 =	vor.u32 $0x80, v1;
	_ =	sdelay $0x3  }
0x3e: {  	[tilespmem:$0xA30] =	vst v0  }
0x3f: {  	v0 =	vld.idx.msk [tilespmem:v2+s3+$0x0], $0xffff  }
0x40: {  	v39 =	vor.u32 $0x100, v1;
	_ =	sdelay $0x3  }
0x41: {  	v40 =	vld [tilespmem:$0x840];
	[tilespmem:$0xAB0] =	vst v0  }
0x42: {  	v0 =	vld.idx.msk [tilespmem:v39+s3+$0x0], $0xffff  }
0x43: {  	v1 =	vor.u32 $0x180, v1;
	_ =	sdelay $0x3  }
0x44: {  	v41 =	vshll.u32 v40, $0x2;
	[tilespmem:$0xB30] =	vst v0  }
0x45: {  	v2 =	vand.u32 $0x7F, v40;
	v0 =	vand.u32 $0xFFFFFE00, v41;
	v1 =	vld.idx.msk [tilespmem:v1+s3+$0x0], $0xffff  }
0x46: {  	v0 =	vor.u32 v2, v0;
	_ =	sdelay $0x3  }
0x47: {  	[tilespmem:$0xBB0] =	vst v1  }
0x48: {  	v1 =	vld.idx.msk [tilespmem:v0+s3+$0x0], $0xffff  }
0x49: {  	v2 =	vor.u32 $0x80, v0;
	_ =	sdelay $0x3  }
0x4a: {  	[tilespmem:$0xA40] =	vst v1  }
0x4b: {  	v1 =	vld.idx.msk [tilespmem:v2+s3+$0x0], $0xffff  }
0x4c: {  	v42 =	vor.u32 $0x100, v0;
	_ =	sdelay $0x3  }
0x4d: {  	v43 =	vld [tilespmem:$0x850];
	[tilespmem:$0xAC0] =	vst v1  }
0x4e: {  	v1 =	vld.idx.msk [tilespmem:v42+s3+$0x0], $0xffff  }
0x4f: {  	v0 =	vor.u32 $0x180, v0;
	_ =	sdelay $0x3  }
0x50: {  	v44 =	vshll.u32 v43, $0x2;
	[tilespmem:$0xB40] =	vst v1  }
0x51: {  	v2 =	vand.u32 $0x7F, v43;
	v1 =	vand.u32 $0xFFFFFE00, v44;
	v0 =	vld.idx.msk [tilespmem:v0+s3+$0x0], $0xffff  }
0x52: {  	v1 =	vor.u32 v2, v1;
	_ =	sdelay $0x3  }
0x53: {  	[tilespmem:$0xBC0] =	vst v0  }
0x54: {  	v0 =	vld.idx.msk [tilespmem:v1+s3+$0x0], $0xffff  }
0x55: {  	v2 =	vor.u32 $0x80, v1;
	_ =	sdelay $0x3  }
0x56: {  	[tilespmem:$0xA50] =	vst v0  }
0x57: {  	v0 =	vld.idx.msk [tilespmem:v2+s3+$0x0], $0xffff  }
0x58: {  	v45 =	vor.u32 $0x100, v1;
	_ =	sdelay $0x3  }
0x59: {  	v46 =	vld [tilespmem:$0x860];
	[tilespmem:$0xAD0] =	vst v0  }
0x5a: {  	v0 =	vld.idx.msk [tilespmem:v45+s3+$0x0], $0xffff  }
0x5b: {  	v1 =	vor.u32 $0x180, v1;
	_ =	sdelay $0x3  }
0x5c: {  	v47 =	vshll.u32 v46, $0x2;
	[tilespmem:$0xB50] =	vst v0  }
0x5d: {  	v2 =	vand.u32 $0x7F, v46;
	v0 =	vand.u32 $0xFFFFFE00, v47;
	v1 =	vld.idx.msk [tilespmem:v1+s3+$0x0], $0xffff  }
0x5e: {  	v0 =	vor.u32 v2, v0;
	_ =	sdelay $0x3  }
0x5f: {  	[tilespmem:$0xBD0] =	vst v1  }
0x60: {  	v1 =	vld.idx.msk [tilespmem:v0+s3+$0x0], $0xffff  }
0x61: {  	v2 =	vor.u32 $0x80, v0;
	_ =	sdelay $0x3  }
0x62: {  	[tilespmem:$0xA60] =	vst v1  }
0x63: {  	v1 =	vld.idx.msk [tilespmem:v2+s3+$0x0], $0xffff  }
0x64: {  	v48 =	vor.u32 $0x100, v0;
	_ =	sdelay $0x3  }
0x65: {  	v49 =	vld [tilespmem:$0x870];
	[tilespmem:$0xAE0] =	vst v1  }
0x66: {  	v1 =	vld.idx.msk [tilespmem:v48+s3+$0x0], $0xffff  }
0x67: {  	v0 =	vor.u32 $0x180, v0;
	_ =	sdelay $0x3  }
0x68: {  	v50 =	vshll.u32 v49, $0x2;
	[tilespmem:$0xB60] =	vst v1  }
0x69: {  	v2 =	vand.u32 $0x7F, v49;
	v1 =	vand.u32 $0xFFFFFE00, v50;
	v0 =	vld.idx.msk [tilespmem:v0+s3+$0x0], $0xffff  }
0x6a: {  	v1 =	vor.u32 v2, v1;
	_ =	sdelay $0x3  }
0x6b: {  	[tilespmem:$0xBE0] =	vst v0  }
0x6c: {  	v0 =	vld.idx.msk [tilespmem:v1+s3+$0x0], $0xffff  }
0x6d: {  	v2 =	vor.u32 $0x80, v1;
	_ =	sdelay $0x3  }
0x6e: {  	[tilespmem:$0xA70] =	vst v0  }
0x6f: {  	v0 =	vld.idx.msk [tilespmem:v2+s3+$0x0], $0xffff  }
0x70: {  	v51 =	vor.u32 $0x100, v1;
	_ =	sdelay $0x3  }
0x71: {  	v52 =	vld [tilespmem:$0x880];
	[tilespmem:$0xAF0] =	vst v0  }
0x72: {  	v0 =	vld.idx.msk [tilespmem:v51+s3+$0x0], $0xffff  }
0x73: {  	v1 =	vor.u32 $0x180, v1;
	_ =	sdelay $0x3  }
0x74: {  	v53 =	vshll.u32 v52, $0x2;
	[tilespmem:$0xB70] =	vst v0  }
0x75: {  	v2 =	vand.u32 $0x7F, v52;
	v0 =	vand.u32 $0xFFFFFE00, v53;
	v1 =	vld.idx.msk [tilespmem:v1+s3+$0x0], $0xffff  }
0x76: {  	v0 =	vor.u32 v2, v0;
	_ =	sdelay $0x3  }
0x77: {  	[tilespmem:$0xBF0] =	vst v1  }
0x78: {  	v1 =	vld.idx.msk [tilespmem:v0+s3+$0x0], $0xffff  }
0x79: {  	v2 =	vor.u32 $0x80, v0;
	_ =	sdelay $0x3  }
0x7a: {  	[tilespmem:$0xC00] =	vst v1  }
0x7b: {  	v1 =	vld.idx.msk [tilespmem:v2+s3+$0x0], $0xffff  }
0x7c: {  	v54 =	vor.u32 $0x100, v0;
	_ =	sdelay $0x3  }
0x7d: {  	v55 =	vld [tilespmem:$0x890];
	[tilespmem:$0xC80] =	vst v1  }
0x7e: {  	v1 =	vld.idx.msk [tilespmem:v54+s3+$0x0], $0xffff  }
0x7f: {  	v0 =	vor.u32 $0x180, v0;
	_ =	sdelay $0x3  }
0x80: {  	v56 =	vshll.u32 v55, $0x2;
	[tilespmem:$0xD00] =	vst v1  }
0x81: {  	v2 =	vand.u32 $0x7F, v55;
	v1 =	vand.u32 $0xFFFFFE00, v56;
	v0 =	vld.idx.msk [tilespmem:v0+s3+$0x0], $0xffff  }
0x82: {  	v1 =	vor.u32 v2, v1;
	_ =	sdelay $0x3  }
0x83: {  	[tilespmem:$0xD80] =	vst v0  }
0x84: {  	v0 =	vld.idx.msk [tilespmem:v1+s3+$0x0], $0xffff  }
0x85: {  	v2 =	vor.u32 $0x80, v1;
	_ =	sdelay $0x3  }
0x86: {  	[tilespmem:$0xC10] =	vst v0  }
0x87: {  	v0 =	vld.idx.msk [tilespmem:v2+s3+$0x0], $0xffff  }
0x88: {  	v57 =	vor.u32 $0x100, v1;
	_ =	sdelay $0x3  }
0x89: {  	v58 =	vld [tilespmem:$0x8A0];
	[tilespmem:$0xC90] =	vst v0  }
0x8a: {  	v0 =	vld.idx.msk [tilespmem:v57+s3+$0x0], $0xffff  }
0x8b: {  	v1 =	vor.u32 $0x180, v1;
	_ =	sdelay $0x3  }
0x8c: {  	v59 =	vshll.u32 v58, $0x2;
	[tilespmem:$0xD10] =	vst v0  }
0x8d: {  	v2 =	vand.u32 $0x7F, v58;
	v0 =	vand.u32 $0xFFFFFE00, v59;
	v1 =	vld.idx.msk [tilespmem:v1+s3+$0x0], $0xffff  }
0x8e: {  	v0 =	vor.u32 v2, v0;
	_ =	sdelay $0x3  }
0x8f: {  	[tilespmem:$0xD90] =	vst v1  }
0x90: {  	v1 =	vld.idx.msk [tilespmem:v0+s3+$0x0], $0xffff  }
0x91: {  	v2 =	vor.u32 $0x80, v0;
	_ =	sdelay $0x3  }
0x92: {  	[tilespmem:$0xC20] =	vst v1  }
0x93: {  	v1 =	vld.idx.msk [tilespmem:v2+s3+$0x0], $0xffff  }
0x94: {  	v60 =	vor.u32 $0x100, v0;
	_ =	sdelay $0x3  }
0x95: {  	v61 =	vld [tilespmem:$0x8B0];
	[tilespmem:$0xCA0] =	vst v1  }
0x96: {  	v1 =	vld.idx.msk [tilespmem:v60+s3+$0x0], $0xffff  }
0x97: {  	v0 =	vor.u32 $0x180, v0;
	_ =	sdelay $0x3  }
0x98: {  	v62 =	vshll.u32 v61, $0x2;
	[tilespmem:$0xD20] =	vst v1  }
0x99: {  	v2 =	vand.u32 $0x7F, v61;
	v1 =	vand.u32 $0xFFFFFE00, v62;
	v0 =	vld.idx.msk [tilespmem:v0+s3+$0x0], $0xffff  }
0x9a: {  	v1 =	vor.u32 v2, v1;
	_ =	sdelay $0x3  }
0x9b: {  	[tilespmem:$0xDA0] =	vst v0  }
0x9c: {  	v0 =	vld.idx.msk [tilespmem:v1+s3+$0x0], $0xffff  }
0x9d: {  	v2 =	vor.u32 $0x80, v1;
	_ =	sdelay $0x3  }
0x9e: {  	[tilespmem:$0xC30] =	vst v0  }
0x9f: {  	v0 =	vld.idx.msk [tilespmem:v2+s3+$0x0], $0xffff  }
0xa0: {  	v63 =	vor.u32 $0x100, v1;
	_ =	sdelay $0x3  }
0xa1: {  	v4 =	vld [tilespmem:$0x8C0];
	[tilespmem:$0xCB0] =	vst v0  }
0xa2: {  	v0 =	vld.idx.msk [tilespmem:v63+s3+$0x0], $0xffff  }
0xa3: {  	v1 =	vor.u32 $0x180, v1;
	_ =	sdelay $0x3  }
0xa4: {  	v5 =	vshll.u32 v4, $0x2;
	[tilespmem:$0xD30] =	vst v0  }
0xa5: {  	v2 =	vand.u32 $0x7F, v4;
	v0 =	vand.u32 $0xFFFFFE00, v5;
	v1 =	vld.idx.msk [tilespmem:v1+s3+$0x0], $0xffff  }
0xa6: {  	v0 =	vor.u32 v2, v0;
	_ =	sdelay $0x3  }
0xa7: {  	[tilespmem:$0xDB0] =	vst v1  }
0xa8: {  	v1 =	vld.idx.msk [tilespmem:v0+s3+$0x0], $0xffff  }
0xa9: {  	v2 =	vor.u32 $0x80, v0;
	_ =	sdelay $0x3  }
0xaa: {  	[tilespmem:$0xC40] =	vst v1  }
0xab: {  	v1 =	vld.idx.msk [tilespmem:v2+s3+$0x0], $0xffff  }
0xac: {  	v6 =	vor.u32 $0x100, v0;
	_ =	sdelay $0x3  }
0xad: {  	v7 =	vld [tilespmem:$0x8D0];
	[tilespmem:$0xCC0] =	vst v1  }
0xae: {  	v1 =	vld.idx.msk [tilespmem:v6+s3+$0x0], $0xffff  }
0xaf: {  	v0 =	vor.u32 $0x180, v0;
	_ =	sdelay $0x3  }
0xb0: {  	v8 =	vshll.u32 v7, $0x2;
	[tilespmem:$0xD40] =	vst v1  }
0xb1: {  	v2 =	vand.u32 $0x7F, v7;
	v1 =	vand.u32 $0xFFFFFE00, v8;
	v0 =	vld.idx.msk [tilespmem:v0+s3+$0x0], $0xffff  }
0xb2: {  	v1 =	vor.u32 v2, v1;
	_ =	sdelay $0x3  }
0xb3: {  	[tilespmem:$0xDC0] =	vst v0  }
0xb4: {  	v0 =	vld.idx.msk [tilespmem:v1+s3+$0x0], $0xffff  }
0xb5: {  	v2 =	vor.u32 $0x80, v1;
	_ =	sdelay $0x3  }
0xb6: {  	[tilespmem:$0xC50] =	vst v0  }
0xb7: {  	v0 =	vld.idx.msk [tilespmem:v2+s3+$0x0], $0xffff  }
0xb8: {  	v9 =	vor.u32 $0x100, v1;
	_ =	sdelay $0x3  }
0xb9: {  	v10 =	vld [tilespmem:$0x8E0];
	[tilespmem:$0xCD0] =	vst v0  }
0xba: {  	v0 =	vld.idx.msk [tilespmem:v9+s3+$0x0], $0xffff  }
0xbb: {  	v1 =	vor.u32 $0x180, v1;
	_ =	sdelay $0x3  }
0xbc: {  	v11 =	vshll.u32 v10, $0x2;
	[tilespmem:$0xD50] =	vst v0  }
0xbd: {  	v2 =	vand.u32 $0x7F, v10;
	v0 =	vand.u32 $0xFFFFFE00, v11;
	v1 =	vld.idx.msk [tilespmem:v1+s3+$0x0], $0xffff  }
0xbe: {  	v0 =	vor.u32 v2, v0;
	_ =	sdelay $0x3  }
0xbf: {  	[tilespmem:$0xDD0] =	vst v1  }
0xc0: {  	v1 =	vld.idx.msk [tilespmem:v0+s3+$0x0], $0xffff  }
0xc1: {  	v2 =	vor.u32 $0x80, v0;
	_ =	sdelay $0x3  }
0xc2: {  	[tilespmem:$0xC60] =	vst v1  }
0xc3: {  	v1 =	vld.idx.msk [tilespmem:v2+s3+$0x0], $0xffff  }
0xc4: {  	v12 =	vor.u32 $0x100, v0;
	_ =	sdelay $0x3  }
0xc5: {  	v13 =	vld [tilespmem:$0x8F0];
	[tilespmem:$0xCE0] =	vst v1  }
0xc6: {  	v1 =	vld.idx.msk [tilespmem:v12+s3+$0x0], $0xffff  }
0xc7: {  	v0 =	vor.u32 $0x180, v0;
	_ =	sdelay $0x3  }
0xc8: {  	v14 =	vshll.u32 v13, $0x2;
	[tilespmem:$0xD60] =	vst v1  }
0xc9: {  	v2 =	vand.u32 $0x7F, v13;
	v1 =	vand.u32 $0xFFFFFE00, v14;
	v0 =	vld.idx.msk [tilespmem:v0+s3+$0x0], $0xffff  }
0xca: {  	v1 =	vor.u32 v2, v1;
	_ =	sdelay $0x3  }
0xcb: {  	[tilespmem:$0xDE0] =	vst v0  }
0xcc: {  	v0 =	vld.idx.msk [tilespmem:v1+s3+$0x0], $0xffff  }
0xcd: {  	v2 =	vor.u32 $0x80, v1;
	_ =	sdelay $0x3  }
0xce: {  	[tilespmem:$0xC70] =	vst v0  }
0xcf: {  	v0 =	vld.idx.msk [tilespmem:v2+s3+$0x0], $0xffff  }
0xd0: {  	v15 =	vor.u32 $0x100, v1;
	_ =	sdelay $0x3  }
0xd1: {  	v16 =	vld [tilespmem:$0x900];
	[tilespmem:$0xCF0] =	vst v0  }
0xd2: {  	v0 =	vld.idx.msk [tilespmem:v15+s3+$0x0], $0xffff  }
0xd3: {  	v1 =	vor.u32 $0x180, v1;
	_ =	sdelay $0x3  }
0xd4: {  	v17 =	vshll.u32 v16, $0x2;
	[tilespmem:$0xD70] =	vst v0  }
0xd5: {  	v2 =	vand.u32 $0x7F, v16;
	v0 =	vand.u32 $0xFFFFFE00, v17;
	v1 =	vld.idx.msk [tilespmem:v1+s3+$0x0], $0xffff  }
0xd6: {  	v0 =	vor.u32 v2, v0;
	_ =	sdelay $0x3  }
0xd7: {  	[tilespmem:$0xDF0] =	vst v1  }
0xd8: {  	v1 =	vld.idx.msk [tilespmem:v0+s3+$0x0], $0xffff  }
0xd9: {  	v2 =	vor.u32 $0x80, v0;
	_ =	sdelay $0x3  }
0xda: {  	[tilespmem:$0xE00] =	vst v1  }
0xdb: {  	v1 =	vld.idx.msk [tilespmem:v2+s3+$0x0], $0xffff  }
0xdc: {  	v18 =	vor.u32 $0x100, v0;
	_ =	sdelay $0x3  }
0xdd: {  	v19 =	vld [tilespmem:$0x910];
	[tilespmem:$0xE80] =	vst v1  }
0xde: {  	v1 =	vld.idx.msk [tilespmem:v18+s3+$0x0], $0xffff  }
0xdf: {  	v0 =	vor.u32 $0x180, v0;
	_ =	sdelay $0x3  }
0xe0: {  	v20 =	vshll.u32 v19, $0x2;
	[tilespmem:$0xF00] =	vst v1  }
0xe1: {  	v2 =	vand.u32 $0x7F, v19;
	v1 =	vand.u32 $0xFFFFFE00, v20;
	v0 =	vld.idx.msk [tilespmem:v0+s3+$0x0], $0xffff  }
0xe2: {  	v1 =	vor.u32 v2, v1;
	_ =	sdelay $0x3  }
0xe3: {  	[tilespmem:$0xF80] =	vst v0  }
0xe4: {  	v0 =	vld.idx.msk [tilespmem:v1+s3+$0x0], $0xffff  }
0xe5: {  	v2 =	vor.u32 $0x80, v1;
	_ =	sdelay $0x3  }
0xe6: {  	[tilespmem:$0xE10] =	vst v0  }
0xe7: {  	v0 =	vld.idx.msk [tilespmem:v2+s3+$0x0], $0xffff  }
0xe8: {  	v21 =	vor.u32 $0x100, v1;
	_ =	sdelay $0x3  }
0xe9: {  	v22 =	vld [tilespmem:$0x920];
	[tilespmem:$0xE90] =	vst v0  }
0xea: {  	v0 =	vld.idx.msk [tilespmem:v21+s3+$0x0], $0xffff  }
0xeb: {  	v1 =	vor.u32 $0x180, v1;
	_ =	sdelay $0x3  }
0xec: {  	v23 =	vshll.u32 v22, $0x2;
	[tilespmem:$0xF10] =	vst v0  }
0xed: {  	v2 =	vand.u32 $0x7F, v22;
	v0 =	vand.u32 $0xFFFFFE00, v23;
	v1 =	vld.idx.msk [tilespmem:v1+s3+$0x0], $0xffff  }
0xee: {  	v0 =	vor.u32 v2, v0;
	_ =	sdelay $0x3  }
0xef: {  	[tilespmem:$0xF90] =	vst v1  }
0xf0: {  	v1 =	vld.idx.msk [tilespmem:v0+s3+$0x0], $0xffff  }
0xf1: {  	v2 =	vor.u32 $0x80, v0;
	_ =	sdelay $0x3  }
0xf2: {  	[tilespmem:$0xE20] =	vst v1  }
0xf3: {  	v1 =	vld.idx.msk [tilespmem:v2+s3+$0x0], $0xffff  }
0xf4: {  	v24 =	vor.u32 $0x100, v0;
	_ =	sdelay $0x3  }
0xf5: {  	v25 =	vld [tilespmem:$0x930];
	[tilespmem:$0xEA0] =	vst v1  }
0xf6: {  	v1 =	vld.idx.msk [tilespmem:v24+s3+$0x0], $0xffff  }
0xf7: {  	v0 =	vor.u32 $0x180, v0;
	_ =	sdelay $0x3  }
0xf8: {  	v26 =	vshll.u32 v25, $0x2;
	[tilespmem:$0xF20] =	vst v1  }
0xf9: {  	v2 =	vand.u32 $0x7F, v25;
	v1 =	vand.u32 $0xFFFFFE00, v26;
	v0 =	vld.idx.msk [tilespmem:v0+s3+$0x0], $0xffff  }
0xfa: {  	v1 =	vor.u32 v2, v1;
	_ =	sdelay $0x3  }
0xfb: {  	[tilespmem:$0xFA0] =	vst v0  }
0xfc: {  	v0 =	vld.idx.msk [tilespmem:v1+s3+$0x0], $0xffff  }
0xfd: {  	v2 =	vor.u32 $0x80, v1;
	_ =	sdelay $0x3  }
0xfe: {  	[tilespmem:$0xE30] =	vst v0  }
0xff: {  	v0 =	vld.idx.msk [tilespmem:v2+s3+$0x0], $0xffff  }
0x100: {  	v27 =	vor.u32 $0x100, v1;
	_ =	sdelay $0x3  }
0x101: {  	v28 =	vld [tilespmem:$0x940];
	[tilespmem:$0xEB0] =	vst v0  }
0x102: {  	v0 =	vld.idx.msk [tilespmem:v27+s3+$0x0], $0xffff  }
0x103: {  	v1 =	vor.u32 $0x180, v1;
	_ =	sdelay $0x3  }
0x104: {  	v29 =	vshll.u32 v28, $0x2;
	[tilespmem:$0xF30] =	vst v0  }
0x105: {  	v2 =	vand.u32 $0x7F, v28;
	v0 =	vand.u32 $0xFFFFFE00, v29;
	v1 =	vld.idx.msk [tilespmem:v1+s3+$0x0], $0xffff  }
0x106: {  	v0 =	vor.u32 v2, v0;
	_ =	sdelay $0x3  }
0x107: {  	[tilespmem:$0xFB0] =	vst v1  }
0x108: {  	v1 =	vld.idx.msk [tilespmem:v0+s3+$0x0], $0xffff  }
0x109: {  	v2 =	vor.u32 $0x80, v0;
	_ =	sdelay $0x3  }
0x10a: {  	[tilespmem:$0xE40] =	vst v1  }
0x10b: {  	v1 =	vld.idx.msk [tilespmem:v2+s3+$0x0], $0xffff  }
0x10c: {  	v30 =	vor.u32 $0x100, v0;
	_ =	sdelay $0x3  }
0x10d: {  	v31 =	vld [tilespmem:$0x950];
	[tilespmem:$0xEC0] =	vst v1  }
0x10e: {  	v1 =	vld.idx.msk [tilespmem:v30+s3+$0x0], $0xffff  }
0x10f: {  	v0 =	vor.u32 $0x180, v0;
	_ =	sdelay $0x3  }
0x110: {  	v32 =	vshll.u32 v31, $0x2;
	[tilespmem:$0xF40] =	vst v1  }
0x111: {  	v2 =	vand.u32 $0x7F, v31;
	v1 =	vand.u32 $0xFFFFFE00, v32;
	v0 =	vld.idx.msk [tilespmem:v0+s3+$0x0], $0xffff  }
0x112: {  	v1 =	vor.u32 v2, v1;
	_ =	sdelay $0x3  }
0x113: {  	[tilespmem:$0xFC0] =	vst v0  }
0x114: {  	v0 =	vld.idx.msk [tilespmem:v1+s3+$0x0], $0xffff  }
0x115: {  	v2 =	vor.u32 $0x80, v1;
	_ =	sdelay $0x3  }
0x116: {  	[tilespmem:$0xE50] =	vst v0  }
0x117: {  	v0 =	vld.idx.msk [tilespmem:v2+s3+$0x0], $0xffff  }
0x118: {  	v33 =	vor.u32 $0x100, v1;
	_ =	sdelay $0x3  }
0x119: {  	v34 =	vld [tilespmem:$0x960];
	[tilespmem:$0xED0] =	vst v0  }
0x11a: {  	v0 =	vld.idx.msk [tilespmem:v33+s3+$0x0], $0xffff  }
0x11b: {  	v1 =	vor.u32 $0x180, v1;
	_ =	sdelay $0x3  }
0x11c: {  	v35 =	vshll.u32 v34, $0x2;
	[tilespmem:$0xF50] =	vst v0  }
0x11d: {  	v2 =	vand.u32 $0x7F, v34;
	v0 =	vand.u32 $0xFFFFFE00, v35;
	v1 =	vld.idx.msk [tilespmem:v1+s3+$0x0], $0xffff  }
0x11e: {  	v0 =	vor.u32 v2, v0;
	_ =	sdelay $0x3  }
0x11f: {  	[tilespmem:$0xFD0] =	vst v1  }
0x120: {  	v1 =	vld.idx.msk [tilespmem:v0+s3+$0x0], $0xffff  }
0x121: {  	v2 =	vor.u32 $0x80, v0;
	_ =	sdelay $0x3  }
0x122: {  	[tilespmem:$0xE60] =	vst v1  }
0x123: {  	v1 =	vld.idx.msk [tilespmem:v2+s3+$0x0], $0xffff  }
0x124: {  	v36 =	vor.u32 $0x100, v0;
	_ =	sdelay $0x3  }
0x125: {  	v37 =	vld [tilespmem:$0x970];
	[tilespmem:$0xEE0] =	vst v1  }
0x126: {  	v1 =	vld.idx.msk [tilespmem:v36+s3+$0x0], $0xffff  }
0x127: {  	v0 =	vor.u32 $0x180, v0;
	_ =	sdelay $0x3  }
0x128: {  	v38 =	vshll.u32 v37, $0x2;
	[tilespmem:$0xF60] =	vst v1  }
0x129: {  	v2 =	vand.u32 $0x7F, v37;
	v1 =	vand.u32 $0xFFFFFE00, v38;
	v0 =	vld.idx.msk [tilespmem:v0+s3+$0x0], $0xffff  }
0x12a: {  	v1 =	vor.u32 v2, v1;
	_ =	sdelay $0x3  }
0x12b: {  	[tilespmem:$0xFE0] =	vst v0  }
0x12c: {  	v0 =	vld.idx.msk [tilespmem:v1+s3+$0x0], $0xffff  }
0x12d: {  	v2 =	vor.u32 $0x80, v1;
	_ =	sdelay $0x3  }
0x12e: {  	[tilespmem:$0xE70] =	vst v0  }
0x12f: {  	v0 =	vld.idx.msk [tilespmem:v2+s3+$0x0], $0xffff  }
0x130: {  	v39 =	vor.u32 $0x100, v1;
	_ =	sdelay $0x3  }
0x131: {  	v40 =	vld [tilespmem:$0x980];
	[tilespmem:$0xEF0] =	vst v0  }
0x132: {  	v0 =	vld.idx.msk [tilespmem:v39+s3+$0x0], $0xffff  }
0x133: {  	v1 =	vor.u32 $0x180, v1;
	_ =	sdelay $0x3  }
0x134: {  	v41 =	vshll.u32 v40, $0x2;
	[tilespmem:$0xF70] =	vst v0  }
0x135: {  	v2 =	vand.u32 $0x7F, v40;
	v0 =	vand.u32 $0xFFFFFE00, v41;
	v1 =	vld.idx.msk [tilespmem:v1+s3+$0x0], $0xffff  }
0x136: {  	v0 =	vor.u32 v2, v0;
	_ =	sdelay $0x3  }
0x137: {  	[tilespmem:$0xFF0] =	vst v1  }
0x138: {  	v1 =	vld.idx.msk [tilespmem:v0+s3+$0x0], $0xffff  }
0x139: {  	v2 =	vor.u32 $0x80, v0;
	_ =	sdelay $0x3  }
0x13a: {  	[tilespmem:$0x1000] =	vst v1  }
0x13b: {  	v1 =	vld.idx.msk [tilespmem:v2+s3+$0x0], $0xffff  }
0x13c: {  	v42 =	vor.u32 $0x100, v0;
	_ =	sdelay $0x3  }
0x13d: {  	v43 =	vld [tilespmem:$0x990];
	[tilespmem:$0x1080] =	vst v1  }
0x13e: {  	v1 =	vld.idx.msk [tilespmem:v42+s3+$0x0], $0xffff  }
0x13f: {  	v0 =	vor.u32 $0x180, v0;
	_ =	sdelay $0x3  }
0x140: {  	v44 =	vshll.u32 v43, $0x2;
	[tilespmem:$0x1100] =	vst v1  }
0x141: {  	v2 =	vand.u32 $0x7F, v43;
	v1 =	vand.u32 $0xFFFFFE00, v44;
	v0 =	vld.idx.msk [tilespmem:v0+s3+$0x0], $0xffff  }
0x142: {  	v1 =	vor.u32 v2, v1;
	_ =	sdelay $0x3  }
0x143: {  	[tilespmem:$0x1180] =	vst v0  }
0x144: {  	v0 =	vld.idx.msk [tilespmem:v1+s3+$0x0], $0xffff  }
0x145: {  	v2 =	vor.u32 $0x80, v1;
	_ =	sdelay $0x3  }
0x146: {  	[tilespmem:$0x1010] =	vst v0  }
0x147: {  	v0 =	vld.idx.msk [tilespmem:v2+s3+$0x0], $0xffff  }
0x148: {  	v45 =	vor.u32 $0x100, v1;
	_ =	sdelay $0x3  }
0x149: {  	v46 =	vld [tilespmem:$0x9A0];
	[tilespmem:$0x1090] =	vst v0  }
0x14a: {  	v0 =	vld.idx.msk [tilespmem:v45+s3+$0x0], $0xffff  }
0x14b: {  	v1 =	vor.u32 $0x180, v1;
	_ =	sdelay $0x3  }
0x14c: {  	v47 =	vshll.u32 v46, $0x2;
	[tilespmem:$0x1110] =	vst v0  }
0x14d: {  	v2 =	vand.u32 $0x7F, v46;
	v0 =	vand.u32 $0xFFFFFE00, v47;
	v1 =	vld.idx.msk [tilespmem:v1+s3+$0x0], $0xffff  }
0x14e: {  	v0 =	vor.u32 v2, v0;
	_ =	sdelay $0x3  }
0x14f: {  	[tilespmem:$0x1190] =	vst v1  }
0x150: {  	v1 =	vld.idx.msk [tilespmem:v0+s3+$0x0], $0xffff  }
0x151: {  	v2 =	vor.u32 $0x80, v0;
	_ =	sdelay $0x3  }
0x152: {  	[tilespmem:$0x1020] =	vst v1  }
0x153: {  	v1 =	vld.idx.msk [tilespmem:v2+s3+$0x0], $0xffff  }
0x154: {  	v48 =	vor.u32 $0x100, v0;
	_ =	sdelay $0x3  }
0x155: {  	v49 =	vld [tilespmem:$0x9B0];
	[tilespmem:$0x10A0] =	vst v1  }
0x156: {  	v1 =	vld.idx.msk [tilespmem:v48+s3+$0x0], $0xffff  }
0x157: {  	v0 =	vor.u32 $0x180, v0;
	_ =	sdelay $0x3  }
0x158: {  	v50 =	vshll.u32 v49, $0x2;
	[tilespmem:$0x1120] =	vst v1  }
0x159: {  	v2 =	vand.u32 $0x7F, v49;
	v1 =	vand.u32 $0xFFFFFE00, v50;
	v0 =	vld.idx.msk [tilespmem:v0+s3+$0x0], $0xffff  }
0x15a: {  	v1 =	vor.u32 v2, v1;
	_ =	sdelay $0x3  }
0x15b: {  	[tilespmem:$0x11A0] =	vst v0  }
0x15c: {  	v0 =	vld.idx.msk [tilespmem:v1+s3+$0x0], $0xffff  }
0x15d: {  	v2 =	vor.u32 $0x80, v1;
	_ =	sdelay $0x3  }
0x15e: {  	[tilespmem:$0x1030] =	vst v0  }
0x15f: {  	v0 =	vld.idx.msk [tilespmem:v2+s3+$0x0], $0xffff  }
0x160: {  	v51 =	vor.u32 $0x100, v1;
	_ =	sdelay $0x3  }
0x161: {  	v52 =	vld [tilespmem:$0x9C0];
	[tilespmem:$0x10B0] =	vst v0  }
0x162: {  	v0 =	vld.idx.msk [tilespmem:v51+s3+$0x0], $0xffff  }
0x163: {  	v1 =	vor.u32 $0x180, v1;
	_ =	sdelay $0x3  }
0x164: {  	v53 =	vshll.u32 v52, $0x2;
	[tilespmem:$0x1130] =	vst v0  }
0x165: {  	v2 =	vand.u32 $0x7F, v52;
	v0 =	vand.u32 $0xFFFFFE00, v53;
	v1 =	vld.idx.msk [tilespmem:v1+s3+$0x0], $0xffff  }
0x166: {  	v0 =	vor.u32 v2, v0;
	_ =	sdelay $0x3  }
0x167: {  	[tilespmem:$0x11B0] =	vst v1  }
0x168: {  	v1 =	vld.idx.msk [tilespmem:v0+s3+$0x0], $0xffff  }
0x169: {  	v2 =	vor.u32 $0x80, v0;
	_ =	sdelay $0x3  }
0x16a: {  	[tilespmem:$0x1040] =	vst v1  }
0x16b: {  	v1 =	vld.idx.msk [tilespmem:v2+s3+$0x0], $0xffff  }
0x16c: {  	v54 =	vor.u32 $0x100, v0;
	_ =	sdelay $0x3  }
0x16d: {  	v55 =	vld [tilespmem:$0x9D0];
	[tilespmem:$0x10C0] =	vst v1  }
0x16e: {  	v1 =	vld.idx.msk [tilespmem:v54+s3+$0x0], $0xffff  }
0x16f: {  	v0 =	vor.u32 $0x180, v0;
	_ =	sdelay $0x3  }
0x170: {  	v56 =	vshll.u32 v55, $0x2;
	[tilespmem:$0x1140] =	vst v1  }
0x171: {  	v2 =	vand.u32 $0x7F, v55;
	v1 =	vand.u32 $0xFFFFFE00, v56;
	v0 =	vld.idx.msk [tilespmem:v0+s3+$0x0], $0xffff  }
0x172: {  	v1 =	vor.u32 v2, v1;
	_ =	sdelay $0x3  }
0x173: {  	[tilespmem:$0x11C0] =	vst v0  }
0x174: {  	v0 =	vld.idx.msk [tilespmem:v1+s3+$0x0], $0xffff  }
0x175: {  	v2 =	vor.u32 $0x80, v1;
	_ =	sdelay $0x3  }
0x176: {  	[tilespmem:$0x1050] =	vst v0  }
0x177: {  	v0 =	vld.idx.msk [tilespmem:v2+s3+$0x0], $0xffff  }
0x178: {  	v57 =	vor.u32 $0x100, v1;
	_ =	sdelay $0x3  }
0x179: {  	v58 =	vld [tilespmem:$0x9E0];
	[tilespmem:$0x10D0] =	vst v0  }
0x17a: {  	v0 =	vld.idx.msk [tilespmem:v57+s3+$0x0], $0xffff  }
0x17b: {  	v1 =	vor.u32 $0x180, v1;
	_ =	sdelay $0x3  }
0x17c: {  	v59 =	vshll.u32 v58, $0x2;
	[tilespmem:$0x1150] =	vst v0  }
0x17d: {  	v2 =	vand.u32 $0x7F, v58;
	v0 =	vand.u32 $0xFFFFFE00, v59;
	v1 =	vld.idx.msk [tilespmem:v1+s3+$0x0], $0xffff  }
0x17e: {  	v0 =	vor.u32 v2, v0;
	_ =	sdelay $0x3  }
0x17f: {  	[tilespmem:$0x11D0] =	vst v1  }
0x180: {  	v1 =	vld.idx.msk [tilespmem:v0+s3+$0x0], $0xffff  }
0x181: {  	v2 =	vor.u32 $0x80, v0;
	_ =	sdelay $0x3  }
0x182: {  	[tilespmem:$0x1060] =	vst v1  }
0x183: {  	v1 =	vld.idx.msk [tilespmem:v2+s3+$0x0], $0xffff  }
0x184: {  	v60 =	vor.u32 $0x100, v0;
	_ =	sdelay $0x3  }
0x185: {  	v61 =	vld [tilespmem:$0x9F0];
	[tilespmem:$0x10E0] =	vst v1  }
0x186: {  	v1 =	vld.idx.msk [tilespmem:v60+s3+$0x0], $0xffff  }
0x187: {  	v0 =	vor.u32 $0x180, v0;
	_ =	sdelay $0x3  }
0x188: {  	v62 =	vshll.u32 v61, $0x2;
	[tilespmem:$0x1160] =	vst v1  }
0x189: {  	v2 =	vand.u32 $0x7F, v61;
	v1 =	vand.u32 $0xFFFFFE00, v62;
	v0 =	vld.idx.msk [tilespmem:v0+s3+$0x0], $0xffff  }
0x18a: {  	v1 =	vor.u32 v2, v1;
	_ =	sdelay $0x3  }
0x18b: {  	[tilespmem:$0x11E0] =	vst v0  }
0x18c: {  	v0 =	vld.idx.msk [tilespmem:v1+s3+$0x0], $0xffff  }
0x18d: {  	v2 =	vor.u32 $0x80, v1;
	_ =	sdelay $0x3  }
0x18e: {  	[tilespmem:$0x1070] =	vst v0  }
0x18f: {  	v0 =	vld.idx.msk [tilespmem:v2+s3+$0x0], $0xffff  }
0x190: {  	v63 =	vor.u32 $0x100, v1;
	_ =	sdelay $0x3  }
0x191: {  	[tilespmem:$0x10F0] =	vst v0  }
0x192: {  	v0 =	vld.idx.msk [tilespmem:v63+s3+$0x0], $0xffff  }
0x193: {  	v1 =	vor.u32 $0x180, v1;
	_ =	sdelay $0x3  }
0x194: {  	[tilespmem:$0x1170] =	vst v0  }
0x195: {  	v0 =	vld.idx.msk [tilespmem:v1+s3+$0x0], $0xffff;
	_ =	sdelay $0x3  }
0x196: {  	p0 =	sne.s32 s6, $0x1  }
.Ltmp0:
0x197: {  	[tilespmem:$0x11F0] =	vst v0;
	(pc) =	sbr.rel @p0 .LBB2_1-.Ltmp0, $4  }
0x198: {  	[hbm4b:s5+s3] =	stream.linear.scatter [tilespmem:s9], [sflag:$0x1], $0x800, $0x38;
	[tilespmem:$0x1200] =	vst v63  }
0x199: {  	_ =	swait.ge [sflag:s7], $0x800  }
0x19a: {  	[sflag:s7] =	ssyncset.done $0x0  }
0x19b: {  	s6 =	sadd.s32 $0xFFFFFFFF, s6;
	[sflag:s7] =	ssyncadd.s32 $0xFFFFF800  }
0x19c: {  	_ =	sfence.sel $0x180000  }
0x19d: {  	[bflag:$0x0] =	sbarrier.arrive $0xFFFF  }
0x19e: {  	p0 =	sne.s32 s2, $0x0;
	_ =	strace $0x90000047  }
0x19f: {  	s0 =	sadd.s32 @!p0 $0x100000, s0;
	[bflag:$0x2] =	sbarrier.arrive $0xFFFF  }
0x1a0: {  	[sflag:s0] =	ssyncadd.tile.s32 @!p0 $0x1;
	_ =	shalt  }
.Lfunc_end2:
_tile_overlayer_lowered:
.L_overlay_start_2:
0x1a1: {  	(tag) =	ssettag $0x2  }
0x1a2: {  	s0 =	rddreg [dreg:$0x0];
	s2 =	stileid.u32  }
0x1a3: {  	s1 =	rddreg [dreg:$0x1];
	p0 =	sne.s32 s2, $0x0  }
0x1a4: {  	s3 =	rddreg [dreg:$0x2];
	[bflag:$0x3] =	sbarrier.arrive $0xFFFF;
	s2 =	simm.s32 @!p0 $0x1C01  }
0x1a5: {  	[timem:s3], [sflag:s2] =	dma.local @!p0 [hbm:s0], s1  }
0x1a6: {  	s0 =	simm.s32 @!p0 $0x1  }
0x1a7: {  	_ =	swait.ge @!p0 [sflag:s0], s1  }
0x1a8: {  	s1 =	ssub.s32 @!p0 $0x0, s1;
	[sflag:s0] =	ssyncset.done @!p0 $0x0  }
0x1a9: {  	[sflag:s0] =	ssyncadd.s32 @!p0 s1  }
0x1aa: {  	[bflag:$0x3] =	sbarrier.arrive $0xFFFF  }
0x1ab: {  	_ =	shalt  }

</sc_bundles>
